<compile_context>
chip_gen: v7x
topology: tpu7x:2x2x1
jax: 0.10.2.dev20260603
libtpu: 0.0.44.dev20260713+nightly
codegen_flags: <defaults>
</compile_context>

<pallas_src>
import functools

import jax
import jax.numpy as jnp
from jax import lax
from jax.experimental import pallas as pl
from jax.experimental.pallas import tpu as pltpu
from jax.experimental.pallas import tpu_sc as plsc

_MESH = plsc.VectorSubcoreMesh(core_axis_name="c", subcore_axis_name="s",
                               num_cores=1)


def _take(vec, idx):
    dnums = lax.GatherDimensionNumbers(
        offset_dims=(), collapsed_slice_dims=(0,), start_index_map=(0,))
    return lax.gather(vec, idx[:, None], dnums, slice_sizes=(1,),
                      mode=lax.GatherScatterMode.PROMISE_IN_BOUNDS)


def _hsum(vec):
    lane = lax.iota(jnp.int32, 16)
    for k in (8, 4, 2, 1):
        vec = vec + _take(vec, (lane + k) & 15)
    return vec


@functools.partial(
    pl.kernel,
    mesh=_MESH,
    out_type=jax.ShapeDtypeStruct((1,), jnp.float32),
    scratch_types=[
        pltpu.VMEM((16, 128), jnp.float32),
        pltpu.VMEM((16,), jnp.int32),
        pltpu.VMEM((16, 128), jnp.float32),
        pltpu.VMEM((16,), jnp.int32),
        pltpu.VMEM((16,), jnp.float32),
        pltpu.VMEM((16,), jnp.float32),
        pltpu.SemaphoreType.DMA,
        pltpu.SemaphoreType.DMA,
        pltpu.SemaphoreType.DMA,
        pltpu.SemaphoreType.DMA,
    ],
)
def _myloss_sc(node_hbm, clu_hbm, center_hbm, mask_hbm, mw_hbm, out_hbm,
               node_v, clu_v, ctr_v, mask_v, mw_v, stage_v,
               sem_node, sem_clu, sem_small, sem_ctr):
    cid = lax.axis_index("c")
    sid = lax.axis_index("s")

    @pl.when(jnp.logical_and(cid == 0, sid == 0))
    def _():
        cp_clu = pltpu.async_copy(clu_hbm.at[pl.ds(0, 16)], clu_v, sem_clu)
        cp_node = pltpu.async_copy(node_hbm.at[pl.ds(0, 16)], node_v, sem_node)
        cp_mask = pltpu.async_copy(mask_hbm, mask_v.at[pl.ds(0, 8)], sem_small)
        cp_mw = pltpu.async_copy(mw_hbm, mw_v.at[pl.ds(0, 1)], sem_small)
        cp_clu.wait()
        cp_ctr = pltpu.async_copy(center_hbm.at[clu_v], ctr_v, sem_ctr)

        lane = lax.iota(jnp.int32, 16)
        cp_mask.wait()
        cp_mw.wait()
        m = mask_v[:]
        wsplat = _take(mw_v[:], jnp.zeros((16,), jnp.int32))
        is_masked = jnp.zeros((16,), jnp.bool_)
        for k in range(8):
            mk = _take(m, jnp.full((16,), k, jnp.int32))
            is_masked = jnp.logical_or(is_masked, lane == mk)
        weight = jnp.where(is_masked, 2.0 + wsplat, 1.0)

        cp_node.wait()
        cp_ctr.wait()

        d2 = jnp.zeros((16,), jnp.float32)
        for i in range(15):
            accs = [jnp.zeros((16,), jnp.float32) for _ in range(2)]
            for c in range(8):
                nv = node_v[i, pl.ds(16 * c, 16)]
                cv = ctr_v[i, pl.ds(16 * c, 16)]
                t = nv - cv + 1e-6
                accs[c % 2] = accs[c % 2] + t * t
            s = _hsum(accs[0] + accs[1])
            d2 = jnp.where(lane == i, s, d2)

        y = 0.5 * (d2 + 1.0)
        for _ in range(12):
            y = 0.5 * (y + d2 / y)
        d = jnp.where(lane < 15, y, 0.0)

        stage_v[:] = _hsum(d * weight)
        pltpu.sync_copy(stage_v.at[pl.ds(0, 1)], out_hbm)


def kernel(node_fea, clu_label, center_fea, mask_nodes, mask_weight, sort_idx_rst):
    return _myloss_sc(node_fea, clu_label, center_fea, mask_nodes, mask_weight)

# --- scband reference (transcript-rebuilt; emitter-appended) ---
"""Pipeline reference for scband-myloss-16862041604207 (READ-ONLY COPY).

The authoritative reference and input builder live on the scoring server;
editing this copy changes nothing except your own understanding.
"""

import jax, jax.numpy as jnp
import numpy as np


def setup_inputs(seed: int = 0) -> dict:
    key = jax.random.key(seed)
    k1, k2, k3, k4, k5, k6 = jax.random.split(key, 6)
    node_fea = jax.random.normal(k1, (100000, 128), dtype=jnp.float32)
    clu_label = jax.random.randint(k2, (100000,), 0, 16, dtype=jnp.int32)
    center_fea = jax.random.normal(k3, (16, 128), dtype=jnp.float32)
    mask_nodes = jax.random.randint(k4, (8,), 0, 15, dtype=jnp.int32)
    mask_weight = jax.random.uniform(k5, (1,), dtype=jnp.float32)
    sort_idx_rst = jax.random.randint(k6, (16, 100), 0, 100000, dtype=jnp.int32)
    return {
        "node_fea": node_fea,
        "clu_label": clu_label,
        "center_fea": center_fea,
        "mask_nodes": mask_nodes,
        "mask_weight": mask_weight,
        "sort_idx_rst": sort_idx_rst,
    }


def reference(node_fea, clu_label, center_fea, mask_nodes, mask_weight, sort_idx_rst):
    # inner_cluster_loss: loop over first 15 nodes.
    # F.pairwise_distance(x, y, p=2) computes ||x - y + eps||_2 with eps=1e-6.
    idx = jnp.arange(15)
    labels = clu_label[:15]                      # gather labels
    centers = jnp.take(center_fea, labels, axis=0)  # gather centers per node
    diff = node_fea[:15, :] - centers
    d = jnp.sqrt(jnp.sum((diff + 1e-6) ** 2, axis=-1))  # (15,)
    # base accumulation: L2_dist += d_i for every i
    base = jnp.sum(d)
    # masked nodes get an extra (1 + mask_weight) * d_i term
    is_masked = jnp.isin(idx, mask_nodes)
    extra = jnp.sum(jnp.where(is_masked, (1.0 + mask_weight[0]) * d, 0.0))
    total = base + extra
    return total.reshape(1)

if __name__ == "__main__":
    import jax
    _d = setup_inputs()
    print(jax.jit(kernel)(*tuple(_d.values())))

</pallas_src>

<mosaic_0001>
#map = affine_map<(d0, d1) -> (0, 0)>
#map1 = affine_map<(d0, d1) -> (0)>
module attributes {stable_mosaic.version = 14 : i64} {
  func.func @_myloss_sc(%arg0: i32, %arg1: i32, %arg2: memref<100000x128xf32, #tpu.memory_space<hbm>>, %arg3: memref<100000xi32, #tpu.memory_space<hbm>>, %arg4: memref<16x128xf32, #tpu.memory_space<hbm>>, %arg5: memref<8xi32, #tpu.memory_space<hbm>>, %arg6: memref<1xf32, #tpu.memory_space<hbm>>, %arg7: memref<1xf32, #tpu.memory_space<hbm>>, %arg8: memref<16x128xf32, #tpu.memory_space<vmem>>, %arg9: memref<16xi32, #tpu.memory_space<vmem>>, %arg10: memref<16x128xf32, #tpu.memory_space<vmem>>, %arg11: memref<16xi32, #tpu.memory_space<vmem>>, %arg12: memref<16xf32, #tpu.memory_space<vmem>>, %arg13: memref<16xf32, #tpu.memory_space<vmem>>, %arg14: memref<!tpu.dma_semaphore, #tpu.memory_space<semaphore_mem>>, %arg15: memref<!tpu.dma_semaphore, #tpu.memory_space<semaphore_mem>>, %arg16: memref<!tpu.dma_semaphore, #tpu.memory_space<semaphore_mem>>, %arg17: memref<!tpu.dma_semaphore, #tpu.memory_space<semaphore_mem>>) attributes {dimension_semantics = [#tpu.dimension_semantics<core_parallel>, #tpu.dimension_semantics<subcore_parallel>], iteration_bounds = array<i64: 1, 16>, scalar_prefetch = 0 : i64, scratch_operands = 10 : i64, tpu.core_type = #tpu.core_type<sc_vector_subcore>, window_params = [{transform_indices = #map}, {transform_indices = #map1}, {transform_indices = #map}, {transform_indices = #map1}, {transform_indices = #map1}, {transform_indices = #map1}]} {
    %eq3A = arith.constant 0 : i32
    %eq3A_0 = arith.cmpi eq, %arg0, %eq3A : i32
    %eq3A_1 = arith.constant 0 : i32
    %eq3A_2 = arith.cmpi eq, %arg1, %eq3A_1 : i32
    %and3A = arith.andi %eq3A_0, %eq3A_2 : i1
    %convert_element_type3A = arith.extui %and3A : i1 to i32
    %cond3A = arith.constant 0 : i32
    %cond3A_3 = arith.cmpi ne, %convert_element_type3A, %cond3A : i32
    scf.if %cond3A_3 {
      %dma_start3A = arith.constant 0 : i32
      %dma_start3A_4 = tpu.memref_slice %arg3[%dma_start3A] : memref<100000xi32, #tpu.memory_space<hbm>> -> memref<16xi32, #tpu.memory_space<hbm>>
      %dma_start3A_5 = arith.constant 0 : i32
      %dma_start3A_6 = tpu.memref_slice %arg3[%dma_start3A_5] : memref<100000xi32, #tpu.memory_space<hbm>> -> memref<16xi32, #tpu.memory_space<hbm>>
      tpu.enqueue_dma source(%dma_start3A_6 : memref<16xi32, #tpu.memory_space<hbm>>) target(%arg9 : memref<16xi32, #tpu.memory_space<vmem>>) target_semaphore(%arg15 : memref<!tpu.dma_semaphore, #tpu.memory_space<semaphore_mem>>)
      %dma_start3A_7 = arith.constant 0 : i32
      %dma_start3A_8 = arith.constant 0 : i32
      %dma_start3A_9 = tpu.memref_slice %arg2[%dma_start3A_7, %dma_start3A_8] : memref<100000x128xf32, #tpu.memory_space<hbm>> -> memref<16x128xf32, #tpu.memory_space<hbm>>
      %dma_start3A_10 = arith.constant 0 : i32
      %dma_start3A_11 = arith.constant 0 : i32
      %dma_start3A_12 = tpu.memref_slice %arg2[%dma_start3A_10, %dma_start3A_11] : memref<100000x128xf32, #tpu.memory_space<hbm>> -> memref<16x128xf32, #tpu.memory_space<hbm>>
      tpu.enqueue_dma source(%dma_start3A_12 : memref<16x128xf32, #tpu.memory_space<hbm>>) target(%arg8 : memref<16x128xf32, #tpu.memory_space<vmem>>) target_semaphore(%arg14 : memref<!tpu.dma_semaphore, #tpu.memory_space<semaphore_mem>>)
      %dma_start3A_13 = arith.constant 0 : i32
      %dma_start3A_14 = tpu.memref_slice %arg11[%dma_start3A_13] : memref<16xi32, #tpu.memory_space<vmem>> -> memref<8xi32, #tpu.memory_space<vmem>>
      %dma_start3A_15 = arith.constant 0 : i32
      %dma_start3A_16 = tpu.memref_slice %arg11[%dma_start3A_15] : memref<16xi32, #tpu.memory_space<vmem>> -> memref<8xi32, #tpu.memory_space<vmem>>
      tpu.enqueue_dma source(%arg5 : memref<8xi32, #tpu.memory_space<hbm>>) target(%dma_start3A_16 : memref<8xi32, #tpu.memory_space<vmem>>) target_semaphore(%arg16 : memref<!tpu.dma_semaphore, #tpu.memory_space<semaphore_mem>>)
      %dma_start3A_17 = arith.constant 0 : i32
      %dma_start3A_18 = tpu.memref_slice %arg12[%dma_start3A_17] : memref<16xf32, #tpu.memory_space<vmem>> -> memref<1xf32, #tpu.memory_space<vmem>>
      %dma_start3A_19 = arith.constant 0 : i32
      %dma_start3A_20 = tpu.memref_slice %arg12[%dma_start3A_19] : memref<16xf32, #tpu.memory_space<vmem>> -> memref<1xf32, #tpu.memory_space<vmem>>
      tpu.enqueue_dma source(%arg6 : memref<1xf32, #tpu.memory_space<hbm>>) target(%dma_start3A_20 : memref<1xf32, #tpu.memory_space<vmem>>) target_semaphore(%arg16 : memref<!tpu.dma_semaphore, #tpu.memory_space<semaphore_mem>>)
      %dma_wait3A = arith.constant 0 : i32
      %dma_wait3A_21 = tpu.memref_slice %arg3[%dma_wait3A] : memref<100000xi32, #tpu.memory_space<hbm>> -> memref<16xi32, #tpu.memory_space<hbm>>
      %dma_wait3A_22 = arith.constant 0 : i32
      %dma_wait3A_23 = tpu.memref_slice %arg3[%dma_wait3A_22] : memref<100000xi32, #tpu.memory_space<hbm>> -> memref<16xi32, #tpu.memory_space<hbm>>
      tpu.wait_dma2 semaphore(%arg15 : memref<!tpu.dma_semaphore, #tpu.memory_space<semaphore_mem>>) src(%dma_wait3A_23 : memref<16xi32, #tpu.memory_space<hbm>>) dst(%arg9 : memref<16xi32, #tpu.memory_space<vmem>>)
      %dma_start3A_24 = arith.constant 0 : i32
      %dma_start3A_25 = arith.constant 0 : i32
      %dma_start3A_26 = tpu.memref_slice %arg4[%dma_start3A_24, %dma_start3A_25] : memref<16x128xf32, #tpu.memory_space<hbm>> -> memref<16x128xf32, #tpu.memory_space<hbm>>
      tpu.enqueue_indirect_dma source(%dma_start3A_26 : memref<16x128xf32, #tpu.memory_space<hbm>>) target(%arg10 : memref<16x128xf32, #tpu.memory_space<vmem>>) offsets(%arg9 : memref<16xi32, #tpu.memory_space<vmem>>) semaphore(%arg17 : memref<!tpu.dma_semaphore, #tpu.memory_space<semaphore_mem>>)
      %iota3A = tpu.iota {dimensions = array<i32: 0>} : vector<16xi32>
      %dma_wait3A_27 = arith.constant 0 : i32
      %dma_wait3A_28 = tpu.memref_slice %arg11[%dma_wait3A_27] : memref<16xi32, #tpu.memory_space<vmem>> -> memref<8xi32, #tpu.memory_space<vmem>>
      %dma_wait3A_29 = arith.constant 0 : i32
      %dma_wait3A_30 = tpu.memref_slice %arg11[%dma_wait3A_29] : memref<16xi32, #tpu.memory_space<vmem>> -> memref<8xi32, #tpu.memory_space<vmem>>
      tpu.wait_dma2 semaphore(%arg16 : memref<!tpu.dma_semaphore, #tpu.memory_space<semaphore_mem>>) src(%arg5 : memref<8xi32, #tpu.memory_space<hbm>>) dst(%dma_wait3A_30 : memref<8xi32, #tpu.memory_space<vmem>>)
      %dma_wait3A_31 = arith.constant 0 : i32
      %dma_wait3A_32 = tpu.memref_slice %arg12[%dma_wait3A_31] : memref<16xf32, #tpu.memory_space<vmem>> -> memref<1xf32, #tpu.memory_space<vmem>>
      %dma_wait3A_33 = arith.constant 0 : i32
      %dma_wait3A_34 = tpu.memref_slice %arg12[%dma_wait3A_33] : memref<16xf32, #tpu.memory_space<vmem>> -> memref<1xf32, #tpu.memory_space<vmem>>
      tpu.wait_dma2 semaphore(%arg16 : memref<!tpu.dma_semaphore, #tpu.memory_space<semaphore_mem>>) src(%arg6 : memref<1xf32, #tpu.memory_space<hbm>>) dst(%dma_wait3A_34 : memref<1xf32, #tpu.memory_space<vmem>>)
      %get3A = arith.constant 0 : index
      %get3A_35 = tpu.vector_load %arg11[%get3A] {strides = array<i32>} : memref<16xi32, #tpu.memory_space<vmem>>, vector<16xi32>,
      %get3A_36 = vector.shape_cast %get3A_35 : vector<16xi32> to vector<16xi32>
      %get3A_37 = arith.constant 0 : index
      %get3A_38 = tpu.vector_load %arg12[%get3A_37] {strides = array<i32>} : memref<16xf32, #tpu.memory_space<vmem>>, vector<16xf32>,
      %get3A_39 = vector.shape_cast %get3A_38 : vector<16xf32> to vector<16xf32>
      %broadcast_in_dim3A = arith.constant 0 : i32
      %broadcast_in_dim3A_40 = vector.broadcast %broadcast_in_dim3A : i32 to vector<16xi32>
      %broadcast_in_dim3A_41 = vector.shape_cast %broadcast_in_dim3A_40 : vector<16xi32> to vector<16x1xi32>
      %gather3A = vector.shape_cast %broadcast_in_dim3A_41 : vector<16x1xi32> to vector<16xi32>
      %gather3A_42 = tpu.dynamic_gather %get3A_39[%gather3A] in [0] : vector<16xf32>, vector<16xi32> -> vector<16xf32>
      %broadcast_in_dim3A_43 = arith.constant false
      %broadcast_in_dim3A_44 = vector.broadcast %broadcast_in_dim3A_43 : i1 to vector<16xi1>
      %broadcast_in_dim3A_45 = arith.constant 0 : i32
      %broadcast_in_dim3A_46 = vector.broadcast %broadcast_in_dim3A_45 : i32 to vector<16xi32>
      %broadcast_in_dim3A_47 = vector.shape_cast %broadcast_in_dim3A_46 : vector<16xi32> to vector<16x1xi32>
      %gather3A_48 = vector.shape_cast %broadcast_in_dim3A_47 : vector<16x1xi32> to vector<16xi32>
      %gather3A_49 = tpu.dynamic_gather %get3A_36[%gather3A_48] in [0] : vector<16xi32>, vector<16xi32> -> vector<16xi32>
      %eq3A_50 = arith.cmpi eq, %iota3A, %gather3A_49 : vector<16xi32>
      %or3A = arith.ori %broadcast_in_dim3A_44, %eq3A_50 : vector<16xi1>
      %broadcast_in_dim3A_51 = arith.constant 1 : i32
      %broadcast_in_dim3A_52 = vector.broadcast %broadcast_in_dim3A_51 : i32 to vector<16xi32>
      %broadcast_in_dim3A_53 = vector.shape_cast %broadcast_in_dim3A_52 : vector<16xi32> to vector<16x1xi32>
      %gather3A_54 = vector.shape_cast %broadcast_in_dim3A_53 : vector<16x1xi32> to vector<16xi32>
      %gather3A_55 = tpu.dynamic_gather %get3A_36[%gather3A_54] in [0] : vector<16xi32>, vector<16xi32> -> vector<16xi32>
      %eq3A_56 = arith.cmpi eq, %iota3A, %gather3A_55 : vector<16xi32>
      %or3A_57 = arith.ori %or3A, %eq3A_56 : vector<16xi1>
      %broadcast_in_dim3A_58 = arith.constant 2 : i32
      %broadcast_in_dim3A_59 = vector.broadcast %broadcast_in_dim3A_58 : i32 to vector<16xi32>
      %broadcast_in_dim3A_60 = vector.shape_cast %broadcast_in_dim3A_59 : vector<16xi32> to vector<16x1xi32>
      %gather3A_61 = vector.shape_cast %broadcast_in_dim3A_60 : vector<16x1xi32> to vector<16xi32>
      %gather3A_62 = tpu.dynamic_gather %get3A_36[%gather3A_61] in [0] : vector<16xi32>, vector<16xi32> -> vector<16xi32>
      %eq3A_63 = arith.cmpi eq, %iota3A, %gather3A_62 : vector<16xi32>
      %or3A_64 = arith.ori %or3A_57, %eq3A_63 : vector<16xi1>
      %broadcast_in_dim3A_65 = arith.constant 3 : i32
      %broadcast_in_dim3A_66 = vector.broadcast %broadcast_in_dim3A_65 : i32 to vector<16xi32>
      %broadcast_in_dim3A_67 = vector.shape_cast %broadcast_in_dim3A_66 : vector<16xi32> to vector<16x1xi32>
      %gather3A_68 = vector.shape_cast %broadcast_in_dim3A_67 : vector<16x1xi32> to vector<16xi32>
      %gather3A_69 = tpu.dynamic_gather %get3A_36[%gather3A_68] in [0] : vector<16xi32>, vector<16xi32> -> vector<16xi32>
      %eq3A_70 = arith.cmpi eq, %iota3A, %gather3A_69 : vector<16xi32>
      %or3A_71 = arith.ori %or3A_64, %eq3A_70 : vector<16xi1>
      %broadcast_in_dim3A_72 = arith.constant 4 : i32
      %broadcast_in_dim3A_73 = vector.broadcast %broadcast_in_dim3A_72 : i32 to vector<16xi32>
      %broadcast_in_dim3A_74 = vector.shape_cast %broadcast_in_dim3A_73 : vector<16xi32> to vector<16x1xi32>
      %gather3A_75 = vector.shape_cast %broadcast_in_dim3A_74 : vector<16x1xi32> to vector<16xi32>
      %gather3A_76 = tpu.dynamic_gather %get3A_36[%gather3A_75] in [0] : vector<16xi32>, vector<16xi32> -> vector<16xi32>
      %eq3A_77 = arith.cmpi eq, %iota3A, %gather3A_76 : vector<16xi32>
      %or3A_78 = arith.ori %or3A_71, %eq3A_77 : vector<16xi1>
      %broadcast_in_dim3A_79 = arith.constant 5 : i32
      %broadcast_in_dim3A_80 = vector.broadcast %broadcast_in_dim3A_79 : i32 to vector<16xi32>
      %broadcast_in_dim3A_81 = vector.shape_cast %broadcast_in_dim3A_80 : vector<16xi32> to vector<16x1xi32>
      %gather3A_82 = vector.shape_cast %broadcast_in_dim3A_81 : vector<16x1xi32> to vector<16xi32>
      %gather3A_83 = tpu.dynamic_gather %get3A_36[%gather3A_82] in [0] : vector<16xi32>, vector<16xi32> -> vector<16xi32>
      %eq3A_84 = arith.cmpi eq, %iota3A, %gather3A_83 : vector<16xi32>
      %or3A_85 = arith.ori %or3A_78, %eq3A_84 : vector<16xi1>
      %broadcast_in_dim3A_86 = arith.constant 6 : i32
      %broadcast_in_dim3A_87 = vector.broadcast %broadcast_in_dim3A_86 : i32 to vector<16xi32>
      %broadcast_in_dim3A_88 = vector.shape_cast %broadcast_in_dim3A_87 : vector<16xi32> to vector<16x1xi32>
      %gather3A_89 = vector.shape_cast %broadcast_in_dim3A_88 : vector<16x1xi32> to vector<16xi32>
      %gather3A_90 = tpu.dynamic_gather %get3A_36[%gather3A_89] in [0] : vector<16xi32>, vector<16xi32> -> vector<16xi32>
      %eq3A_91 = arith.cmpi eq, %iota3A, %gather3A_90 : vector<16xi32>
      %or3A_92 = arith.ori %or3A_85, %eq3A_91 : vector<16xi1>
      %broadcast_in_dim3A_93 = arith.constant 7 : i32
      %broadcast_in_dim3A_94 = vector.broadcast %broadcast_in_dim3A_93 : i32 to vector<16xi32>
      %broadcast_in_dim3A_95 = vector.shape_cast %broadcast_in_dim3A_94 : vector<16xi32> to vector<16x1xi32>
      %gather3A_96 = vector.shape_cast %broadcast_in_dim3A_95 : vector<16x1xi32> to vector<16xi32>
      %gather3A_97 = tpu.dynamic_gather %get3A_36[%gather3A_96] in [0] : vector<16xi32>, vector<16xi32> -> vector<16xi32>
      %eq3A_98 = arith.cmpi eq, %iota3A, %gather3A_97 : vector<16xi32>
      %or3A_99 = arith.ori %or3A_92, %eq3A_98 : vector<16xi1>
      %add3A = arith.constant 2.000000e+00 : f32
      %add3A_100 = vector.broadcast %add3A : f32 to vector<16xf32>
      %add3A_101 = arith.addf %add3A_100, %gather3A_42 : vector<16xf32>
      %jit3A = arith.constant 1.000000e+00 : f32
      %broadcast_in_dim3A_102 = vector.broadcast %jit3A : f32 to vector<16xf32>
      %select_n3A = arith.select %or3A_99, %add3A_101, %broadcast_in_dim3A_102 : vector<16xi1>, vector<16xf32>
      %dma_wait3A_103 = arith.constant 0 : i32
      %dma_wait3A_104 = arith.constant 0 : i32
      %dma_wait3A_105 = tpu.memref_slice %arg2[%dma_wait3A_103, %dma_wait3A_104] : memref<100000x128xf32, #tpu.memory_space<hbm>> -> memref<16x128xf32, #tpu.memory_space<hbm>>
      %dma_wait3A_106 = arith.constant 0 : i32
      %dma_wait3A_107 = arith.constant 0 : i32
      %dma_wait3A_108 = tpu.memref_slice %arg2[%dma_wait3A_106, %dma_wait3A_107] : memref<100000x128xf32, #tpu.memory_space<hbm>> -> memref<16x128xf32, #tpu.memory_space<hbm>>
      tpu.wait_dma2 semaphore(%arg14 : memref<!tpu.dma_semaphore, #tpu.memory_space<semaphore_mem>>) src(%dma_wait3A_108 : memref<16x128xf32, #tpu.memory_space<hbm>>) dst(%arg8 : memref<16x128xf32, #tpu.memory_space<vmem>>)
      %dma_wait3A_109 = arith.constant 0 : i32
      %dma_wait3A_110 = arith.constant 0 : i32
      %dma_wait3A_111 = tpu.memref_slice %arg4[%dma_wait3A_109, %dma_wait3A_110] : memref<16x128xf32, #tpu.memory_space<hbm>> -> memref<16x128xf32, #tpu.memory_space<hbm>>
      tpu.wait_indirect_dma semaphore(%arg17 : memref<!tpu.dma_semaphore, #tpu.memory_space<semaphore_mem>>) src(%dma_wait3A_111 : memref<16x128xf32, #tpu.memory_space<hbm>>) dst(%arg10 : memref<16x128xf32, #tpu.memory_space<vmem>>)
      %broadcast_in_dim3A_112 = arith.constant 0.000000e+00 : f32
      %broadcast_in_dim3A_113 = vector.broadcast %broadcast_in_dim3A_112 : f32 to vector<16xf32>
      %broadcast_in_dim3A_114 = arith.constant 0.000000e+00 : f32
      %broadcast_in_dim3A_115 = vector.broadcast %broadcast_in_dim3A_114 : f32 to vector<16xf32>
      %broadcast_in_dim3A_116 = arith.constant 0.000000e+00 : f32
      %broadcast_in_dim3A_117 = vector.broadcast %broadcast_in_dim3A_116 : f32 to vector<16xf32>
      %get3A_118 = arith.constant 0 : i32
      %get3A_119 = arith.index_cast %get3A_118 : i32 to index
      %get3A_120 = arith.constant 0 : index
      %get3A_121 = tpu.vector_load %arg8[%get3A_119, %get3A_120] {strides = array<i32>} : memref<16x128xf32, #tpu.memory_space<vmem>>, vector<1x16xf32>,
      %get3A_122 = vector.shape_cast %get3A_121 : vector<1x16xf32> to vector<16xf32>
      %get3A_123 = arith.constant 0 : i32
      %get3A_124 = arith.index_cast %get3A_123 : i32 to index
      %get3A_125 = arith.constant 0 : index
      %get3A_126 = tpu.vector_load %arg10[%get3A_124, %get3A_125] {strides = array<i32>} : memref<16x128xf32, #tpu.memory_space<vmem>>, vector<1x16xf32>,
      %get3A_127 = vector.shape_cast %get3A_126 : vector<1x16xf32> to vector<16xf32>
      %sub3A = arith.subf %get3A_122, %get3A_127 : vector<16xf32>
      %add3A_128 = arith.constant 9.99999997E-7 : f32
      %add3A_129 = vector.broadcast %add3A_128 : f32 to vector<16xf32>
      %add3A_130 = arith.addf %sub3A, %add3A_129 : vector<16xf32>
      %mul3A = arith.mulf %add3A_130, %add3A_130 : vector<16xf32>
      %add3A_131 = arith.addf %broadcast_in_dim3A_115, %mul3A : vector<16xf32>
      %get3A_132 = arith.constant 0 : i32
      %get3A_133 = arith.index_cast %get3A_132 : i32 to index
      %get3A_134 = arith.constant 16 : index
      %get3A_135 = tpu.vector_load %arg8[%get3A_133, %get3A_134] {strides = array<i32>} : memref<16x128xf32, #tpu.memory_space<vmem>>, vector<1x16xf32>,
      %get3A_136 = vector.shape_cast %get3A_135 : vector<1x16xf32> to vector<16xf32>
      %get3A_137 = arith.constant 0 : i32
      %get3A_138 = arith.index_cast %get3A_137 : i32 to index
      %get3A_139 = arith.constant 16 : index
      %get3A_140 = tpu.vector_load %arg10[%get3A_138, %get3A_139] {strides = array<i32>} : memref<16x128xf32, #tpu.memory_space<vmem>>, vector<1x16xf32>,
      %get3A_141 = vector.shape_cast %get3A_140 : vector<1x16xf32> to vector<16xf32>
      %sub3A_142 = arith.subf %get3A_136, %get3A_141 : vector<16xf32>
      %add3A_143 = arith.constant 9.99999997E-7 : f32
      %add3A_144 = vector.broadcast %add3A_143 : f32 to vector<16xf32>
      %add3A_145 = arith.addf %sub3A_142, %add3A_144 : vector<16xf32>
      %mul3A_146 = arith.mulf %add3A_145, %add3A_145 : vector<16xf32>
      %add3A_147 = arith.addf %broadcast_in_dim3A_117, %mul3A_146 : vector<16xf32>
      %get3A_148 = arith.constant 0 : i32
      %get3A_149 = arith.index_cast %get3A_148 : i32 to index
      %get3A_150 = arith.constant 32 : index
      %get3A_151 = tpu.vector_load %arg8[%get3A_149, %get3A_150] {strides = array<i32>} : memref<16x128xf32, #tpu.memory_space<vmem>>, vector<1x16xf32>,
      %get3A_152 = vector.shape_cast %get3A_151 : vector<1x16xf32> to vector<16xf32>
      %get3A_153 = arith.constant 0 : i32
      %get3A_154 = arith.index_cast %get3A_153 : i32 to index
      %get3A_155 = arith.constant 32 : index
      %get3A_156 = tpu.vector_load %arg10[%get3A_154, %get3A_155] {strides = array<i32>} : memref<16x128xf32, #tpu.memory_space<vmem>>, vector<1x16xf32>,
      %get3A_157 = vector.shape_cast %get3A_156 : vector<1x16xf32> to vector<16xf32>
      %sub3A_158 = arith.subf %get3A_152, %get3A_157 : vector<16xf32>
      %add3A_159 = arith.constant 9.99999997E-7 : f32
      %add3A_160 = vector.broadcast %add3A_159 : f32 to vector<16xf32>
      %add3A_161 = arith.addf %sub3A_158, %add3A_160 : vector<16xf32>
      %mul3A_162 = arith.mulf %add3A_161, %add3A_161 : vector<16xf32>
      %add3A_163 = arith.addf %add3A_131, %mul3A_162 : vector<16xf32>
      %get3A_164 = arith.constant 0 : i32
      %get3A_165 = arith.index_cast %get3A_164 : i32 to index
      %get3A_166 = arith.constant 48 : index
      %get3A_167 = tpu.vector_load %arg8[%get3A_165, %get3A_166] {strides = array<i32>} : memref<16x128xf32, #tpu.memory_space<vmem>>, vector<1x16xf32>,
      %get3A_168 = vector.shape_cast %get3A_167 : vector<1x16xf32> to vector<16xf32>
      %get3A_169 = arith.constant 0 : i32
      %get3A_170 = arith.index_cast %get3A_169 : i32 to index
      %get3A_171 = arith.constant 48 : index
      %get3A_172 = tpu.vector_load %arg10[%get3A_170, %get3A_171] {strides = array<i32>} : memref<16x128xf32, #tpu.memory_space<vmem>>, vector<1x16xf32>,
      %get3A_173 = vector.shape_cast %get3A_172 : vector<1x16xf32> to vector<16xf32>
      %sub3A_174 = arith.subf %get3A_168, %get3A_173 : vector<16xf32>
      %add3A_175 = arith.constant 9.99999997E-7 : f32
      %add3A_176 = vector.broadcast %add3A_175 : f32 to vector<16xf32>
      %add3A_177 = arith.addf %sub3A_174, %add3A_176 : vector<16xf32>
      %mul3A_178 = arith.mulf %add3A_177, %add3A_177 : vector<16xf32>
      %add3A_179 = arith.addf %add3A_147, %mul3A_178 : vector<16xf32>
      %get3A_180 = arith.constant 0 : i32
      %get3A_181 = arith.index_cast %get3A_180 : i32 to index
      %get3A_182 = arith.constant 64 : index
      %get3A_183 = tpu.vector_load %arg8[%get3A_181, %get3A_182] {strides = array<i32>} : memref<16x128xf32, #tpu.memory_space<vmem>>, vector<1x16xf32>,
      %get3A_184 = vector.shape_cast %get3A_183 : vector<1x16xf32> to vector<16xf32>
      %get3A_185 = arith.constant 0 : i32
      %get3A_186 = arith.index_cast %get3A_185 : i32 to index
      %get3A_187 = arith.constant 64 : index
      %get3A_188 = tpu.vector_load %arg10[%get3A_186, %get3A_187] {strides = array<i32>} : memref<16x128xf32, #tpu.memory_space<vmem>>, vector<1x16xf32>,
      %get3A_189 = vector.shape_cast %get3A_188 : vector<1x16xf32> to vector<16xf32>
      %sub3A_190 = arith.subf %get3A_184, %get3A_189 : vector<16xf32>
      %add3A_191 = arith.constant 9.99999997E-7 : f32
      %add3A_192 = vector.broadcast %add3A_191 : f32 to vector<16xf32>
      %add3A_193 = arith.addf %sub3A_190, %add3A_192 : vector<16xf32>
      %mul3A_194 = arith.mulf %add3A_193, %add3A_193 : vector<16xf32>
      %add3A_195 = arith.addf %add3A_163, %mul3A_194 : vector<16xf32>
      %get3A_196 = arith.constant 0 : i32
      %get3A_197 = arith.index_cast %get3A_196 : i32 to index
      %get3A_198 = arith.constant 80 : index
      %get3A_199 = tpu.vector_load %arg8[%get3A_197, %get3A_198] {strides = array<i32>} : memref<16x128xf32, #tpu.memory_space<vmem>>, vector<1x16xf32>,
      %get3A_200 = vector.shape_cast %get3A_199 : vector<1x16xf32> to vector<16xf32>
      %get3A_201 = arith.constant 0 : i32
      %get3A_202 = arith.index_cast %get3A_201 : i32 to index
      %get3A_203 = arith.constant 80 : index
      %get3A_204 = tpu.vector_load %arg10[%get3A_202, %get3A_203] {strides = array<i32>} : memref<16x128xf32, #tpu.memory_space<vmem>>, vector<1x16xf32>,
      %get3A_205 = vector.shape_cast %get3A_204 : vector<1x16xf32> to vector<16xf32>
      %sub3A_206 = arith.subf %get3A_200, %get3A_205 : vector<16xf32>
      %add3A_207 = arith.constant 9.99999997E-7 : f32
      %add3A_208 = vector.broadcast %add3A_207 : f32 to vector<16xf32>
      %add3A_209 = arith.addf %sub3A_206, %add3A_208 : vector<16xf32>
      %mul3A_210 = arith.mulf %add3A_209, %add3A_209 : vector<16xf32>
      %add3A_211 = arith.addf %add3A_179, %mul3A_210 : vector<16xf32>
      %get3A_212 = arith.constant 0 : i32
      %get3A_213 = arith.index_cast %get3A_212 : i32 to index
      %get3A_214 = arith.constant 96 : index
      %get3A_215 = tpu.vector_load %arg8[%get3A_213, %get3A_214] {strides = array<i32>} : memref<16x128xf32, #tpu.memory_space<vmem>>, vector<1x16xf32>,
      %get3A_216 = vector.shape_cast %get3A_215 : vector<1x16xf32> to vector<16xf32>
      %get3A_217 = arith.constant 0 : i32
      %get3A_218 = arith.index_cast %get3A_217 : i32 to index
      %get3A_219 = arith.constant 96 : index
      %get3A_220 = tpu.vector_load %arg10[%get3A_218, %get3A_219] {strides = array<i32>} : memref<16x128xf32, #tpu.memory_space<vmem>>, vector<1x16xf32>,
      %get3A_221 = vector.shape_cast %get3A_220 : vector<1x16xf32> to vector<16xf32>
      %sub3A_222 = arith.subf %get3A_216, %get3A_221 : vector<16xf32>
      %add3A_223 = arith.constant 9.99999997E-7 : f32
      %add3A_224 = vector.broadcast %add3A_223 : f32 to vector<16xf32>
      %add3A_225 = arith.addf %sub3A_222, %add3A_224 : vector<16xf32>
      %mul3A_226 = arith.mulf %add3A_225, %add3A_225 : vector<16xf32>
      %add3A_227 = arith.addf %add3A_195, %mul3A_226 : vector<16xf32>
      %get3A_228 = arith.constant 0 : i32
      %get3A_229 = arith.index_cast %get3A_228 : i32 to index
      %get3A_230 = arith.constant 112 : index
      %get3A_231 = tpu.vector_load %arg8[%get3A_229, %get3A_230] {strides = array<i32>} : memref<16x128xf32, #tpu.memory_space<vmem>>, vector<1x16xf32>,
      %get3A_232 = vector.shape_cast %get3A_231 : vector<1x16xf32> to vector<16xf32>
      %get3A_233 = arith.constant 0 : i32
      %get3A_234 = arith.index_cast %get3A_233 : i32 to index
      %get3A_235 = arith.constant 112 : index
      %get3A_236 = tpu.vector_load %arg10[%get3A_234, %get3A_235] {strides = array<i32>} : memref<16x128xf32, #tpu.memory_space<vmem>>, vector<1x16xf32>,
      %get3A_237 = vector.shape_cast %get3A_236 : vector<1x16xf32> to vector<16xf32>
      %sub3A_238 = arith.subf %get3A_232, %get3A_237 : vector<16xf32>
      %add3A_239 = arith.constant 9.99999997E-7 : f32
      %add3A_240 = vector.broadcast %add3A_239 : f32 to vector<16xf32>
      %add3A_241 = arith.addf %sub3A_238, %add3A_240 : vector<16xf32>
      %mul3A_242 = arith.mulf %add3A_241, %add3A_241 : vector<16xf32>
      %add3A_243 = arith.addf %add3A_211, %mul3A_242 : vector<16xf32>
      %add3A_244 = arith.addf %add3A_227, %add3A_243 : vector<16xf32>
      %iota3A_245 = tpu.iota {dimensions = array<i32: 0>} : vector<16xi32>
      %add3A_246 = arith.constant 8 : i32
      %add3A_247 = vector.broadcast %add3A_246 : i32 to vector<16xi32>
      %add3A_248 = arith.addi %iota3A_245, %add3A_247 : vector<16xi32>
      %and3A_249 = arith.constant 15 : i32
      %and3A_250 = vector.broadcast %and3A_249 : i32 to vector<16xi32>
      %and3A_251 = arith.andi %add3A_248, %and3A_250 : vector<16xi32>
      %broadcast_in_dim3A_252 = vector.shape_cast %and3A_251 : vector<16xi32> to vector<16x1xi32>
      %gather3A_253 = vector.shape_cast %broadcast_in_dim3A_252 : vector<16x1xi32> to vector<16xi32>
      %gather3A_254 = tpu.dynamic_gather %add3A_244[%gather3A_253] in [0] : vector<16xf32>, vector<16xi32> -> vector<16xf32>
      %add3A_255 = arith.addf %add3A_244, %gather3A_254 : vector<16xf32>
      %add3A_256 = arith.constant 4 : i32
      %add3A_257 = vector.broadcast %add3A_256 : i32 to vector<16xi32>
      %add3A_258 = arith.addi %iota3A_245, %add3A_257 : vector<16xi32>
      %and3A_259 = arith.constant 15 : i32
      %and3A_260 = vector.broadcast %and3A_259 : i32 to vector<16xi32>
      %and3A_261 = arith.andi %add3A_258, %and3A_260 : vector<16xi32>
      %broadcast_in_dim3A_262 = vector.shape_cast %and3A_261 : vector<16xi32> to vector<16x1xi32>
      %gather3A_263 = vector.shape_cast %broadcast_in_dim3A_262 : vector<16x1xi32> to vector<16xi32>
      %gather3A_264 = tpu.dynamic_gather %add3A_255[%gather3A_263] in [0] : vector<16xf32>, vector<16xi32> -> vector<16xf32>
      %add3A_265 = arith.addf %add3A_255, %gather3A_264 : vector<16xf32>
      %add3A_266 = arith.constant 2 : i32
      %add3A_267 = vector.broadcast %add3A_266 : i32 to vector<16xi32>
      %add3A_268 = arith.addi %iota3A_245, %add3A_267 : vector<16xi32>
      %and3A_269 = arith.constant 15 : i32
      %and3A_270 = vector.broadcast %and3A_269 : i32 to vector<16xi32>
      %and3A_271 = arith.andi %add3A_268, %and3A_270 : vector<16xi32>
      %broadcast_in_dim3A_272 = vector.shape_cast %and3A_271 : vector<16xi32> to vector<16x1xi32>
      %gather3A_273 = vector.shape_cast %broadcast_in_dim3A_272 : vector<16x1xi32> to vector<16xi32>
      %gather3A_274 = tpu.dynamic_gather %add3A_265[%gather3A_273] in [0] : vector<16xf32>, vector<16xi32> -> vector<16xf32>
      %add3A_275 = arith.addf %add3A_265, %gather3A_274 : vector<16xf32>
      %add3A_276 = arith.constant 1 : i32
      %add3A_277 = vector.broadcast %add3A_276 : i32 to vector<16xi32>
      %add3A_278 = arith.addi %iota3A_245, %add3A_277 : vector<16xi32>
      %and3A_279 = arith.constant 15 : i32
      %and3A_280 = vector.broadcast %and3A_279 : i32 to vector<16xi32>
      %and3A_281 = arith.andi %add3A_278, %and3A_280 : vector<16xi32>
      %broadcast_in_dim3A_282 = vector.shape_cast %and3A_281 : vector<16xi32> to vector<16x1xi32>
      %gather3A_283 = vector.shape_cast %broadcast_in_dim3A_282 : vector<16x1xi32> to vector<16xi32>
      %gather3A_284 = tpu.dynamic_gather %add3A_275[%gather3A_283] in [0] : vector<16xf32>, vector<16xi32> -> vector<16xf32>
      %add3A_285 = arith.addf %add3A_275, %gather3A_284 : vector<16xf32>
      %eq3A_286 = arith.constant 0 : i32
      %eq3A_287 = vector.broadcast %eq3A_286 : i32 to vector<16xi32>
      %eq3A_288 = arith.cmpi eq, %iota3A, %eq3A_287 : vector<16xi32>
      %select_n3A_289 = arith.select %eq3A_288, %add3A_285, %broadcast_in_dim3A_113 : vector<16xi1>, vector<16xf32>
      %broadcast_in_dim3A_290 = arith.constant 0.000000e+00 : f32
      %broadcast_in_dim3A_291 = vector.broadcast %broadcast_in_dim3A_290 : f32 to vector<16xf32>
      %broadcast_in_dim3A_292 = arith.constant 0.000000e+00 : f32
      %broadcast_in_dim3A_293 = vector.broadcast %broadcast_in_dim3A_292 : f32 to vector<16xf32>
      %get3A_294 = arith.constant 1 : i32
      %get3A_295 = arith.index_cast %get3A_294 : i32 to index
      %get3A_296 = arith.constant 0 : index
      %get3A_297 = tpu.vector_load %arg8[%get3A_295, %get3A_296] {strides = array<i32>} : memref<16x128xf32, #tpu.memory_space<vmem>>, vector<1x16xf32>,
      %get3A_298 = vector.shape_cast %get3A_297 : vector<1x16xf32> to vector<16xf32>
      %get3A_299 = arith.constant 1 : i32
      %get3A_300 = arith.index_cast %get3A_299 : i32 to index
      %get3A_301 = arith.constant 0 : index
      %get3A_302 = tpu.vector_load %arg10[%get3A_300, %get3A_301] {strides = array<i32>} : memref<16x128xf32, #tpu.memory_space<vmem>>, vector<1x16xf32>,
      %get3A_303 = vector.shape_cast %get3A_302 : vector<1x16xf32> to vector<16xf32>
      %sub3A_304 = arith.subf %get3A_298, %get3A_303 : vector<16xf32>
      %add3A_305 = arith.constant 9.99999997E-7 : f32
      %add3A_306 = vector.broadcast %add3A_305 : f32 to vector<16xf32>
      %add3A_307 = arith.addf %sub3A_304, %add3A_306 : vector<16xf32>
      %mul3A_308 = arith.mulf %add3A_307, %add3A_307 : vector<16xf32>
      %add3A_309 = arith.addf %broadcast_in_dim3A_291, %mul3A_308 : vector<16xf32>
      %get3A_310 = arith.constant 1 : i32
      %get3A_311 = arith.index_cast %get3A_310 : i32 to index
      %get3A_312 = arith.constant 16 : index
      %get3A_313 = tpu.vector_load %arg8[%get3A_311, %get3A_312] {strides = array<i32>} : memref<16x128xf32, #tpu.memory_space<vmem>>, vector<1x16xf32>,
      %get3A_314 = vector.shape_cast %get3A_313 : vector<1x16xf32> to vector<16xf32>
      %get3A_315 = arith.constant 1 : i32
      %get3A_316 = arith.index_cast %get3A_315 : i32 to index
      %get3A_317 = arith.constant 16 : index
      %get3A_318 = tpu.vector_load %arg10[%get3A_316, %get3A_317] {strides = array<i32>} : memref<16x128xf32, #tpu.memory_space<vmem>>, vector<1x16xf32>,
      %get3A_319 = vector.shape_cast %get3A_318 : vector<1x16xf32> to vector<16xf32>
      %sub3A_320 = arith.subf %get3A_314, %get3A_319 : vector<16xf32>
      %add3A_321 = arith.constant 9.99999997E-7 : f32
      %add3A_322 = vector.broadcast %add3A_321 : f32 to vector<16xf32>
      %add3A_323 = arith.addf %sub3A_320, %add3A_322 : vector<16xf32>
      %mul3A_324 = arith.mulf %add3A_323, %add3A_323 : vector<16xf32>
      %add3A_325 = arith.addf %broadcast_in_dim3A_293, %mul3A_324 : vector<16xf32>
      %get3A_326 = arith.constant 1 : i32
      %get3A_327 = arith.index_cast %get3A_326 : i32 to index
      %get3A_328 = arith.constant 32 : index
      %get3A_329 = tpu.vector_load %arg8[%get3A_327, %get3A_328] {strides = array<i32>} : memref<16x128xf32, #tpu.memory_space<vmem>>, vector<1x16xf32>,
      %get3A_330 = vector.shape_cast %get3A_329 : vector<1x16xf32> to vector<16xf32>
      %get3A_331 = arith.constant 1 : i32
      %get3A_332 = arith.index_cast %get3A_331 : i32 to index
      %get3A_333 = arith.constant 32 : index
      %get3A_334 = tpu.vector_load %arg10[%get3A_332, %get3A_333] {strides = array<i32>} : memref<16x128xf32, #tpu.memory_space<vmem>>, vector<1x16xf32>,
      %get3A_335 = vector.shape_cast %get3A_334 : vector<1x16xf32> to vector<16xf32>
      %sub3A_336 = arith.subf %get3A_330, %get3A_335 : vector<16xf32>
      %add3A_337 = arith.constant 9.99999997E-7 : f32
      %add3A_338 = vector.broadcast %add3A_337 : f32 to vector<16xf32>
      %add3A_339 = arith.addf %sub3A_336, %add3A_338 : vector<16xf32>
      %mul3A_340 = arith.mulf %add3A_339, %add3A_339 : vector<16xf32>
      %add3A_341 = arith.addf %add3A_309, %mul3A_340 : vector<16xf32>
      %get3A_342 = arith.constant 1 : i32
      %get3A_343 = arith.index_cast %get3A_342 : i32 to index
      %get3A_344 = arith.constant 48 : index
      %get3A_345 = tpu.vector_load %arg8[%get3A_343, %get3A_344] {strides = array<i32>} : memref<16x128xf32, #tpu.memory_space<vmem>>, vector<1x16xf32>,
      %get3A_346 = vector.shape_cast %get3A_345 : vector<1x16xf32> to vector<16xf32>
      %get3A_347 = arith.constant 1 : i32
      %get3A_348 = arith.index_cast %get3A_347 : i32 to index
      %get3A_349 = arith.constant 48 : index
      %get3A_350 = tpu.vector_load %arg10[%get3A_348, %get3A_349] {strides = array<i32>} : memref<16x128xf32, #tpu.memory_space<vmem>>, vector<1x16xf32>,
      %get3A_351 = vector.shape_cast %get3A_350 : vector<1x16xf32> to vector<16xf32>
      %sub3A_352 = arith.subf %get3A_346, %get3A_351 : vector<16xf32>
      %add3A_353 = arith.constant 9.99999997E-7 : f32
      %add3A_354 = vector.broadcast %add3A_353 : f32 to vector<16xf32>
      %add3A_355 = arith.addf %sub3A_352, %add3A_354 : vector<16xf32>
      %mul3A_356 = arith.mulf %add3A_355, %add3A_355 : vector<16xf32>
      %add3A_357 = arith.addf %add3A_325, %mul3A_356 : vector<16xf32>
      %get3A_358 = arith.constant 1 : i32
      %get3A_359 = arith.index_cast %get3A_358 : i32 to index
      %get3A_360 = arith.constant 64 : index
      %get3A_361 = tpu.vector_load %arg8[%get3A_359, %get3A_360] {strides = array<i32>} : memref<16x128xf32, #tpu.memory_space<vmem>>, vector<1x16xf32>,
      %get3A_362 = vector.shape_cast %get3A_361 : vector<1x16xf32> to vector<16xf32>
      %get3A_363 = arith.constant 1 : i32
      %get3A_364 = arith.index_cast %get3A_363 : i32 to index
      %get3A_365 = arith.constant 64 : index
      %get3A_366 = tpu.vector_load %arg10[%get3A_364, %get3A_365] {strides = array<i32>} : memref<16x128xf32, #tpu.memory_space<vmem>>, vector<1x16xf32>,
      %get3A_367 = vector.shape_cast %get3A_366 : vector<1x16xf32> to vector<16xf32>
      %sub3A_368 = arith.subf %get3A_362, %get3A_367 : vector<16xf32>
      %add3A_369 = arith.constant 9.99999997E-7 : f32
      %add3A_370 = vector.broadcast %add3A_369 : f32 to vector<16xf32>
      %add3A_371 = arith.addf %sub3A_368, %add3A_370 : vector<16xf32>
      %mul3A_372 = arith.mulf %add3A_371, %add3A_371 : vector<16xf32>
      %add3A_373 = arith.addf %add3A_341, %mul3A_372 : vector<16xf32>
      %get3A_374 = arith.constant 1 : i32
      %get3A_375 = arith.index_cast %get3A_374 : i32 to index
      %get3A_376 = arith.constant 80 : index
      %get3A_377 = tpu.vector_load %arg8[%get3A_375, %get3A_376] {strides = array<i32>} : memref<16x128xf32, #tpu.memory_space<vmem>>, vector<1x16xf32>,
      %get3A_378 = vector.shape_cast %get3A_377 : vector<1x16xf32> to vector<16xf32>
      %get3A_379 = arith.constant 1 : i32
      %get3A_380 = arith.index_cast %get3A_379 : i32 to index
      %get3A_381 = arith.constant 80 : index
      %get3A_382 = tpu.vector_load %arg10[%get3A_380, %get3A_381] {strides = array<i32>} : memref<16x128xf32, #tpu.memory_space<vmem>>, vector<1x16xf32>,
      %get3A_383 = vector.shape_cast %get3A_382 : vector<1x16xf32> to vector<16xf32>
      %sub3A_384 = arith.subf %get3A_378, %get3A_383 : vector<16xf32>
      %add3A_385 = arith.constant 9.99999997E-7 : f32
      %add3A_386 = vector.broadcast %add3A_385 : f32 to vector<16xf32>
      %add3A_387 = arith.addf %sub3A_384, %add3A_386 : vector<16xf32>
      %mul3A_388 = arith.mulf %add3A_387, %add3A_387 : vector<16xf32>
      %add3A_389 = arith.addf %add3A_357, %mul3A_388 : vector<16xf32>
      %get3A_390 = arith.constant 1 : i32
      %get3A_391 = arith.index_cast %get3A_390 : i32 to index
      %get3A_392 = arith.constant 96 : index
      %get3A_393 = tpu.vector_load %arg8[%get3A_391, %get3A_392] {strides = array<i32>} : memref<16x128xf32, #tpu.memory_space<vmem>>, vector<1x16xf32>,
      %get3A_394 = vector.shape_cast %get3A_393 : vector<1x16xf32> to vector<16xf32>
      %get3A_395 = arith.constant 1 : i32
      %get3A_396 = arith.index_cast %get3A_395 : i32 to index
      %get3A_397 = arith.constant 96 : index
      %get3A_398 = tpu.vector_load %arg10[%get3A_396, %get3A_397] {strides = array<i32>} : memref<16x128xf32, #tpu.memory_space<vmem>>, vector<1x16xf32>,
      %get3A_399 = vector.shape_cast %get3A_398 : vector<1x16xf32> to vector<16xf32>
      %sub3A_400 = arith.subf %get3A_394, %get3A_399 : vector<16xf32>
      %add3A_401 = arith.constant 9.99999997E-7 : f32
      %add3A_402 = vector.broadcast %add3A_401 : f32 to vector<16xf32>
      %add3A_403 = arith.addf %sub3A_400, %add3A_402 : vector<16xf32>
      %mul3A_404 = arith.mulf %add3A_403, %add3A_403 : vector<16xf32>
      %add3A_405 = arith.addf %add3A_373, %mul3A_404 : vector<16xf32>
      %get3A_406 = arith.constant 1 : i32
      %get3A_407 = arith.index_cast %get3A_406 : i32 to index
      %get3A_408 = arith.constant 112 : index
      %get3A_409 = tpu.vector_load %arg8[%get3A_407, %get3A_408] {strides = array<i32>} : memref<16x128xf32, #tpu.memory_space<vmem>>, vector<1x16xf32>,
      %get3A_410 = vector.shape_cast %get3A_409 : vector<1x16xf32> to vector<16xf32>
      %get3A_411 = arith.constant 1 : i32
      %get3A_412 = arith.index_cast %get3A_411 : i32 to index
      %get3A_413 = arith.constant 112 : index
      %get3A_414 = tpu.vector_load %arg10[%get3A_412, %get3A_413] {strides = array<i32>} : memref<16x128xf32, #tpu.memory_space<vmem>>, vector<1x16xf32>,
      %get3A_415 = vector.shape_cast %get3A_414 : vector<1x16xf32> to vector<16xf32>
      %sub3A_416 = arith.subf %get3A_410, %get3A_415 : vector<16xf32>
      %add3A_417 = arith.constant 9.99999997E-7 : f32
      %add3A_418 = vector.broadcast %add3A_417 : f32 to vector<16xf32>
      %add3A_419 = arith.addf %sub3A_416, %add3A_418 : vector<16xf32>
      %mul3A_420 = arith.mulf %add3A_419, %add3A_419 : vector<16xf32>
      %add3A_421 = arith.addf %add3A_389, %mul3A_420 : vector<16xf32>
      %add3A_422 = arith.addf %add3A_405, %add3A_421 : vector<16xf32>
      %iota3A_423 = tpu.iota {dimensions = array<i32: 0>} : vector<16xi32>
      %add3A_424 = arith.constant 8 : i32
      %add3A_425 = vector.broadcast %add3A_424 : i32 to vector<16xi32>
      %add3A_426 = arith.addi %iota3A_423, %add3A_425 : vector<16xi32>
      %and3A_427 = arith.constant 15 : i32
      %and3A_428 = vector.broadcast %and3A_427 : i32 to vector<16xi32>
      %and3A_429 = arith.andi %add3A_426, %and3A_428 : vector<16xi32>
      %broadcast_in_dim3A_430 = vector.shape_cast %and3A_429 : vector<16xi32> to vector<16x1xi32>
      %gather3A_431 = vector.shape_cast %broadcast_in_dim3A_430 : vector<16x1xi32> to vector<16xi32>
      %gather3A_432 = tpu.dynamic_gather %add3A_422[%gather3A_431] in [0] : vector<16xf32>, vector<16xi32> -> vector<16xf32>
      %add3A_433 = arith.addf %add3A_422, %gather3A_432 : vector<16xf32>
      %add3A_434 = arith.constant 4 : i32
      %add3A_435 = vector.broadcast %add3A_434 : i32 to vector<16xi32>
      %add3A_436 = arith.addi %iota3A_423, %add3A_435 : vector<16xi32>
      %and3A_437 = arith.constant 15 : i32
      %and3A_438 = vector.broadcast %and3A_437 : i32 to vector<16xi32>
      %and3A_439 = arith.andi %add3A_436, %and3A_438 : vector<16xi32>
      %broadcast_in_dim3A_440 = vector.shape_cast %and3A_439 : vector<16xi32> to vector<16x1xi32>
      %gather3A_441 = vector.shape_cast %broadcast_in_dim3A_440 : vector<16x1xi32> to vector<16xi32>
      %gather3A_442 = tpu.dynamic_gather %add3A_433[%gather3A_441] in [0] : vector<16xf32>, vector<16xi32> -> vector<16xf32>
      %add3A_443 = arith.addf %add3A_433, %gather3A_442 : vector<16xf32>
      %add3A_444 = arith.constant 2 : i32
      %add3A_445 = vector.broadcast %add3A_444 : i32 to vector<16xi32>
      %add3A_446 = arith.addi %iota3A_423, %add3A_445 : vector<16xi32>
      %and3A_447 = arith.constant 15 : i32
      %and3A_448 = vector.broadcast %and3A_447 : i32 to vector<16xi32>
      %and3A_449 = arith.andi %add3A_446, %and3A_448 : vector<16xi32>
      %broadcast_in_dim3A_450 = vector.shape_cast %and3A_449 : vector<16xi32> to vector<16x1xi32>
      %gather3A_451 = vector.shape_cast %broadcast_in_dim3A_450 : vector<16x1xi32> to vector<16xi32>
      %gather3A_452 = tpu.dynamic_gather %add3A_443[%gather3A_451] in [0] : vector<16xf32>, vector<16xi32> -> vector<16xf32>
      %add3A_453 = arith.addf %add3A_443, %gather3A_452 : vector<16xf32>
      %add3A_454 = arith.constant 1 : i32
      %add3A_455 = vector.broadcast %add3A_454 : i32 to vector<16xi32>
      %add3A_456 = arith.addi %iota3A_423, %add3A_455 : vector<16xi32>
      %and3A_457 = arith.constant 15 : i32
      %and3A_458 = vector.broadcast %and3A_457 : i32 to vector<16xi32>
      %and3A_459 = arith.andi %add3A_456, %and3A_458 : vector<16xi32>
      %broadcast_in_dim3A_460 = vector.shape_cast %and3A_459 : vector<16xi32> to vector<16x1xi32>
      %gather3A_461 = vector.shape_cast %broadcast_in_dim3A_460 : vector<16x1xi32> to vector<16xi32>
      %gather3A_462 = tpu.dynamic_gather %add3A_453[%gather3A_461] in [0] : vector<16xf32>, vector<16xi32> -> vector<16xf32>
      %add3A_463 = arith.addf %add3A_453, %gather3A_462 : vector<16xf32>
      %eq3A_464 = arith.constant 1 : i32
      %eq3A_465 = vector.broadcast %eq3A_464 : i32 to vector<16xi32>
      %eq3A_466 = arith.cmpi eq, %iota3A, %eq3A_465 : vector<16xi32>
      %select_n3A_467 = arith.select %eq3A_466, %add3A_463, %select_n3A_289 : vector<16xi1>, vector<16xf32>
      %broadcast_in_dim3A_468 = arith.constant 0.000000e+00 : f32
      %broadcast_in_dim3A_469 = vector.broadcast %broadcast_in_dim3A_468 : f32 to vector<16xf32>
      %broadcast_in_dim3A_470 = arith.constant 0.000000e+00 : f32
      %broadcast_in_dim3A_471 = vector.broadcast %broadcast_in_dim3A_470 : f32 to vector<16xf32>
      %get3A_472 = arith.constant 2 : i32
      %get3A_473 = arith.index_cast %get3A_472 : i32 to index
      %get3A_474 = arith.constant 0 : index
      %get3A_475 = tpu.vector_load %arg8[%get3A_473, %get3A_474] {strides = array<i32>} : memref<16x128xf32, #tpu.memory_space<vmem>>, vector<1x16xf32>,
      %get3A_476 = vector.shape_cast %get3A_475 : vector<1x16xf32> to vector<16xf32>
      %get3A_477 = arith.constant 2 : i32
      %get3A_478 = arith.index_cast %get3A_477 : i32 to index
      %get3A_479 = arith.constant 0 : index
      %get3A_480 = tpu.vector_load %arg10[%get3A_478, %get3A_479] {strides = array<i32>} : memref<16x128xf32, #tpu.memory_space<vmem>>, vector<1x16xf32>,
      %get3A_481 = vector.shape_cast %get3A_480 : vector<1x16xf32> to vector<16xf32>
      %sub3A_482 = arith.subf %get3A_476, %get3A_481 : vector<16xf32>
      %add3A_483 = arith.constant 9.99999997E-7 : f32
      %add3A_484 = vector.broadcast %add3A_483 : f32 to vector<16xf32>
      %add3A_485 = arith.addf %sub3A_482, %add3A_484 : vector<16xf32>
      %mul3A_486 = arith.mulf %add3A_485, %add3A_485 : vector<16xf32>
      %add3A_487 = arith.addf %broadcast_in_dim3A_469, %mul3A_486 : vector<16xf32>
      %get3A_488 = arith.constant 2 : i32
      %get3A_489 = arith.index_cast %get3A_488 : i32 to index
      %get3A_490 = arith.constant 16 : index
      %get3A_491 = tpu.vector_load %arg8[%get3A_489, %get3A_490] {strides = array<i32>} : memref<16x128xf32, #tpu.memory_space<vmem>>, vector<1x16xf32>,
      %get3A_492 = vector.shape_cast %get3A_491 : vector<1x16xf32> to vector<16xf32>
      %get3A_493 = arith.constant 2 : i32
      %get3A_494 = arith.index_cast %get3A_493 : i32 to index
      %get3A_495 = arith.constant 16 : index
      %get3A_496 = tpu.vector_load %arg10[%get3A_494, %get3A_495] {strides = array<i32>} : memref<16x128xf32, #tpu.memory_space<vmem>>, vector<1x16xf32>,
      %get3A_497 = vector.shape_cast %get3A_496 : vector<1x16xf32> to vector<16xf32>
      %sub3A_498 = arith.subf %get3A_492, %get3A_497 : vector<16xf32>
      %add3A_499 = arith.constant 9.99999997E-7 : f32
      %add3A_500 = vector.broadcast %add3A_499 : f32 to vector<16xf32>
      %add3A_501 = arith.addf %sub3A_498, %add3A_500 : vector<16xf32>
      %mul3A_502 = arith.mulf %add3A_501, %add3A_501 : vector<16xf32>
      %add3A_503 = arith.addf %broadcast_in_dim3A_471, %mul3A_502 : vector<16xf32>
      %get3A_504 = arith.constant 2 : i32
      %get3A_505 = arith.index_cast %get3A_504 : i32 to index
      %get3A_506 = arith.constant 32 : index
      %get3A_507 = tpu.vector_load %arg8[%get3A_505, %get3A_506] {strides = array<i32>} : memref<16x128xf32, #tpu.memory_space<vmem>>, vector<1x16xf32>,
      %get3A_508 = vector.shape_cast %get3A_507 : vector<1x16xf32> to vector<16xf32>
      %get3A_509 = arith.constant 2 : i32
      %get3A_510 = arith.index_cast %get3A_509 : i32 to index
      %get3A_511 = arith.constant 32 : index
      %get3A_512 = tpu.vector_load %arg10[%get3A_510, %get3A_511] {strides = array<i32>} : memref<16x128xf32, #tpu.memory_space<vmem>>, vector<1x16xf32>,
      %get3A_513 = vector.shape_cast %get3A_512 : vector<1x16xf32> to vector<16xf32>
      %sub3A_514 = arith.subf %get3A_508, %get3A_513 : vector<16xf32>
      %add3A_515 = arith.constant 9.99999997E-7 : f32
      %add3A_516 = vector.broadcast %add3A_515 : f32 to vector<16xf32>
      %add3A_517 = arith.addf %sub3A_514, %add3A_516 : vector<16xf32>
      %mul3A_518 = arith.mulf %add3A_517, %add3A_517 : vector<16xf32>
      %add3A_519 = arith.addf %add3A_487, %mul3A_518 : vector<16xf32>
      %get3A_520 = arith.constant 2 : i32
      %get3A_521 = arith.index_cast %get3A_520 : i32 to index
      %get3A_522 = arith.constant 48 : index
      %get3A_523 = tpu.vector_load %arg8[%get3A_521, %get3A_522] {strides = array<i32>} : memref<16x128xf32, #tpu.memory_space<vmem>>, vector<1x16xf32>,
      %get3A_524 = vector.shape_cast %get3A_523 : vector<1x16xf32> to vector<16xf32>
      %get3A_525 = arith.constant 2 : i32
      %get3A_526 = arith.index_cast %get3A_525 : i32 to index
      %get3A_527 = arith.constant 48 : index
      %get3A_528 = tpu.vector_load %arg10[%get3A_526, %get3A_527] {strides = array<i32>} : memref<16x128xf32, #tpu.memory_space<vmem>>, vector<1x16xf32>,
      %get3A_529 = vector.shape_cast %get3A_528 : vector<1x16xf32> to vector<16xf32>
      %sub3A_530 = arith.subf %get3A_524, %get3A_529 : vector<16xf32>
      %add3A_531 = arith.constant 9.99999997E-7 : f32
      %add3A_532 = vector.broadcast %add3A_531 : f32 to vector<16xf32>
      %add3A_533 = arith.addf %sub3A_530, %add3A_532 : vector<16xf32>
      %mul3A_534 = arith.mulf %add3A_533, %add3A_533 : vector<16xf32>
      %add3A_535 = arith.addf %add3A_503, %mul3A_534 : vector<16xf32>
      %get3A_536 = arith.constant 2 : i32
      %get3A_537 = arith.index_cast %get3A_536 : i32 to index
      %get3A_538 = arith.constant 64 : index
      %get3A_539 = tpu.vector_load %arg8[%get3A_537, %get3A_538] {strides = array<i32>} : memref<16x128xf32, #tpu.memory_space<vmem>>, vector<1x16xf32>,
      %get3A_540 = vector.shape_cast %get3A_539 : vector<1x16xf32> to vector<16xf32>
      %get3A_541 = arith.constant 2 : i32
      %get3A_542 = arith.index_cast %get3A_541 : i32 to index
      %get3A_543 = arith.constant 64 : index
      %get3A_544 = tpu.vector_load %arg10[%get3A_542, %get3A_543] {strides = array<i32>} : memref<16x128xf32, #tpu.memory_space<vmem>>, vector<1x16xf32>,
      %get3A_545 = vector.shape_cast %get3A_544 : vector<1x16xf32> to vector<16xf32>
      %sub3A_546 = arith.subf %get3A_540, %get3A_545 : vector<16xf32>
      %add3A_547 = arith.constant 9.99999997E-7 : f32
      %add3A_548 = vector.broadcast %add3A_547 : f32 to vector<16xf32>
      %add3A_549 = arith.addf %sub3A_546, %add3A_548 : vector<16xf32>
      %mul3A_550 = arith.mulf %add3A_549, %add3A_549 : vector<16xf32>
      %add3A_551 = arith.addf %add3A_519, %mul3A_550 : vector<16xf32>
      %get3A_552 = arith.constant 2 : i32
      %get3A_553 = arith.index_cast %get3A_552 : i32 to index
      %get3A_554 = arith.constant 80 : index
      %get3A_555 = tpu.vector_load %arg8[%get3A_553, %get3A_554] {strides = array<i32>} : memref<16x128xf32, #tpu.memory_space<vmem>>, vector<1x16xf32>,
      %get3A_556 = vector.shape_cast %get3A_555 : vector<1x16xf32> to vector<16xf32>
      %get3A_557 = arith.constant 2 : i32
      %get3A_558 = arith.index_cast %get3A_557 : i32 to index
      %get3A_559 = arith.constant 80 : index
      %get3A_560 = tpu.vector_load %arg10[%get3A_558, %get3A_559] {strides = array<i32>} : memref<16x128xf32, #tpu.memory_space<vmem>>, vector<1x16xf32>,
      %get3A_561 = vector.shape_cast %get3A_560 : vector<1x16xf32> to vector<16xf32>
      %sub3A_562 = arith.subf %get3A_556, %get3A_561 : vector<16xf32>
      %add3A_563 = arith.constant 9.99999997E-7 : f32
      %add3A_564 = vector.broadcast %add3A_563 : f32 to vector<16xf32>
      %add3A_565 = arith.addf %sub3A_562, %add3A_564 : vector<16xf32>
      %mul3A_566 = arith.mulf %add3A_565, %add3A_565 : vector<16xf32>
      %add3A_567 = arith.addf %add3A_535, %mul3A_566 : vector<16xf32>
      %get3A_568 = arith.constant 2 : i32
      %get3A_569 = arith.index_cast %get3A_568 : i32 to index
      %get3A_570 = arith.constant 96 : index
      %get3A_571 = tpu.vector_load %arg8[%get3A_569, %get3A_570] {strides = array<i32>} : memref<16x128xf32, #tpu.memory_space<vmem>>, vector<1x16xf32>,
      %get3A_572 = vector.shape_cast %get3A_571 : vector<1x16xf32> to vector<16xf32>
      %get3A_573 = arith.constant 2 : i32
      %get3A_574 = arith.index_cast %get3A_573 : i32 to index
      %get3A_575 = arith.constant 96 : index
      %get3A_576 = tpu.vector_load %arg10[%get3A_574, %get3A_575] {strides = array<i32>} : memref<16x128xf32, #tpu.memory_space<vmem>>, vector<1x16xf32>,
      %get3A_577 = vector.shape_cast %get3A_576 : vector<1x16xf32> to vector<16xf32>
      %sub3A_578 = arith.subf %get3A_572, %get3A_577 : vector<16xf32>
      %add3A_579 = arith.constant 9.99999997E-7 : f32
      %add3A_580 = vector.broadcast %add3A_579 : f32 to vector<16xf32>
      %add3A_581 = arith.addf %sub3A_578, %add3A_580 : vector<16xf32>
      %mul3A_582 = arith.mulf %add3A_581, %add3A_581 : vector<16xf32>
      %add3A_583 = arith.addf %add3A_551, %mul3A_582 : vector<16xf32>
      %get3A_584 = arith.constant 2 : i32
      %get3A_585 = arith.index_cast %get3A_584 : i32 to index
      %get3A_586 = arith.constant 112 : index
      %get3A_587 = tpu.vector_load %arg8[%get3A_585, %get3A_586] {strides = array<i32>} : memref<16x128xf32, #tpu.memory_space<vmem>>, vector<1x16xf32>,
      %get3A_588 = vector.shape_cast %get3A_587 : vector<1x16xf32> to vector<16xf32>
      %get3A_589 = arith.constant 2 : i32
      %get3A_590 = arith.index_cast %get3A_589 : i32 to index
      %get3A_591 = arith.constant 112 : index
      %get3A_592 = tpu.vector_load %arg10[%get3A_590, %get3A_591] {strides = array<i32>} : memref<16x128xf32, #tpu.memory_space<vmem>>, vector<1x16xf32>,
      %get3A_593 = vector.shape_cast %get3A_592 : vector<1x16xf32> to vector<16xf32>
      %sub3A_594 = arith.subf %get3A_588, %get3A_593 : vector<16xf32>
      %add3A_595 = arith.constant 9.99999997E-7 : f32
      %add3A_596 = vector.broadcast %add3A_595 : f32 to vector<16xf32>
      %add3A_597 = arith.addf %sub3A_594, %add3A_596 : vector<16xf32>
      %mul3A_598 = arith.mulf %add3A_597, %add3A_597 : vector<16xf32>
      %add3A_599 = arith.addf %add3A_567, %mul3A_598 : vector<16xf32>
      %add3A_600 = arith.addf %add3A_583, %add3A_599 : vector<16xf32>
      %iota3A_601 = tpu.iota {dimensions = array<i32: 0>} : vector<16xi32>
      %add3A_602 = arith.constant 8 : i32
      %add3A_603 = vector.broadcast %add3A_602 : i32 to vector<16xi32>
      %add3A_604 = arith.addi %iota3A_601, %add3A_603 : vector<16xi32>
      %and3A_605 = arith.constant 15 : i32
      %and3A_606 = vector.broadcast %and3A_605 : i32 to vector<16xi32>
      %and3A_607 = arith.andi %add3A_604, %and3A_606 : vector<16xi32>
      %broadcast_in_dim3A_608 = vector.shape_cast %and3A_607 : vector<16xi32> to vector<16x1xi32>
      %gather3A_609 = vector.shape_cast %broadcast_in_dim3A_608 : vector<16x1xi32> to vector<16xi32>
      %gather3A_610 = tpu.dynamic_gather %add3A_600[%gather3A_609] in [0] : vector<16xf32>, vector<16xi32> -> vector<16xf32>
      %add3A_611 = arith.addf %add3A_600, %gather3A_610 : vector<16xf32>
      %add3A_612 = arith.constant 4 : i32
      %add3A_613 = vector.broadcast %add3A_612 : i32 to vector<16xi32>
      %add3A_614 = arith.addi %iota3A_601, %add3A_613 : vector<16xi32>
      %and3A_615 = arith.constant 15 : i32
      %and3A_616 = vector.broadcast %and3A_615 : i32 to vector<16xi32>
      %and3A_617 = arith.andi %add3A_614, %and3A_616 : vector<16xi32>
      %broadcast_in_dim3A_618 = vector.shape_cast %and3A_617 : vector<16xi32> to vector<16x1xi32>
      %gather3A_619 = vector.shape_cast %broadcast_in_dim3A_618 : vector<16x1xi32> to vector<16xi32>
      %gather3A_620 = tpu.dynamic_gather %add3A_611[%gather3A_619] in [0] : vector<16xf32>, vector<16xi32> -> vector<16xf32>
      %add3A_621 = arith.addf %add3A_611, %gather3A_620 : vector<16xf32>
      %add3A_622 = arith.constant 2 : i32
      %add3A_623 = vector.broadcast %add3A_622 : i32 to vector<16xi32>
      %add3A_624 = arith.addi %iota3A_601, %add3A_623 : vector<16xi32>
      %and3A_625 = arith.constant 15 : i32
      %and3A_626 = vector.broadcast %and3A_625 : i32 to vector<16xi32>
      %and3A_627 = arith.andi %add3A_624, %and3A_626 : vector<16xi32>
      %broadcast_in_dim3A_628 = vector.shape_cast %and3A_627 : vector<16xi32> to vector<16x1xi32>
      %gather3A_629 = vector.shape_cast %broadcast_in_dim3A_628 : vector<16x1xi32> to vector<16xi32>
      %gather3A_630 = tpu.dynamic_gather %add3A_621[%gather3A_629] in [0] : vector<16xf32>, vector<16xi32> -> vector<16xf32>
      %add3A_631 = arith.addf %add3A_621, %gather3A_630 : vector<16xf32>
      %add3A_632 = arith.constant 1 : i32
      %add3A_633 = vector.broadcast %add3A_632 : i32 to vector<16xi32>
      %add3A_634 = arith.addi %iota3A_601, %add3A_633 : vector<16xi32>
      %and3A_635 = arith.constant 15 : i32
      %and3A_636 = vector.broadcast %and3A_635 : i32 to vector<16xi32>
      %and3A_637 = arith.andi %add3A_634, %and3A_636 : vector<16xi32>
      %broadcast_in_dim3A_638 = vector.shape_cast %and3A_637 : vector<16xi32> to vector<16x1xi32>
      %gather3A_639 = vector.shape_cast %broadcast_in_dim3A_638 : vector<16x1xi32> to vector<16xi32>
      %gather3A_640 = tpu.dynamic_gather %add3A_631[%gather3A_639] in [0] : vector<16xf32>, vector<16xi32> -> vector<16xf32>
      %add3A_641 = arith.addf %add3A_631, %gather3A_640 : vector<16xf32>
      %eq3A_642 = arith.constant 2 : i32
      %eq3A_643 = vector.broadcast %eq3A_642 : i32 to vector<16xi32>
      %eq3A_644 = arith.cmpi eq, %iota3A, %eq3A_643 : vector<16xi32>
      %select_n3A_645 = arith.select %eq3A_644, %add3A_641, %select_n3A_467 : vector<16xi1>, vector<16xf32>
      %broadcast_in_dim3A_646 = arith.constant 0.000000e+00 : f32
      %broadcast_in_dim3A_647 = vector.broadcast %broadcast_in_dim3A_646 : f32 to vector<16xf32>
      %broadcast_in_dim3A_648 = arith.constant 0.000000e+00 : f32
      %broadcast_in_dim3A_649 = vector.broadcast %broadcast_in_dim3A_648 : f32 to vector<16xf32>
      %get3A_650 = arith.constant 3 : i32
      %get3A_651 = arith.index_cast %get3A_650 : i32 to index
      %get3A_652 = arith.constant 0 : index
      %get3A_653 = tpu.vector_load %arg8[%get3A_651, %get3A_652] {strides = array<i32>} : memref<16x128xf32, #tpu.memory_space<vmem>>, vector<1x16xf32>,
      %get3A_654 = vector.shape_cast %get3A_653 : vector<1x16xf32> to vector<16xf32>
      %get3A_655 = arith.constant 3 : i32
      %get3A_656 = arith.index_cast %get3A_655 : i32 to index
      %get3A_657 = arith.constant 0 : index
      %get3A_658 = tpu.vector_load %arg10[%get3A_656, %get3A_657] {strides = array<i32>} : memref<16x128xf32, #tpu.memory_space<vmem>>, vector<1x16xf32>,
      %get3A_659 = vector.shape_cast %get3A_658 : vector<1x16xf32> to vector<16xf32>
      %sub3A_660 = arith.subf %get3A_654, %get3A_659 : vector<16xf32>
      %add3A_661 = arith.constant 9.99999997E-7 : f32
      %add3A_662 = vector.broadcast %add3A_661 : f32 to vector<16xf32>
      %add3A_663 = arith.addf %sub3A_660, %add3A_662 : vector<16xf32>
      %mul3A_664 = arith.mulf %add3A_663, %add3A_663 : vector<16xf32>
      %add3A_665 = arith.addf %broadcast_in_dim3A_647, %mul3A_664 : vector<16xf32>
      %get3A_666 = arith.constant 3 : i32
      %get3A_667 = arith.index_cast %get3A_666 : i32 to index
      %get3A_668 = arith.constant 16 : index
      %get3A_669 = tpu.vector_load %arg8[%get3A_667, %get3A_668] {strides = array<i32>} : memref<16x128xf32, #tpu.memory_space<vmem>>, vector<1x16xf32>,
      %get3A_670 = vector.shape_cast %get3A_669 : vector<1x16xf32> to vector<16xf32>
      %get3A_671 = arith.constant 3 : i32
      %get3A_672 = arith.index_cast %get3A_671 : i32 to index
      %get3A_673 = arith.constant 16 : index
      %get3A_674 = tpu.vector_load %arg10[%get3A_672, %get3A_673] {strides = array<i32>} : memref<16x128xf32, #tpu.memory_space<vmem>>, vector<1x16xf32>,
      %get3A_675 = vector.shape_cast %get3A_674 : vector<1x16xf32> to vector<16xf32>
      %sub3A_676 = arith.subf %get3A_670, %get3A_675 : vector<16xf32>
      %add3A_677 = arith.constant 9.99999997E-7 : f32
      %add3A_678 = vector.broadcast %add3A_677 : f32 to vector<16xf32>
      %add3A_679 = arith.addf %sub3A_676, %add3A_678 : vector<16xf32>
      %mul3A_680 = arith.mulf %add3A_679, %add3A_679 : vector<16xf32>
      %add3A_681 = arith.addf %broadcast_in_dim3A_649, %mul3A_680 : vector<16xf32>
      %get3A_682 = arith.constant 3 : i32
      %get3A_683 = arith.index_cast %get3A_682 : i32 to index
      %get3A_684 = arith.constant 32 : index
      %get3A_685 = tpu.vector_load %arg8[%get3A_683, %get3A_684] {strides = array<i32>} : memref<16x128xf32, #tpu.memory_space<vmem>>, vector<1x16xf32>,
      %get3A_686 = vector.shape_cast %get3A_685 : vector<1x16xf32> to vector<16xf32>
      %get3A_687 = arith.constant 3 : i32
      %get3A_688 = arith.index_cast %get3A_687 : i32 to index
      %get3A_689 = arith.constant 32 : index
      %get3A_690 = tpu.vector_load %arg10[%get3A_688, %get3A_689] {strides = array<i32>} : memref<16x128xf32, #tpu.memory_space<vmem>>, vector<1x16xf32>,
      %get3A_691 = vector.shape_cast %get3A_690 : vector<1x16xf32> to vector<16xf32>
      %sub3A_692 = arith.subf %get3A_686, %get3A_691 : vector<16xf32>
      %add3A_693 = arith.constant 9.99999997E-7 : f32
      %add3A_694 = vector.broadcast %add3A_693 : f32 to vector<16xf32>
      %add3A_695 = arith.addf %sub3A_692, %add3A_694 : vector<16xf32>
      %mul3A_696 = arith.mulf %add3A_695, %add3A_695 : vector<16xf32>
      %add3A_697 = arith.addf %add3A_665, %mul3A_696 : vector<16xf32>
      %get3A_698 = arith.constant 3 : i32
      %get3A_699 = arith.index_cast %get3A_698 : i32 to index
      %get3A_700 = arith.constant 48 : index
      %get3A_701 = tpu.vector_load %arg8[%get3A_699, %get3A_700] {strides = array<i32>} : memref<16x128xf32, #tpu.memory_space<vmem>>, vector<1x16xf32>,
      %get3A_702 = vector.shape_cast %get3A_701 : vector<1x16xf32> to vector<16xf32>
      %get3A_703 = arith.constant 3 : i32
      %get3A_704 = arith.index_cast %get3A_703 : i32 to index
      %get3A_705 = arith.constant 48 : index
      %get3A_706 = tpu.vector_load %arg10[%get3A_704, %get3A_705] {strides = array<i32>} : memref<16x128xf32, #tpu.memory_space<vmem>>, vector<1x16xf32>,
      %get3A_707 = vector.shape_cast %get3A_706 : vector<1x16xf32> to vector<16xf32>
      %sub3A_708 = arith.subf %get3A_702, %get3A_707 : vector<16xf32>
      %add3A_709 = arith.constant 9.99999997E-7 : f32
      %add3A_710 = vector.broadcast %add3A_709 : f32 to vector<16xf32>
      %add3A_711 = arith.addf %sub3A_708, %add3A_710 : vector<16xf32>
      %mul3A_712 = arith.mulf %add3A_711, %add3A_711 : vector<16xf32>
      %add3A_713 = arith.addf %add3A_681, %mul3A_712 : vector<16xf32>
      %get3A_714 = arith.constant 3 : i32
      %get3A_715 = arith.index_cast %get3A_714 : i32 to index
      %get3A_716 = arith.constant 64 : index
      %get3A_717 = tpu.vector_load %arg8[%get3A_715, %get3A_716] {strides = array<i32>} : memref<16x128xf32, #tpu.memory_space<vmem>>, vector<1x16xf32>,
      %get3A_718 = vector.shape_cast %get3A_717 : vector<1x16xf32> to vector<16xf32>
      %get3A_719 = arith.constant 3 : i32
      %get3A_720 = arith.index_cast %get3A_719 : i32 to index
      %get3A_721 = arith.constant 64 : index
      %get3A_722 = tpu.vector_load %arg10[%get3A_720, %get3A_721] {strides = array<i32>} : memref<16x128xf32, #tpu.memory_space<vmem>>, vector<1x16xf32>,
      %get3A_723 = vector.shape_cast %get3A_722 : vector<1x16xf32> to vector<16xf32>
      %sub3A_724 = arith.subf %get3A_718, %get3A_723 : vector<16xf32>
      %add3A_725 = arith.constant 9.99999997E-7 : f32
      %add3A_726 = vector.broadcast %add3A_725 : f32 to vector<16xf32>
      %add3A_727 = arith.addf %sub3A_724, %add3A_726 : vector<16xf32>
      %mul3A_728 = arith.mulf %add3A_727, %add3A_727 : vector<16xf32>
      %add3A_729 = arith.addf %add3A_697, %mul3A_728 : vector<16xf32>
      %get3A_730 = arith.constant 3 : i32
      %get3A_731 = arith.index_cast %get3A_730 : i32 to index
      %get3A_732 = arith.constant 80 : index
      %get3A_733 = tpu.vector_load %arg8[%get3A_731, %get3A_732] {strides = array<i32>} : memref<16x128xf32, #tpu.memory_space<vmem>>, vector<1x16xf32>,
      %get3A_734 = vector.shape_cast %get3A_733 : vector<1x16xf32> to vector<16xf32>
      %get3A_735 = arith.constant 3 : i32
      %get3A_736 = arith.index_cast %get3A_735 : i32 to index
      %get3A_737 = arith.constant 80 : index
      %get3A_738 = tpu.vector_load %arg10[%get3A_736, %get3A_737] {strides = array<i32>} : memref<16x128xf32, #tpu.memory_space<vmem>>, vector<1x16xf32>,
      %get3A_739 = vector.shape_cast %get3A_738 : vector<1x16xf32> to vector<16xf32>
      %sub3A_740 = arith.subf %get3A_734, %get3A_739 : vector<16xf32>
      %add3A_741 = arith.constant 9.99999997E-7 : f32
      %add3A_742 = vector.broadcast %add3A_741 : f32 to vector<16xf32>
      %add3A_743 = arith.addf %sub3A_740, %add3A_742 : vector<16xf32>
      %mul3A_744 = arith.mulf %add3A_743, %add3A_743 : vector<16xf32>
      %add3A_745 = arith.addf %add3A_713, %mul3A_744 : vector<16xf32>
      %get3A_746 = arith.constant 3 : i32
      %get3A_747 = arith.index_cast %get3A_746 : i32 to index
      %get3A_748 = arith.constant 96 : index
      %get3A_749 = tpu.vector_load %arg8[%get3A_747, %get3A_748] {strides = array<i32>} : memref<16x128xf32, #tpu.memory_space<vmem>>, vector<1x16xf32>,
      %get3A_750 = vector.shape_cast %get3A_749 : vector<1x16xf32> to vector<16xf32>
      %get3A_751 = arith.constant 3 : i32
      %get3A_752 = arith.index_cast %get3A_751 : i32 to index
      %get3A_753 = arith.constant 96 : index
      %get3A_754 = tpu.vector_load %arg10[%get3A_752, %get3A_753] {strides = array<i32>} : memref<16x128xf32, #tpu.memory_space<vmem>>, vector<1x16xf32>,
      %get3A_755 = vector.shape_cast %get3A_754 : vector<1x16xf32> to vector<16xf32>
      %sub3A_756 = arith.subf %get3A_750, %get3A_755 : vector<16xf32>
      %add3A_757 = arith.constant 9.99999997E-7 : f32
      %add3A_758 = vector.broadcast %add3A_757 : f32 to vector<16xf32>
      %add3A_759 = arith.addf %sub3A_756, %add3A_758 : vector<16xf32>
      %mul3A_760 = arith.mulf %add3A_759, %add3A_759 : vector<16xf32>
      %add3A_761 = arith.addf %add3A_729, %mul3A_760 : vector<16xf32>
      %get3A_762 = arith.constant 3 : i32
      %get3A_763 = arith.index_cast %get3A_762 : i32 to index
      %get3A_764 = arith.constant 112 : index
      %get3A_765 = tpu.vector_load %arg8[%get3A_763, %get3A_764] {strides = array<i32>} : memref<16x128xf32, #tpu.memory_space<vmem>>, vector<1x16xf32>,
      %get3A_766 = vector.shape_cast %get3A_765 : vector<1x16xf32> to vector<16xf32>
      %get3A_767 = arith.constant 3 : i32
      %get3A_768 = arith.index_cast %get3A_767 : i32 to index
      %get3A_769 = arith.constant 112 : index
      %get3A_770 = tpu.vector_load %arg10[%get3A_768, %get3A_769] {strides = array<i32>} : memref<16x128xf32, #tpu.memory_space<vmem>>, vector<1x16xf32>,
      %get3A_771 = vector.shape_cast %get3A_770 : vector<1x16xf32> to vector<16xf32>
      %sub3A_772 = arith.subf %get3A_766, %get3A_771 : vector<16xf32>
      %add3A_773 = arith.constant 9.99999997E-7 : f32
      %add3A_774 = vector.broadcast %add3A_773 : f32 to vector<16xf32>
      %add3A_775 = arith.addf %sub3A_772, %add3A_774 : vector<16xf32>
      %mul3A_776 = arith.mulf %add3A_775, %add3A_775 : vector<16xf32>
      %add3A_777 = arith.addf %add3A_745, %mul3A_776 : vector<16xf32>
      %add3A_778 = arith.addf %add3A_761, %add3A_777 : vector<16xf32>
      %iota3A_779 = tpu.iota {dimensions = array<i32: 0>} : vector<16xi32>
      %add3A_780 = arith.constant 8 : i32
      %add3A_781 = vector.broadcast %add3A_780 : i32 to vector<16xi32>
      %add3A_782 = arith.addi %iota3A_779, %add3A_781 : vector<16xi32>
      %and3A_783 = arith.constant 15 : i32
      %and3A_784 = vector.broadcast %and3A_783 : i32 to vector<16xi32>
      %and3A_785 = arith.andi %add3A_782, %and3A_784 : vector<16xi32>
      %broadcast_in_dim3A_786 = vector.shape_cast %and3A_785 : vector<16xi32> to vector<16x1xi32>
      %gather3A_787 = vector.shape_cast %broadcast_in_dim3A_786 : vector<16x1xi32> to vector<16xi32>
      %gather3A_788 = tpu.dynamic_gather %add3A_778[%gather3A_787] in [0] : vector<16xf32>, vector<16xi32> -> vector<16xf32>
      %add3A_789 = arith.addf %add3A_778, %gather3A_788 : vector<16xf32>
      %add3A_790 = arith.constant 4 : i32
      %add3A_791 = vector.broadcast %add3A_790 : i32 to vector<16xi32>
      %add3A_792 = arith.addi %iota3A_779, %add3A_791 : vector<16xi32>
      %and3A_793 = arith.constant 15 : i32
      %and3A_794 = vector.broadcast %and3A_793 : i32 to vector<16xi32>
      %and3A_795 = arith.andi %add3A_792, %and3A_794 : vector<16xi32>
      %broadcast_in_dim3A_796 = vector.shape_cast %and3A_795 : vector<16xi32> to vector<16x1xi32>
      %gather3A_797 = vector.shape_cast %broadcast_in_dim3A_796 : vector<16x1xi32> to vector<16xi32>
      %gather3A_798 = tpu.dynamic_gather %add3A_789[%gather3A_797] in [0] : vector<16xf32>, vector<16xi32> -> vector<16xf32>
      %add3A_799 = arith.addf %add3A_789, %gather3A_798 : vector<16xf32>
      %add3A_800 = arith.constant 2 : i32
      %add3A_801 = vector.broadcast %add3A_800 : i32 to vector<16xi32>
      %add3A_802 = arith.addi %iota3A_779, %add3A_801 : vector<16xi32>
      %and3A_803 = arith.constant 15 : i32
      %and3A_804 = vector.broadcast %and3A_803 : i32 to vector<16xi32>
      %and3A_805 = arith.andi %add3A_802, %and3A_804 : vector<16xi32>
      %broadcast_in_dim3A_806 = vector.shape_cast %and3A_805 : vector<16xi32> to vector<16x1xi32>
      %gather3A_807 = vector.shape_cast %broadcast_in_dim3A_806 : vector<16x1xi32> to vector<16xi32>
      %gather3A_808 = tpu.dynamic_gather %add3A_799[%gather3A_807] in [0] : vector<16xf32>, vector<16xi32> -> vector<16xf32>
      %add3A_809 = arith.addf %add3A_799, %gather3A_808 : vector<16xf32>
      %add3A_810 = arith.constant 1 : i32
      %add3A_811 = vector.broadcast %add3A_810 : i32 to vector<16xi32>
      %add3A_812 = arith.addi %iota3A_779, %add3A_811 : vector<16xi32>
      %and3A_813 = arith.constant 15 : i32
      %and3A_814 = vector.broadcast %and3A_813 : i32 to vector<16xi32>
      %and3A_815 = arith.andi %add3A_812, %and3A_814 : vector<16xi32>
      %broadcast_in_dim3A_816 = vector.shape_cast %and3A_815 : vector<16xi32> to vector<16x1xi32>
      %gather3A_817 = vector.shape_cast %broadcast_in_dim3A_816 : vector<16x1xi32> to vector<16xi32>
      %gather3A_818 = tpu.dynamic_gather %add3A_809[%gather3A_817] in [0] : vector<16xf32>, vector<16xi32> -> vector<16xf32>
      %add3A_819 = arith.addf %add3A_809, %gather3A_818 : vector<16xf32>
      %eq3A_820 = arith.constant 3 : i32
      %eq3A_821 = vector.broadcast %eq3A_820 : i32 to vector<16xi32>
      %eq3A_822 = arith.cmpi eq, %iota3A, %eq3A_821 : vector<16xi32>
      %select_n3A_823 = arith.select %eq3A_822, %add3A_819, %select_n3A_645 : vector<16xi1>, vector<16xf32>
      %broadcast_in_dim3A_824 = arith.constant 0.000000e+00 : f32
      %broadcast_in_dim3A_825 = vector.broadcast %broadcast_in_dim3A_824 : f32 to vector<16xf32>
      %broadcast_in_dim3A_826 = arith.constant 0.000000e+00 : f32
      %broadcast_in_dim3A_827 = vector.broadcast %broadcast_in_dim3A_826 : f32 to vector<16xf32>
      %get3A_828 = arith.constant 4 : i32
      %get3A_829 = arith.index_cast %get3A_828 : i32 to index
      %get3A_830 = arith.constant 0 : index
      %get3A_831 = tpu.vector_load %arg8[%get3A_829, %get3A_830] {strides = array<i32>} : memref<16x128xf32, #tpu.memory_space<vmem>>, vector<1x16xf32>,
      %get3A_832 = vector.shape_cast %get3A_831 : vector<1x16xf32> to vector<16xf32>
      %get3A_833 = arith.constant 4 : i32
      %get3A_834 = arith.index_cast %get3A_833 : i32 to index
      %get3A_835 = arith.constant 0 : index
      %get3A_836 = tpu.vector_load %arg10[%get3A_834, %get3A_835] {strides = array<i32>} : memref<16x128xf32, #tpu.memory_space<vmem>>, vector<1x16xf32>,
      %get3A_837 = vector.shape_cast %get3A_836 : vector<1x16xf32> to vector<16xf32>
      %sub3A_838 = arith.subf %get3A_832, %get3A_837 : vector<16xf32>
      %add3A_839 = arith.constant 9.99999997E-7 : f32
      %add3A_840 = vector.broadcast %add3A_839 : f32 to vector<16xf32>
      %add3A_841 = arith.addf %sub3A_838, %add3A_840 : vector<16xf32>
      %mul3A_842 = arith.mulf %add3A_841, %add3A_841 : vector<16xf32>
      %add3A_843 = arith.addf %broadcast_in_dim3A_825, %mul3A_842 : vector<16xf32>
      %get3A_844 = arith.constant 4 : i32
      %get3A_845 = arith.index_cast %get3A_844 : i32 to index
      %get3A_846 = arith.constant 16 : index
      %get3A_847 = tpu.vector_load %arg8[%get3A_845, %get3A_846] {strides = array<i32>} : memref<16x128xf32, #tpu.memory_space<vmem>>, vector<1x16xf32>,
      %get3A_848 = vector.shape_cast %get3A_847 : vector<1x16xf32> to vector<16xf32>
      %get3A_849 = arith.constant 4 : i32
      %get3A_850 = arith.index_cast %get3A_849 : i32 to index
      %get3A_851 = arith.constant 16 : index
      %get3A_852 = tpu.vector_load %arg10[%get3A_850, %get3A_851] {strides = array<i32>} : memref<16x128xf32, #tpu.memory_space<vmem>>, vector<1x16xf32>,
      %get3A_853 = vector.shape_cast %get3A_852 : vector<1x16xf32> to vector<16xf32>
      %sub3A_854 = arith.subf %get3A_848, %get3A_853 : vector<16xf32>
      %add3A_855 = arith.constant 9.99999997E-7 : f32
      %add3A_856 = vector.broadcast %add3A_855 : f32 to vector<16xf32>
      %add3A_857 = arith.addf %sub3A_854, %add3A_856 : vector<16xf32>
      %mul3A_858 = arith.mulf %add3A_857, %add3A_857 : vector<16xf32>
      %add3A_859 = arith.addf %broadcast_in_dim3A_827, %mul3A_858 : vector<16xf32>
      %get3A_860 = arith.constant 4 : i32
      %get3A_861 = arith.index_cast %get3A_860 : i32 to index
      %get3A_862 = arith.constant 32 : index
      %get3A_863 = tpu.vector_load %arg8[%get3A_861, %get3A_862] {strides = array<i32>} : memref<16x128xf32, #tpu.memory_space<vmem>>, vector<1x16xf32>,
      %get3A_864 = vector.shape_cast %get3A_863 : vector<1x16xf32> to vector<16xf32>
      %get3A_865 = arith.constant 4 : i32
      %get3A_866 = arith.index_cast %get3A_865 : i32 to index
      %get3A_867 = arith.constant 32 : index
      %get3A_868 = tpu.vector_load %arg10[%get3A_866, %get3A_867] {strides = array<i32>} : memref<16x128xf32, #tpu.memory_space<vmem>>, vector<1x16xf32>,
      %get3A_869 = vector.shape_cast %get3A_868 : vector<1x16xf32> to vector<16xf32>
      %sub3A_870 = arith.subf %get3A_864, %get3A_869 : vector<16xf32>
      %add3A_871 = arith.constant 9.99999997E-7 : f32
      %add3A_872 = vector.broadcast %add3A_871 : f32 to vector<16xf32>
      %add3A_873 = arith.addf %sub3A_870, %add3A_872 : vector<16xf32>
      %mul3A_874 = arith.mulf %add3A_873, %add3A_873 : vector<16xf32>
      %add3A_875 = arith.addf %add3A_843, %mul3A_874 : vector<16xf32>
      %get3A_876 = arith.constant 4 : i32
      %get3A_877 = arith.index_cast %get3A_876 : i32 to index
      %get3A_878 = arith.constant 48 : index
      %get3A_879 = tpu.vector_load %arg8[%get3A_877, %get3A_878] {strides = array<i32>} : memref<16x128xf32, #tpu.memory_space<vmem>>, vector<1x16xf32>,
      %get3A_880 = vector.shape_cast %get3A_879 : vector<1x16xf32> to vector<16xf32>
      %get3A_881 = arith.constant 4 : i32
      %get3A_882 = arith.index_cast %get3A_881 : i32 to index
      %get3A_883 = arith.constant 48 : index
      %get3A_884 = tpu.vector_load %arg10[%get3A_882, %get3A_883] {strides = array<i32>} : memref<16x128xf32, #tpu.memory_space<vmem>>, vector<1x16xf32>,
      %get3A_885 = vector.shape_cast %get3A_884 : vector<1x16xf32> to vector<16xf32>
      %sub3A_886 = arith.subf %get3A_880, %get3A_885 : vector<16xf32>
      %add3A_887 = arith.constant 9.99999997E-7 : f32
      %add3A_888 = vector.broadcast %add3A_887 : f32 to vector<16xf32>
      %add3A_889 = arith.addf %sub3A_886, %add3A_888 : vector<16xf32>
      %mul3A_890 = arith.mulf %add3A_889, %add3A_889 : vector<16xf32>
      %add3A_891 = arith.addf %add3A_859, %mul3A_890 : vector<16xf32>
      %get3A_892 = arith.constant 4 : i32
      %get3A_893 = arith.index_cast %get3A_892 : i32 to index
      %get3A_894 = arith.constant 64 : index
      %get3A_895 = tpu.vector_load %arg8[%get3A_893, %get3A_894] {strides = array<i32>} : memref<16x128xf32, #tpu.memory_space<vmem>>, vector<1x16xf32>,
      %get3A_896 = vector.shape_cast %get3A_895 : vector<1x16xf32> to vector<16xf32>
      %get3A_897 = arith.constant 4 : i32
      %get3A_898 = arith.index_cast %get3A_897 : i32 to index
      %get3A_899 = arith.constant 64 : index
      %get3A_900 = tpu.vector_load %arg10[%get3A_898, %get3A_899] {strides = array<i32>} : memref<16x128xf32, #tpu.memory_space<vmem>>, vector<1x16xf32>,
      %get3A_901 = vector.shape_cast %get3A_900 : vector<1x16xf32> to vector<16xf32>
      %sub3A_902 = arith.subf %get3A_896, %get3A_901 : vector<16xf32>
      %add3A_903 = arith.constant 9.99999997E-7 : f32
      %add3A_904 = vector.broadcast %add3A_903 : f32 to vector<16xf32>
      %add3A_905 = arith.addf %sub3A_902, %add3A_904 : vector<16xf32>
      %mul3A_906 = arith.mulf %add3A_905, %add3A_905 : vector<16xf32>
      %add3A_907 = arith.addf %add3A_875, %mul3A_906 : vector<16xf32>
      %get3A_908 = arith.constant 4 : i32
      %get3A_909 = arith.index_cast %get3A_908 : i32 to index
      %get3A_910 = arith.constant 80 : index
      %get3A_911 = tpu.vector_load %arg8[%get3A_909, %get3A_910] {strides = array<i32>} : memref<16x128xf32, #tpu.memory_space<vmem>>, vector<1x16xf32>,
      %get3A_912 = vector.shape_cast %get3A_911 : vector<1x16xf32> to vector<16xf32>
      %get3A_913 = arith.constant 4 : i32
      %get3A_914 = arith.index_cast %get3A_913 : i32 to index
      %get3A_915 = arith.constant 80 : index
      %get3A_916 = tpu.vector_load %arg10[%get3A_914, %get3A_915] {strides = array<i32>} : memref<16x128xf32, #tpu.memory_space<vmem>>, vector<1x16xf32>,
      %get3A_917 = vector.shape_cast %get3A_916 : vector<1x16xf32> to vector<16xf32>
      %sub3A_918 = arith.subf %get3A_912, %get3A_917 : vector<16xf32>
      %add3A_919 = arith.constant 9.99999997E-7 : f32
      %add3A_920 = vector.broadcast %add3A_919 : f32 to vector<16xf32>
      %add3A_921 = arith.addf %sub3A_918, %add3A_920 : vector<16xf32>
      %mul3A_922 = arith.mulf %add3A_921, %add3A_921 : vector<16xf32>
      %add3A_923 = arith.addf %add3A_891, %mul3A_922 : vector<16xf32>
      %get3A_924 = arith.constant 4 : i32
      %get3A_925 = arith.index_cast %get3A_924 : i32 to index
      %get3A_926 = arith.constant 96 : index
      %get3A_927 = tpu.vector_load %arg8[%get3A_925, %get3A_926] {strides = array<i32>} : memref<16x128xf32, #tpu.memory_space<vmem>>, vector<1x16xf32>,
      %get3A_928 = vector.shape_cast %get3A_927 : vector<1x16xf32> to vector<16xf32>
      %get3A_929 = arith.constant 4 : i32
      %get3A_930 = arith.index_cast %get3A_929 : i32 to index
      %get3A_931 = arith.constant 96 : index
      %get3A_932 = tpu.vector_load %arg10[%get3A_930, %get3A_931] {strides = array<i32>} : memref<16x128xf32, #tpu.memory_space<vmem>>, vector<1x16xf32>,
      %get3A_933 = vector.shape_cast %get3A_932 : vector<1x16xf32> to vector<16xf32>
      %sub3A_934 = arith.subf %get3A_928, %get3A_933 : vector<16xf32>
      %add3A_935 = arith.constant 9.99999997E-7 : f32
      %add3A_936 = vector.broadcast %add3A_935 : f32 to vector<16xf32>
      %add3A_937 = arith.addf %sub3A_934, %add3A_936 : vector<16xf32>
      %mul3A_938 = arith.mulf %add3A_937, %add3A_937 : vector<16xf32>
      %add3A_939 = arith.addf %add3A_907, %mul3A_938 : vector<16xf32>
      %get3A_940 = arith.constant 4 : i32
      %get3A_941 = arith.index_cast %get3A_940 : i32 to index
      %get3A_942 = arith.constant 112 : index
      %get3A_943 = tpu.vector_load %arg8[%get3A_941, %get3A_942] {strides = array<i32>} : memref<16x128xf32, #tpu.memory_space<vmem>>, vector<1x16xf32>,
      %get3A_944 = vector.shape_cast %get3A_943 : vector<1x16xf32> to vector<16xf32>
      %get3A_945 = arith.constant 4 : i32
      %get3A_946 = arith.index_cast %get3A_945 : i32 to index
      %get3A_947 = arith.constant 112 : index
      %get3A_948 = tpu.vector_load %arg10[%get3A_946, %get3A_947] {strides = array<i32>} : memref<16x128xf32, #tpu.memory_space<vmem>>, vector<1x16xf32>,
      %get3A_949 = vector.shape_cast %get3A_948 : vector<1x16xf32> to vector<16xf32>
      %sub3A_950 = arith.subf %get3A_944, %get3A_949 : vector<16xf32>
      %add3A_951 = arith.constant 9.99999997E-7 : f32
      %add3A_952 = vector.broadcast %add3A_951 : f32 to vector<16xf32>
      %add3A_953 = arith.addf %sub3A_950, %add3A_952 : vector<16xf32>
      %mul3A_954 = arith.mulf %add3A_953, %add3A_953 : vector<16xf32>
      %add3A_955 = arith.addf %add3A_923, %mul3A_954 : vector<16xf32>
      %add3A_956 = arith.addf %add3A_939, %add3A_955 : vector<16xf32>
      %iota3A_957 = tpu.iota {dimensions = array<i32: 0>} : vector<16xi32>
      %add3A_958 = arith.constant 8 : i32
      %add3A_959 = vector.broadcast %add3A_958 : i32 to vector<16xi32>
      %add3A_960 = arith.addi %iota3A_957, %add3A_959 : vector<16xi32>
      %and3A_961 = arith.constant 15 : i32
      %and3A_962 = vector.broadcast %and3A_961 : i32 to vector<16xi32>
      %and3A_963 = arith.andi %add3A_960, %and3A_962 : vector<16xi32>
      %broadcast_in_dim3A_964 = vector.shape_cast %and3A_963 : vector<16xi32> to vector<16x1xi32>
      %gather3A_965 = vector.shape_cast %broadcast_in_dim3A_964 : vector<16x1xi32> to vector<16xi32>
      %gather3A_966 = tpu.dynamic_gather %add3A_956[%gather3A_965] in [0] : vector<16xf32>, vector<16xi32> -> vector<16xf32>
      %add3A_967 = arith.addf %add3A_956, %gather3A_966 : vector<16xf32>
      %add3A_968 = arith.constant 4 : i32
      %add3A_969 = vector.broadcast %add3A_968 : i32 to vector<16xi32>
      %add3A_970 = arith.addi %iota3A_957, %add3A_969 : vector<16xi32>
      %and3A_971 = arith.constant 15 : i32
      %and3A_972 = vector.broadcast %and3A_971 : i32 to vector<16xi32>
      %and3A_973 = arith.andi %add3A_970, %and3A_972 : vector<16xi32>
      %broadcast_in_dim3A_974 = vector.shape_cast %and3A_973 : vector<16xi32> to vector<16x1xi32>
      %gather3A_975 = vector.shape_cast %broadcast_in_dim3A_974 : vector<16x1xi32> to vector<16xi32>
      %gather3A_976 = tpu.dynamic_gather %add3A_967[%gather3A_975] in [0] : vector<16xf32>, vector<16xi32> -> vector<16xf32>
      %add3A_977 = arith.addf %add3A_967, %gather3A_976 : vector<16xf32>
      %add3A_978 = arith.constant 2 : i32
      %add3A_979 = vector.broadcast %add3A_978 : i32 to vector<16xi32>
      %add3A_980 = arith.addi %iota3A_957, %add3A_979 : vector<16xi32>
      %and3A_981 = arith.constant 15 : i32
      %and3A_982 = vector.broadcast %and3A_981 : i32 to vector<16xi32>
      %and3A_983 = arith.andi %add3A_980, %and3A_982 : vector<16xi32>
      %broadcast_in_dim3A_984 = vector.shape_cast %and3A_983 : vector<16xi32> to vector<16x1xi32>
      %gather3A_985 = vector.shape_cast %broadcast_in_dim3A_984 : vector<16x1xi32> to vector<16xi32>
      %gather3A_986 = tpu.dynamic_gather %add3A_977[%gather3A_985] in [0] : vector<16xf32>, vector<16xi32> -> vector<16xf32>
      %add3A_987 = arith.addf %add3A_977, %gather3A_986 : vector<16xf32>
      %add3A_988 = arith.constant 1 : i32
      %add3A_989 = vector.broadcast %add3A_988 : i32 to vector<16xi32>
      %add3A_990 = arith.addi %iota3A_957, %add3A_989 : vector<16xi32>
      %and3A_991 = arith.constant 15 : i32
      %and3A_992 = vector.broadcast %and3A_991 : i32 to vector<16xi32>
      %and3A_993 = arith.andi %add3A_990, %and3A_992 : vector<16xi32>
      %broadcast_in_dim3A_994 = vector.shape_cast %and3A_993 : vector<16xi32> to vector<16x1xi32>
      %gather3A_995 = vector.shape_cast %broadcast_in_dim3A_994 : vector<16x1xi32> to vector<16xi32>
      %gather3A_996 = tpu.dynamic_gather %add3A_987[%gather3A_995] in [0] : vector<16xf32>, vector<16xi32> -> vector<16xf32>
      %add3A_997 = arith.addf %add3A_987, %gather3A_996 : vector<16xf32>
      %eq3A_998 = arith.constant 4 : i32
      %eq3A_999 = vector.broadcast %eq3A_998 : i32 to vector<16xi32>
      %eq3A_1000 = arith.cmpi eq, %iota3A, %eq3A_999 : vector<16xi32>
      %select_n3A_1001 = arith.select %eq3A_1000, %add3A_997, %select_n3A_823 : vector<16xi1>, vector<16xf32>
      %broadcast_in_dim3A_1002 = arith.constant 0.000000e+00 : f32
      %broadcast_in_dim3A_1003 = vector.broadcast %broadcast_in_dim3A_1002 : f32 to vector<16xf32>
      %broadcast_in_dim3A_1004 = arith.constant 0.000000e+00 : f32
      %broadcast_in_dim3A_1005 = vector.broadcast %broadcast_in_dim3A_1004 : f32 to vector<16xf32>
      %get3A_1006 = arith.constant 5 : i32
      %get3A_1007 = arith.index_cast %get3A_1006 : i32 to index
      %get3A_1008 = arith.constant 0 : index
      %get3A_1009 = tpu.vector_load %arg8[%get3A_1007, %get3A_1008] {strides = array<i32>} : memref<16x128xf32, #tpu.memory_space<vmem>>, vector<1x16xf32>,
      %get3A_1010 = vector.shape_cast %get3A_1009 : vector<1x16xf32> to vector<16xf32>
      %get3A_1011 = arith.constant 5 : i32
      %get3A_1012 = arith.index_cast %get3A_1011 : i32 to index
      %get3A_1013 = arith.constant 0 : index
      %get3A_1014 = tpu.vector_load %arg10[%get3A_1012, %get3A_1013] {strides = array<i32>} : memref<16x128xf32, #tpu.memory_space<vmem>>, vector<1x16xf32>,
      %get3A_1015 = vector.shape_cast %get3A_1014 : vector<1x16xf32> to vector<16xf32>
      %sub3A_1016 = arith.subf %get3A_1010, %get3A_1015 : vector<16xf32>
      %add3A_1017 = arith.constant 9.99999997E-7 : f32
      %add3A_1018 = vector.broadcast %add3A_1017 : f32 to vector<16xf32>
      %add3A_1019 = arith.addf %sub3A_1016, %add3A_1018 : vector<16xf32>
      %mul3A_1020 = arith.mulf %add3A_1019, %add3A_1019 : vector<16xf32>
      %add3A_1021 = arith.addf %broadcast_in_dim3A_1003, %mul3A_1020 : vector<16xf32>
      %get3A_1022 = arith.constant 5 : i32
      %get3A_1023 = arith.index_cast %get3A_1022 : i32 to index
      %get3A_1024 = arith.constant 16 : index
      %get3A_1025 = tpu.vector_load %arg8[%get3A_1023, %get3A_1024] {strides = array<i32>} : memref<16x128xf32, #tpu.memory_space<vmem>>, vector<1x16xf32>,
      %get3A_1026 = vector.shape_cast %get3A_1025 : vector<1x16xf32> to vector<16xf32>
      %get3A_1027 = arith.constant 5 : i32
      %get3A_1028 = arith.index_cast %get3A_1027 : i32 to index
      %get3A_1029 = arith.constant 16 : index
      %get3A_1030 = tpu.vector_load %arg10[%get3A_1028, %get3A_1029] {strides = array<i32>} : memref<16x128xf32, #tpu.memory_space<vmem>>, vector<1x16xf32>,
      %get3A_1031 = vector.shape_cast %get3A_1030 : vector<1x16xf32> to vector<16xf32>
      %sub3A_1032 = arith.subf %get3A_1026, %get3A_1031 : vector<16xf32>
      %add3A_1033 = arith.constant 9.99999997E-7 : f32
      %add3A_1034 = vector.broadcast %add3A_1033 : f32 to vector<16xf32>
      %add3A_1035 = arith.addf %sub3A_1032, %add3A_1034 : vector<16xf32>
      %mul3A_1036 = arith.mulf %add3A_1035, %add3A_1035 : vector<16xf32>
      %add3A_1037 = arith.addf %broadcast_in_dim3A_1005, %mul3A_1036 : vector<16xf32>
      %get3A_1038 = arith.constant 5 : i32
      %get3A_1039 = arith.index_cast %get3A_1038 : i32 to index
      %get3A_1040 = arith.constant 32 : index
      %get3A_1041 = tpu.vector_load %arg8[%get3A_1039, %get3A_1040] {strides = array<i32>} : memref<16x128xf32, #tpu.memory_space<vmem>>, vector<1x16xf32>,
      %get3A_1042 = vector.shape_cast %get3A_1041 : vector<1x16xf32> to vector<16xf32>
      %get3A_1043 = arith.constant 5 : i32
      %get3A_1044 = arith.index_cast %get3A_1043 : i32 to index
      %get3A_1045 = arith.constant 32 : index
      %get3A_1046 = tpu.vector_load %arg10[%get3A_1044, %get3A_1045] {strides = array<i32>} : memref<16x128xf32, #tpu.memory_space<vmem>>, vector<1x16xf32>,
      %get3A_1047 = vector.shape_cast %get3A_1046 : vector<1x16xf32> to vector<16xf32>
      %sub3A_1048 = arith.subf %get3A_1042, %get3A_1047 : vector<16xf32>
      %add3A_1049 = arith.constant 9.99999997E-7 : f32
      %add3A_1050 = vector.broadcast %add3A_1049 : f32 to vector<16xf32>
      %add3A_1051 = arith.addf %sub3A_1048, %add3A_1050 : vector<16xf32>
      %mul3A_1052 = arith.mulf %add3A_1051, %add3A_1051 : vector<16xf32>
      %add3A_1053 = arith.addf %add3A_1021, %mul3A_1052 : vector<16xf32>
      %get3A_1054 = arith.constant 5 : i32
      %get3A_1055 = arith.index_cast %get3A_1054 : i32 to index
      %get3A_1056 = arith.constant 48 : index
      %get3A_1057 = tpu.vector_load %arg8[%get3A_1055, %get3A_1056] {strides = array<i32>} : memref<16x128xf32, #tpu.memory_space<vmem>>, vector<1x16xf32>,
      %get3A_1058 = vector.shape_cast %get3A_1057 : vector<1x16xf32> to vector<16xf32>
      %get3A_1059 = arith.constant 5 : i32
      %get3A_1060 = arith.index_cast %get3A_1059 : i32 to index
      %get3A_1061 = arith.constant 48 : index
      %get3A_1062 = tpu.vector_load %arg10[%get3A_1060, %get3A_1061] {strides = array<i32>} : memref<16x128xf32, #tpu.memory_space<vmem>>, vector<1x16xf32>,
      %get3A_1063 = vector.shape_cast %get3A_1062 : vector<1x16xf32> to vector<16xf32>
      %sub3A_1064 = arith.subf %get3A_1058, %get3A_1063 : vector<16xf32>
      %add3A_1065 = arith.constant 9.99999997E-7 : f32
      %add3A_1066 = vector.broadcast %add3A_1065 : f32 to vector<16xf32>
      %add3A_1067 = arith.addf %sub3A_1064, %add3A_1066 : vector<16xf32>
      %mul3A_1068 = arith.mulf %add3A_1067, %add3A_1067 : vector<16xf32>
      %add3A_1069 = arith.addf %add3A_1037, %mul3A_1068 : vector<16xf32>
      %get3A_1070 = arith.constant 5 : i32
      %get3A_1071 = arith.index_cast %get3A_1070 : i32 to index
      %get3A_1072 = arith.constant 64 : index
      %get3A_1073 = tpu.vector_load %arg8[%get3A_1071, %get3A_1072] {strides = array<i32>} : memref<16x128xf32, #tpu.memory_space<vmem>>, vector<1x16xf32>,
      %get3A_1074 = vector.shape_cast %get3A_1073 : vector<1x16xf32> to vector<16xf32>
      %get3A_1075 = arith.constant 5 : i32
      %get3A_1076 = arith.index_cast %get3A_1075 : i32 to index
      %get3A_1077 = arith.constant 64 : index
      %get3A_1078 = tpu.vector_load %arg10[%get3A_1076, %get3A_1077] {strides = array<i32>} : memref<16x128xf32, #tpu.memory_space<vmem>>, vector<1x16xf32>,
      %get3A_1079 = vector.shape_cast %get3A_1078 : vector<1x16xf32> to vector<16xf32>
      %sub3A_1080 = arith.subf %get3A_1074, %get3A_1079 : vector<16xf32>
      %add3A_1081 = arith.constant 9.99999997E-7 : f32
      %add3A_1082 = vector.broadcast %add3A_1081 : f32 to vector<16xf32>
      %add3A_1083 = arith.addf %sub3A_1080, %add3A_1082 : vector<16xf32>
      %mul3A_1084 = arith.mulf %add3A_1083, %add3A_1083 : vector<16xf32>
      %add3A_1085 = arith.addf %add3A_1053, %mul3A_1084 : vector<16xf32>
      %get3A_1086 = arith.constant 5 : i32
      %get3A_1087 = arith.index_cast %get3A_1086 : i32 to index
      %get3A_1088 = arith.constant 80 : index
      %get3A_1089 = tpu.vector_load %arg8[%get3A_1087, %get3A_1088] {strides = array<i32>} : memref<16x128xf32, #tpu.memory_space<vmem>>, vector<1x16xf32>,
      %get3A_1090 = vector.shape_cast %get3A_1089 : vector<1x16xf32> to vector<16xf32>
      %get3A_1091 = arith.constant 5 : i32
      %get3A_1092 = arith.index_cast %get3A_1091 : i32 to index
      %get3A_1093 = arith.constant 80 : index
      %get3A_1094 = tpu.vector_load %arg10[%get3A_1092, %get3A_1093] {strides = array<i32>} : memref<16x128xf32, #tpu.memory_space<vmem>>, vector<1x16xf32>,
      %get3A_1095 = vector.shape_cast %get3A_1094 : vector<1x16xf32> to vector<16xf32>
      %sub3A_1096 = arith.subf %get3A_1090, %get3A_1095 : vector<16xf32>
      %add3A_1097 = arith.constant 9.99999997E-7 : f32
      %add3A_1098 = vector.broadcast %add3A_1097 : f32 to vector<16xf32>
      %add3A_1099 = arith.addf %sub3A_1096, %add3A_1098 : vector<16xf32>
      %mul3A_1100 = arith.mulf %add3A_1099, %add3A_1099 : vector<16xf32>
      %add3A_1101 = arith.addf %add3A_1069, %mul3A_1100 : vector<16xf32>
      %get3A_1102 = arith.constant 5 : i32
      %get3A_1103 = arith.index_cast %get3A_1102 : i32 to index
      %get3A_1104 = arith.constant 96 : index
      %get3A_1105 = tpu.vector_load %arg8[%get3A_1103, %get3A_1104] {strides = array<i32>} : memref<16x128xf32, #tpu.memory_space<vmem>>, vector<1x16xf32>,
      %get3A_1106 = vector.shape_cast %get3A_1105 : vector<1x16xf32> to vector<16xf32>
      %get3A_1107 = arith.constant 5 : i32
      %get3A_1108 = arith.index_cast %get3A_1107 : i32 to index
      %get3A_1109 = arith.constant 96 : index
      %get3A_1110 = tpu.vector_load %arg10[%get3A_1108, %get3A_1109] {strides = array<i32>} : memref<16x128xf32, #tpu.memory_space<vmem>>, vector<1x16xf32>,
      %get3A_1111 = vector.shape_cast %get3A_1110 : vector<1x16xf32> to vector<16xf32>
      %sub3A_1112 = arith.subf %get3A_1106, %get3A_1111 : vector<16xf32>
      %add3A_1113 = arith.constant 9.99999997E-7 : f32
      %add3A_1114 = vector.broadcast %add3A_1113 : f32 to vector<16xf32>
      %add3A_1115 = arith.addf %sub3A_1112, %add3A_1114 : vector<16xf32>
      %mul3A_1116 = arith.mulf %add3A_1115, %add3A_1115 : vector<16xf32>
      %add3A_1117 = arith.addf %add3A_1085, %mul3A_1116 : vector<16xf32>
      %get3A_1118 = arith.constant 5 : i32
      %get3A_1119 = arith.index_cast %get3A_1118 : i32 to index
      %get3A_1120 = arith.constant 112 : index
      %get3A_1121 = tpu.vector_load %arg8[%get3A_1119, %get3A_1120] {strides = array<i32>} : memref<16x128xf32, #tpu.memory_space<vmem>>, vector<1x16xf32>,
      %get3A_1122 = vector.shape_cast %get3A_1121 : vector<1x16xf32> to vector<16xf32>
      %get3A_1123 = arith.constant 5 : i32
      %get3A_1124 = arith.index_cast %get3A_1123 : i32 to index
      %get3A_1125 = arith.constant 112 : index
      %get3A_1126 = tpu.vector_load %arg10[%get3A_1124, %get3A_1125] {strides = array<i32>} : memref<16x128xf32, #tpu.memory_space<vmem>>, vector<1x16xf32>,
      %get3A_1127 = vector.shape_cast %get3A_1126 : vector<1x16xf32> to vector<16xf32>
      %sub3A_1128 = arith.subf %get3A_1122, %get3A_1127 : vector<16xf32>
      %add3A_1129 = arith.constant 9.99999997E-7 : f32
      %add3A_1130 = vector.broadcast %add3A_1129 : f32 to vector<16xf32>
      %add3A_1131 = arith.addf %sub3A_1128, %add3A_1130 : vector<16xf32>
      %mul3A_1132 = arith.mulf %add3A_1131, %add3A_1131 : vector<16xf32>
      %add3A_1133 = arith.addf %add3A_1101, %mul3A_1132 : vector<16xf32>
      %add3A_1134 = arith.addf %add3A_1117, %add3A_1133 : vector<16xf32>
      %iota3A_1135 = tpu.iota {dimensions = array<i32: 0>} : vector<16xi32>
      %add3A_1136 = arith.constant 8 : i32
      %add3A_1137 = vector.broadcast %add3A_1136 : i32 to vector<16xi32>
      %add3A_1138 = arith.addi %iota3A_1135, %add3A_1137 : vector<16xi32>
      %and3A_1139 = arith.constant 15 : i32
      %and3A_1140 = vector.broadcast %and3A_1139 : i32 to vector<16xi32>
      %and3A_1141 = arith.andi %add3A_1138, %and3A_1140 : vector<16xi32>
      %broadcast_in_dim3A_1142 = vector.shape_cast %and3A_1141 : vector<16xi32> to vector<16x1xi32>
      %gather3A_1143 = vector.shape_cast %broadcast_in_dim3A_1142 : vector<16x1xi32> to vector<16xi32>
      %gather3A_1144 = tpu.dynamic_gather %add3A_1134[%gather3A_1143] in [0] : vector<16xf32>, vector<16xi32> -> vector<16xf32>
      %add3A_1145 = arith.addf %add3A_1134, %gather3A_1144 : vector<16xf32>
      %add3A_1146 = arith.constant 4 : i32
      %add3A_1147 = vector.broadcast %add3A_1146 : i32 to vector<16xi32>
      %add3A_1148 = arith.addi %iota3A_1135, %add3A_1147 : vector<16xi32>
      %and3A_1149 = arith.constant 15 : i32
      %and3A_1150 = vector.broadcast %and3A_1149 : i32 to vector<16xi32>
      %and3A_1151 = arith.andi %add3A_1148, %and3A_1150 : vector<16xi32>
      %broadcast_in_dim3A_1152 = vector.shape_cast %and3A_1151 : vector<16xi32> to vector<16x1xi32>
      %gather3A_1153 = vector.shape_cast %broadcast_in_dim3A_1152 : vector<16x1xi32> to vector<16xi32>
      %gather3A_1154 = tpu.dynamic_gather %add3A_1145[%gather3A_1153] in [0] : vector<16xf32>, vector<16xi32> -> vector<16xf32>
      %add3A_1155 = arith.addf %add3A_1145, %gather3A_1154 : vector<16xf32>
      %add3A_1156 = arith.constant 2 : i32
      %add3A_1157 = vector.broadcast %add3A_1156 : i32 to vector<16xi32>
      %add3A_1158 = arith.addi %iota3A_1135, %add3A_1157 : vector<16xi32>
      %and3A_1159 = arith.constant 15 : i32
      %and3A_1160 = vector.broadcast %and3A_1159 : i32 to vector<16xi32>
      %and3A_1161 = arith.andi %add3A_1158, %and3A_1160 : vector<16xi32>
      %broadcast_in_dim3A_1162 = vector.shape_cast %and3A_1161 : vector<16xi32> to vector<16x1xi32>
      %gather3A_1163 = vector.shape_cast %broadcast_in_dim3A_1162 : vector<16x1xi32> to vector<16xi32>
      %gather3A_1164 = tpu.dynamic_gather %add3A_1155[%gather3A_1163] in [0] : vector<16xf32>, vector<16xi32> -> vector<16xf32>
      %add3A_1165 = arith.addf %add3A_1155, %gather3A_1164 : vector<16xf32>
      %add3A_1166 = arith.constant 1 : i32
      %add3A_1167 = vector.broadcast %add3A_1166 : i32 to vector<16xi32>
      %add3A_1168 = arith.addi %iota3A_1135, %add3A_1167 : vector<16xi32>
      %and3A_1169 = arith.constant 15 : i32
      %and3A_1170 = vector.broadcast %and3A_1169 : i32 to vector<16xi32>
      %and3A_1171 = arith.andi %add3A_1168, %and3A_1170 : vector<16xi32>
      %broadcast_in_dim3A_1172 = vector.shape_cast %and3A_1171 : vector<16xi32> to vector<16x1xi32>
      %gather3A_1173 = vector.shape_cast %broadcast_in_dim3A_1172 : vector<16x1xi32> to vector<16xi32>
      %gather3A_1174 = tpu.dynamic_gather %add3A_1165[%gather3A_1173] in [0] : vector<16xf32>, vector<16xi32> -> vector<16xf32>
      %add3A_1175 = arith.addf %add3A_1165, %gather3A_1174 : vector<16xf32>
      %eq3A_1176 = arith.constant 5 : i32
      %eq3A_1177 = vector.broadcast %eq3A_1176 : i32 to vector<16xi32>
      %eq3A_1178 = arith.cmpi eq, %iota3A, %eq3A_1177 : vector<16xi32>
      %select_n3A_1179 = arith.select %eq3A_1178, %add3A_1175, %select_n3A_1001 : vector<16xi1>, vector<16xf32>
      %broadcast_in_dim3A_1180 = arith.constant 0.000000e+00 : f32
      %broadcast_in_dim3A_1181 = vector.broadcast %broadcast_in_dim3A_1180 : f32 to vector<16xf32>
      %broadcast_in_dim3A_1182 = arith.constant 0.000000e+00 : f32
      %broadcast_in_dim3A_1183 = vector.broadcast %broadcast_in_dim3A_1182 : f32 to vector<16xf32>
      %get3A_1184 = arith.constant 6 : i32
      %get3A_1185 = arith.index_cast %get3A_1184 : i32 to index
      %get3A_1186 = arith.constant 0 : index
      %get3A_1187 = tpu.vector_load %arg8[%get3A_1185, %get3A_1186] {strides = array<i32>} : memref<16x128xf32, #tpu.memory_space<vmem>>, vector<1x16xf32>,
      %get3A_1188 = vector.shape_cast %get3A_1187 : vector<1x16xf32> to vector<16xf32>
      %get3A_1189 = arith.constant 6 : i32
      %get3A_1190 = arith.index_cast %get3A_1189 : i32 to index
      %get3A_1191 = arith.constant 0 : index
      %get3A_1192 = tpu.vector_load %arg10[%get3A_1190, %get3A_1191] {strides = array<i32>} : memref<16x128xf32, #tpu.memory_space<vmem>>, vector<1x16xf32>,
      %get3A_1193 = vector.shape_cast %get3A_1192 : vector<1x16xf32> to vector<16xf32>
      %sub3A_1194 = arith.subf %get3A_1188, %get3A_1193 : vector<16xf32>
      %add3A_1195 = arith.constant 9.99999997E-7 : f32
      %add3A_1196 = vector.broadcast %add3A_1195 : f32 to vector<16xf32>
      %add3A_1197 = arith.addf %sub3A_1194, %add3A_1196 : vector<16xf32>
      %mul3A_1198 = arith.mulf %add3A_1197, %add3A_1197 : vector<16xf32>
      %add3A_1199 = arith.addf %broadcast_in_dim3A_1181, %mul3A_1198 : vector<16xf32>
      %get3A_1200 = arith.constant 6 : i32
      %get3A_1201 = arith.index_cast %get3A_1200 : i32 to index
      %get3A_1202 = arith.constant 16 : index
      %get3A_1203 = tpu.vector_load %arg8[%get3A_1201, %get3A_1202] {strides = array<i32>} : memref<16x128xf32, #tpu.memory_space<vmem>>, vector<1x16xf32>,
      %get3A_1204 = vector.shape_cast %get3A_1203 : vector<1x16xf32> to vector<16xf32>
      %get3A_1205 = arith.constant 6 : i32
      %get3A_1206 = arith.index_cast %get3A_1205 : i32 to index
      %get3A_1207 = arith.constant 16 : index
      %get3A_1208 = tpu.vector_load %arg10[%get3A_1206, %get3A_1207] {strides = array<i32>} : memref<16x128xf32, #tpu.memory_space<vmem>>, vector<1x16xf32>,
      %get3A_1209 = vector.shape_cast %get3A_1208 : vector<1x16xf32> to vector<16xf32>
      %sub3A_1210 = arith.subf %get3A_1204, %get3A_1209 : vector<16xf32>
      %add3A_1211 = arith.constant 9.99999997E-7 : f32
      %add3A_1212 = vector.broadcast %add3A_1211 : f32 to vector<16xf32>
      %add3A_1213 = arith.addf %sub3A_1210, %add3A_1212 : vector<16xf32>
      %mul3A_1214 = arith.mulf %add3A_1213, %add3A_1213 : vector<16xf32>
      %add3A_1215 = arith.addf %broadcast_in_dim3A_1183, %mul3A_1214 : vector<16xf32>
      %get3A_1216 = arith.constant 6 : i32
      %get3A_1217 = arith.index_cast %get3A_1216 : i32 to index
      %get3A_1218 = arith.constant 32 : index
      %get3A_1219 = tpu.vector_load %arg8[%get3A_1217, %get3A_1218] {strides = array<i32>} : memref<16x128xf32, #tpu.memory_space<vmem>>, vector<1x16xf32>,
      %get3A_1220 = vector.shape_cast %get3A_1219 : vector<1x16xf32> to vector<16xf32>
      %get3A_1221 = arith.constant 6 : i32
      %get3A_1222 = arith.index_cast %get3A_1221 : i32 to index
      %get3A_1223 = arith.constant 32 : index
      %get3A_1224 = tpu.vector_load %arg10[%get3A_1222, %get3A_1223] {strides = array<i32>} : memref<16x128xf32, #tpu.memory_space<vmem>>, vector<1x16xf32>,
      %get3A_1225 = vector.shape_cast %get3A_1224 : vector<1x16xf32> to vector<16xf32>
      %sub3A_1226 = arith.subf %get3A_1220, %get3A_1225 : vector<16xf32>
      %add3A_1227 = arith.constant 9.99999997E-7 : f32
      %add3A_1228 = vector.broadcast %add3A_1227 : f32 to vector<16xf32>
      %add3A_1229 = arith.addf %sub3A_1226, %add3A_1228 : vector<16xf32>
      %mul3A_1230 = arith.mulf %add3A_1229, %add3A_1229 : vector<16xf32>
      %add3A_1231 = arith.addf %add3A_1199, %mul3A_1230 : vector<16xf32>
      %get3A_1232 = arith.constant 6 : i32
      %get3A_1233 = arith.index_cast %get3A_1232 : i32 to index
      %get3A_1234 = arith.constant 48 : index
      %get3A_1235 = tpu.vector_load %arg8[%get3A_1233, %get3A_1234] {strides = array<i32>} : memref<16x128xf32, #tpu.memory_space<vmem>>, vector<1x16xf32>,
      %get3A_1236 = vector.shape_cast %get3A_1235 : vector<1x16xf32> to vector<16xf32>
      %get3A_1237 = arith.constant 6 : i32
      %get3A_1238 = arith.index_cast %get3A_1237 : i32 to index
      %get3A_1239 = arith.constant 48 : index
      %get3A_1240 = tpu.vector_load %arg10[%get3A_1238, %get3A_1239] {strides = array<i32>} : memref<16x128xf32, #tpu.memory_space<vmem>>, vector<1x16xf32>,
      %get3A_1241 = vector.shape_cast %get3A_1240 : vector<1x16xf32> to vector<16xf32>
      %sub3A_1242 = arith.subf %get3A_1236, %get3A_1241 : vector<16xf32>
      %add3A_1243 = arith.constant 9.99999997E-7 : f32
      %add3A_1244 = vector.broadcast %add3A_1243 : f32 to vector<16xf32>
      %add3A_1245 = arith.addf %sub3A_1242, %add3A_1244 : vector<16xf32>
      %mul3A_1246 = arith.mulf %add3A_1245, %add3A_1245 : vector<16xf32>
      %add3A_1247 = arith.addf %add3A_1215, %mul3A_1246 : vector<16xf32>
      %get3A_1248 = arith.constant 6 : i32
      %get3A_1249 = arith.index_cast %get3A_1248 : i32 to index
      %get3A_1250 = arith.constant 64 : index
      %get3A_1251 = tpu.vector_load %arg8[%get3A_1249, %get3A_1250] {strides = array<i32>} : memref<16x128xf32, #tpu.memory_space<vmem>>, vector<1x16xf32>,
      %get3A_1252 = vector.shape_cast %get3A_1251 : vector<1x16xf32> to vector<16xf32>
      %get3A_1253 = arith.constant 6 : i32
      %get3A_1254 = arith.index_cast %get3A_1253 : i32 to index
      %get3A_1255 = arith.constant 64 : index
      %get3A_1256 = tpu.vector_load %arg10[%get3A_1254, %get3A_1255] {strides = array<i32>} : memref<16x128xf32, #tpu.memory_space<vmem>>, vector<1x16xf32>,
      %get3A_1257 = vector.shape_cast %get3A_1256 : vector<1x16xf32> to vector<16xf32>
      %sub3A_1258 = arith.subf %get3A_1252, %get3A_1257 : vector<16xf32>
      %add3A_1259 = arith.constant 9.99999997E-7 : f32
      %add3A_1260 = vector.broadcast %add3A_1259 : f32 to vector<16xf32>
      %add3A_1261 = arith.addf %sub3A_1258, %add3A_1260 : vector<16xf32>
      %mul3A_1262 = arith.mulf %add3A_1261, %add3A_1261 : vector<16xf32>
      %add3A_1263 = arith.addf %add3A_1231, %mul3A_1262 : vector<16xf32>
      %get3A_1264 = arith.constant 6 : i32
      %get3A_1265 = arith.index_cast %get3A_1264 : i32 to index
      %get3A_1266 = arith.constant 80 : index
      %get3A_1267 = tpu.vector_load %arg8[%get3A_1265, %get3A_1266] {strides = array<i32>} : memref<16x128xf32, #tpu.memory_space<vmem>>, vector<1x16xf32>,
      %get3A_1268 = vector.shape_cast %get3A_1267 : vector<1x16xf32> to vector<16xf32>
      %get3A_1269 = arith.constant 6 : i32
      %get3A_1270 = arith.index_cast %get3A_1269 : i32 to index
      %get3A_1271 = arith.constant 80 : index
      %get3A_1272 = tpu.vector_load %arg10[%get3A_1270, %get3A_1271] {strides = array<i32>} : memref<16x128xf32, #tpu.memory_space<vmem>>, vector<1x16xf32>,
      %get3A_1273 = vector.shape_cast %get3A_1272 : vector<1x16xf32> to vector<16xf32>
      %sub3A_1274 = arith.subf %get3A_1268, %get3A_1273 : vector<16xf32>
      %add3A_1275 = arith.constant 9.99999997E-7 : f32
      %add3A_1276 = vector.broadcast %add3A_1275 : f32 to vector<16xf32>
      %add3A_1277 = arith.addf %sub3A_1274, %add3A_1276 : vector<16xf32>
      %mul3A_1278 = arith.mulf %add3A_1277, %add3A_1277 : vector<16xf32>
      %add3A_1279 = arith.addf %add3A_1247, %mul3A_1278 : vector<16xf32>
      %get3A_1280 = arith.constant 6 : i32
      %get3A_1281 = arith.index_cast %get3A_1280 : i32 to index
      %get3A_1282 = arith.constant 96 : index
      %get3A_1283 = tpu.vector_load %arg8[%get3A_1281, %get3A_1282] {strides = array<i32>} : memref<16x128xf32, #tpu.memory_space<vmem>>, vector<1x16xf32>,
      %get3A_1284 = vector.shape_cast %get3A_1283 : vector<1x16xf32> to vector<16xf32>
      %get3A_1285 = arith.constant 6 : i32
      %get3A_1286 = arith.index_cast %get3A_1285 : i32 to index
      %get3A_1287 = arith.constant 96 : index
      %get3A_1288 = tpu.vector_load %arg10[%get3A_1286, %get3A_1287] {strides = array<i32>} : memref<16x128xf32, #tpu.memory_space<vmem>>, vector<1x16xf32>,
      %get3A_1289 = vector.shape_cast %get3A_1288 : vector<1x16xf32> to vector<16xf32>
      %sub3A_1290 = arith.subf %get3A_1284, %get3A_1289 : vector<16xf32>
      %add3A_1291 = arith.constant 9.99999997E-7 : f32
      %add3A_1292 = vector.broadcast %add3A_1291 : f32 to vector<16xf32>
      %add3A_1293 = arith.addf %sub3A_1290, %add3A_1292 : vector<16xf32>
      %mul3A_1294 = arith.mulf %add3A_1293, %add3A_1293 : vector<16xf32>
      %add3A_1295 = arith.addf %add3A_1263, %mul3A_1294 : vector<16xf32>
      %get3A_1296 = arith.constant 6 : i32
      %get3A_1297 = arith.index_cast %get3A_1296 : i32 to index
      %get3A_1298 = arith.constant 112 : index
      %get3A_1299 = tpu.vector_load %arg8[%get3A_1297, %get3A_1298] {strides = array<i32>} : memref<16x128xf32, #tpu.memory_space<vmem>>, vector<1x16xf32>,
      %get3A_1300 = vector.shape_cast %get3A_1299 : vector<1x16xf32> to vector<16xf32>
      %get3A_1301 = arith.constant 6 : i32
      %get3A_1302 = arith.index_cast %get3A_1301 : i32 to index
      %get3A_1303 = arith.constant 112 : index
      %get3A_1304 = tpu.vector_load %arg10[%get3A_1302, %get3A_1303] {strides = array<i32>} : memref<16x128xf32, #tpu.memory_space<vmem>>, vector<1x16xf32>,
      %get3A_1305 = vector.shape_cast %get3A_1304 : vector<1x16xf32> to vector<16xf32>
      %sub3A_1306 = arith.subf %get3A_1300, %get3A_1305 : vector<16xf32>
      %add3A_1307 = arith.constant 9.99999997E-7 : f32
      %add3A_1308 = vector.broadcast %add3A_1307 : f32 to vector<16xf32>
      %add3A_1309 = arith.addf %sub3A_1306, %add3A_1308 : vector<16xf32>
      %mul3A_1310 = arith.mulf %add3A_1309, %add3A_1309 : vector<16xf32>
      %add3A_1311 = arith.addf %add3A_1279, %mul3A_1310 : vector<16xf32>
      %add3A_1312 = arith.addf %add3A_1295, %add3A_1311 : vector<16xf32>
      %iota3A_1313 = tpu.iota {dimensions = array<i32: 0>} : vector<16xi32>
      %add3A_1314 = arith.constant 8 : i32
      %add3A_1315 = vector.broadcast %add3A_1314 : i32 to vector<16xi32>
      %add3A_1316 = arith.addi %iota3A_1313, %add3A_1315 : vector<16xi32>
      %and3A_1317 = arith.constant 15 : i32
      %and3A_1318 = vector.broadcast %and3A_1317 : i32 to vector<16xi32>
      %and3A_1319 = arith.andi %add3A_1316, %and3A_1318 : vector<16xi32>
      %broadcast_in_dim3A_1320 = vector.shape_cast %and3A_1319 : vector<16xi32> to vector<16x1xi32>
      %gather3A_1321 = vector.shape_cast %broadcast_in_dim3A_1320 : vector<16x1xi32> to vector<16xi32>
      %gather3A_1322 = tpu.dynamic_gather %add3A_1312[%gather3A_1321] in [0] : vector<16xf32>, vector<16xi32> -> vector<16xf32>
      %add3A_1323 = arith.addf %add3A_1312, %gather3A_1322 : vector<16xf32>
      %add3A_1324 = arith.constant 4 : i32
      %add3A_1325 = vector.broadcast %add3A_1324 : i32 to vector<16xi32>
      %add3A_1326 = arith.addi %iota3A_1313, %add3A_1325 : vector<16xi32>
      %and3A_1327 = arith.constant 15 : i32
      %and3A_1328 = vector.broadcast %and3A_1327 : i32 to vector<16xi32>
      %and3A_1329 = arith.andi %add3A_1326, %and3A_1328 : vector<16xi32>
      %broadcast_in_dim3A_1330 = vector.shape_cast %and3A_1329 : vector<16xi32> to vector<16x1xi32>
      %gather3A_1331 = vector.shape_cast %broadcast_in_dim3A_1330 : vector<16x1xi32> to vector<16xi32>
      %gather3A_1332 = tpu.dynamic_gather %add3A_1323[%gather3A_1331] in [0] : vector<16xf32>, vector<16xi32> -> vector<16xf32>
      %add3A_1333 = arith.addf %add3A_1323, %gather3A_1332 : vector<16xf32>
      %add3A_1334 = arith.constant 2 : i32
      %add3A_1335 = vector.broadcast %add3A_1334 : i32 to vector<16xi32>
      %add3A_1336 = arith.addi %iota3A_1313, %add3A_1335 : vector<16xi32>
      %and3A_1337 = arith.constant 15 : i32
      %and3A_1338 = vector.broadcast %and3A_1337 : i32 to vector<16xi32>
      %and3A_1339 = arith.andi %add3A_1336, %and3A_1338 : vector<16xi32>
      %broadcast_in_dim3A_1340 = vector.shape_cast %and3A_1339 : vector<16xi32> to vector<16x1xi32>
      %gather3A_1341 = vector.shape_cast %broadcast_in_dim3A_1340 : vector<16x1xi32> to vector<16xi32>
      %gather3A_1342 = tpu.dynamic_gather %add3A_1333[%gather3A_1341] in [0] : vector<16xf32>, vector<16xi32> -> vector<16xf32>
      %add3A_1343 = arith.addf %add3A_1333, %gather3A_1342 : vector<16xf32>
      %add3A_1344 = arith.constant 1 : i32
      %add3A_1345 = vector.broadcast %add3A_1344 : i32 to vector<16xi32>
      %add3A_1346 = arith.addi %iota3A_1313, %add3A_1345 : vector<16xi32>
      %and3A_1347 = arith.constant 15 : i32
      %and3A_1348 = vector.broadcast %and3A_1347 : i32 to vector<16xi32>
      %and3A_1349 = arith.andi %add3A_1346, %and3A_1348 : vector<16xi32>
      %broadcast_in_dim3A_1350 = vector.shape_cast %and3A_1349 : vector<16xi32> to vector<16x1xi32>
      %gather3A_1351 = vector.shape_cast %broadcast_in_dim3A_1350 : vector<16x1xi32> to vector<16xi32>
      %gather3A_1352 = tpu.dynamic_gather %add3A_1343[%gather3A_1351] in [0] : vector<16xf32>, vector<16xi32> -> vector<16xf32>
      %add3A_1353 = arith.addf %add3A_1343, %gather3A_1352 : vector<16xf32>
      %eq3A_1354 = arith.constant 6 : i32
      %eq3A_1355 = vector.broadcast %eq3A_1354 : i32 to vector<16xi32>
      %eq3A_1356 = arith.cmpi eq, %iota3A, %eq3A_1355 : vector<16xi32>
      %select_n3A_1357 = arith.select %eq3A_1356, %add3A_1353, %select_n3A_1179 : vector<16xi1>, vector<16xf32>
      %broadcast_in_dim3A_1358 = arith.constant 0.000000e+00 : f32
      %broadcast_in_dim3A_1359 = vector.broadcast %broadcast_in_dim3A_1358 : f32 to vector<16xf32>
      %broadcast_in_dim3A_1360 = arith.constant 0.000000e+00 : f32
      %broadcast_in_dim3A_1361 = vector.broadcast %broadcast_in_dim3A_1360 : f32 to vector<16xf32>
      %get3A_1362 = arith.constant 7 : i32
      %get3A_1363 = arith.index_cast %get3A_1362 : i32 to index
      %get3A_1364 = arith.constant 0 : index
      %get3A_1365 = tpu.vector_load %arg8[%get3A_1363, %get3A_1364] {strides = array<i32>} : memref<16x128xf32, #tpu.memory_space<vmem>>, vector<1x16xf32>,
      %get3A_1366 = vector.shape_cast %get3A_1365 : vector<1x16xf32> to vector<16xf32>
      %get3A_1367 = arith.constant 7 : i32
      %get3A_1368 = arith.index_cast %get3A_1367 : i32 to index
      %get3A_1369 = arith.constant 0 : index
      %get3A_1370 = tpu.vector_load %arg10[%get3A_1368, %get3A_1369] {strides = array<i32>} : memref<16x128xf32, #tpu.memory_space<vmem>>, vector<1x16xf32>,
      %get3A_1371 = vector.shape_cast %get3A_1370 : vector<1x16xf32> to vector<16xf32>
      %sub3A_1372 = arith.subf %get3A_1366, %get3A_1371 : vector<16xf32>
      %add3A_1373 = arith.constant 9.99999997E-7 : f32
      %add3A_1374 = vector.broadcast %add3A_1373 : f32 to vector<16xf32>
      %add3A_1375 = arith.addf %sub3A_1372, %add3A_1374 : vector<16xf32>
      %mul3A_1376 = arith.mulf %add3A_1375, %add3A_1375 : vector<16xf32>
      %add3A_1377 = arith.addf %broadcast_in_dim3A_1359, %mul3A_1376 : vector<16xf32>
      %get3A_1378 = arith.constant 7 : i32
      %get3A_1379 = arith.index_cast %get3A_1378 : i32 to index
      %get3A_1380 = arith.constant 16 : index
      %get3A_1381 = tpu.vector_load %arg8[%get3A_1379, %get3A_1380] {strides = array<i32>} : memref<16x128xf32, #tpu.memory_space<vmem>>, vector<1x16xf32>,
      %get3A_1382 = vector.shape_cast %get3A_1381 : vector<1x16xf32> to vector<16xf32>
      %get3A_1383 = arith.constant 7 : i32
      %get3A_1384 = arith.index_cast %get3A_1383 : i32 to index
      %get3A_1385 = arith.constant 16 : index
      %get3A_1386 = tpu.vector_load %arg10[%get3A_1384, %get3A_1385] {strides = array<i32>} : memref<16x128xf32, #tpu.memory_space<vmem>>, vector<1x16xf32>,
      %get3A_1387 = vector.shape_cast %get3A_1386 : vector<1x16xf32> to vector<16xf32>
      %sub3A_1388 = arith.subf %get3A_1382, %get3A_1387 : vector<16xf32>
      %add3A_1389 = arith.constant 9.99999997E-7 : f32
      %add3A_1390 = vector.broadcast %add3A_1389 : f32 to vector<16xf32>
      %add3A_1391 = arith.addf %sub3A_1388, %add3A_1390 : vector<16xf32>
      %mul3A_1392 = arith.mulf %add3A_1391, %add3A_1391 : vector<16xf32>
      %add3A_1393 = arith.addf %broadcast_in_dim3A_1361, %mul3A_1392 : vector<16xf32>
      %get3A_1394 = arith.constant 7 : i32
      %get3A_1395 = arith.index_cast %get3A_1394 : i32 to index
      %get3A_1396 = arith.constant 32 : index
      %get3A_1397 = tpu.vector_load %arg8[%get3A_1395, %get3A_1396] {strides = array<i32>} : memref<16x128xf32, #tpu.memory_space<vmem>>, vector<1x16xf32>,
      %get3A_1398 = vector.shape_cast %get3A_1397 : vector<1x16xf32> to vector<16xf32>
      %get3A_1399 = arith.constant 7 : i32
      %get3A_1400 = arith.index_cast %get3A_1399 : i32 to index
      %get3A_1401 = arith.constant 32 : index
      %get3A_1402 = tpu.vector_load %arg10[%get3A_1400, %get3A_1401] {strides = array<i32>} : memref<16x128xf32, #tpu.memory_space<vmem>>, vector<1x16xf32>,
      %get3A_1403 = vector.shape_cast %get3A_1402 : vector<1x16xf32> to vector<16xf32>
      %sub3A_1404 = arith.subf %get3A_1398, %get3A_1403 : vector<16xf32>
      %add3A_1405 = arith.constant 9.99999997E-7 : f32
      %add3A_1406 = vector.broadcast %add3A_1405 : f32 to vector<16xf32>
      %add3A_1407 = arith.addf %sub3A_1404, %add3A_1406 : vector<16xf32>
      %mul3A_1408 = arith.mulf %add3A_1407, %add3A_1407 : vector<16xf32>
      %add3A_1409 = arith.addf %add3A_1377, %mul3A_1408 : vector<16xf32>
      %get3A_1410 = arith.constant 7 : i32
      %get3A_1411 = arith.index_cast %get3A_1410 : i32 to index
      %get3A_1412 = arith.constant 48 : index
      %get3A_1413 = tpu.vector_load %arg8[%get3A_1411, %get3A_1412] {strides = array<i32>} : memref<16x128xf32, #tpu.memory_space<vmem>>, vector<1x16xf32>,
      %get3A_1414 = vector.shape_cast %get3A_1413 : vector<1x16xf32> to vector<16xf32>
      %get3A_1415 = arith.constant 7 : i32
      %get3A_1416 = arith.index_cast %get3A_1415 : i32 to index
      %get3A_1417 = arith.constant 48 : index
      %get3A_1418 = tpu.vector_load %arg10[%get3A_1416, %get3A_1417] {strides = array<i32>} : memref<16x128xf32, #tpu.memory_space<vmem>>, vector<1x16xf32>,
      %get3A_1419 = vector.shape_cast %get3A_1418 : vector<1x16xf32> to vector<16xf32>
      %sub3A_1420 = arith.subf %get3A_1414, %get3A_1419 : vector<16xf32>
      %add3A_1421 = arith.constant 9.99999997E-7 : f32
      %add3A_1422 = vector.broadcast %add3A_1421 : f32 to vector<16xf32>
      %add3A_1423 = arith.addf %sub3A_1420, %add3A_1422 : vector<16xf32>
      %mul3A_1424 = arith.mulf %add3A_1423, %add3A_1423 : vector<16xf32>
      %add3A_1425 = arith.addf %add3A_1393, %mul3A_1424 : vector<16xf32>
      %get3A_1426 = arith.constant 7 : i32
      %get3A_1427 = arith.index_cast %get3A_1426 : i32 to index
      %get3A_1428 = arith.constant 64 : index
      %get3A_1429 = tpu.vector_load %arg8[%get3A_1427, %get3A_1428] {strides = array<i32>} : memref<16x128xf32, #tpu.memory_space<vmem>>, vector<1x16xf32>,
      %get3A_1430 = vector.shape_cast %get3A_1429 : vector<1x16xf32> to vector<16xf32>
      %get3A_1431 = arith.constant 7 : i32
      %get3A_1432 = arith.index_cast %get3A_1431 : i32 to index
      %get3A_1433 = arith.constant 64 : index
      %get3A_1434 = tpu.vector_load %arg10[%get3A_1432, %get3A_1433] {strides = array<i32>} : memref<16x128xf32, #tpu.memory_space<vmem>>, vector<1x16xf32>,
      %get3A_1435 = vector.shape_cast %get3A_1434 : vector<1x16xf32> to vector<16xf32>
      %sub3A_1436 = arith.subf %get3A_1430, %get3A_1435 : vector<16xf32>
      %add3A_1437 = arith.constant 9.99999997E-7 : f32
      %add3A_1438 = vector.broadcast %add3A_1437 : f32 to vector<16xf32>
      %add3A_1439 = arith.addf %sub3A_1436, %add3A_1438 : vector<16xf32>
      %mul3A_1440 = arith.mulf %add3A_1439, %add3A_1439 : vector<16xf32>
      %add3A_1441 = arith.addf %add3A_1409, %mul3A_1440 : vector<16xf32>
      %get3A_1442 = arith.constant 7 : i32
      %get3A_1443 = arith.index_cast %get3A_1442 : i32 to index
      %get3A_1444 = arith.constant 80 : index
      %get3A_1445 = tpu.vector_load %arg8[%get3A_1443, %get3A_1444] {strides = array<i32>} : memref<16x128xf32, #tpu.memory_space<vmem>>, vector<1x16xf32>,
      %get3A_1446 = vector.shape_cast %get3A_1445 : vector<1x16xf32> to vector<16xf32>
      %get3A_1447 = arith.constant 7 : i32
      %get3A_1448 = arith.index_cast %get3A_1447 : i32 to index
      %get3A_1449 = arith.constant 80 : index
      %get3A_1450 = tpu.vector_load %arg10[%get3A_1448, %get3A_1449] {strides = array<i32>} : memref<16x128xf32, #tpu.memory_space<vmem>>, vector<1x16xf32>,
      %get3A_1451 = vector.shape_cast %get3A_1450 : vector<1x16xf32> to vector<16xf32>
      %sub3A_1452 = arith.subf %get3A_1446, %get3A_1451 : vector<16xf32>
      %add3A_1453 = arith.constant 9.99999997E-7 : f32
      %add3A_1454 = vector.broadcast %add3A_1453 : f32 to vector<16xf32>
      %add3A_1455 = arith.addf %sub3A_1452, %add3A_1454 : vector<16xf32>
      %mul3A_1456 = arith.mulf %add3A_1455, %add3A_1455 : vector<16xf32>
      %add3A_1457 = arith.addf %add3A_1425, %mul3A_1456 : vector<16xf32>
      %get3A_1458 = arith.constant 7 : i32
      %get3A_1459 = arith.index_cast %get3A_1458 : i32 to index
      %get3A_1460 = arith.constant 96 : index
      %get3A_1461 = tpu.vector_load %arg8[%get3A_1459, %get3A_1460] {strides = array<i32>} : memref<16x128xf32, #tpu.memory_space<vmem>>, vector<1x16xf32>,
      %get3A_1462 = vector.shape_cast %get3A_1461 : vector<1x16xf32> to vector<16xf32>
      %get3A_1463 = arith.constant 7 : i32
      %get3A_1464 = arith.index_cast %get3A_1463 : i32 to index
      %get3A_1465 = arith.constant 96 : index
      %get3A_1466 = tpu.vector_load %arg10[%get3A_1464, %get3A_1465] {strides = array<i32>} : memref<16x128xf32, #tpu.memory_space<vmem>>, vector<1x16xf32>,
      %get3A_1467 = vector.shape_cast %get3A_1466 : vector<1x16xf32> to vector<16xf32>
      %sub3A_1468 = arith.subf %get3A_1462, %get3A_1467 : vector<16xf32>
      %add3A_1469 = arith.constant 9.99999997E-7 : f32
      %add3A_1470 = vector.broadcast %add3A_1469 : f32 to vector<16xf32>
      %add3A_1471 = arith.addf %sub3A_1468, %add3A_1470 : vector<16xf32>
      %mul3A_1472 = arith.mulf %add3A_1471, %add3A_1471 : vector<16xf32>
      %add3A_1473 = arith.addf %add3A_1441, %mul3A_1472 : vector<16xf32>
      %get3A_1474 = arith.constant 7 : i32
      %get3A_1475 = arith.index_cast %get3A_1474 : i32 to index
      %get3A_1476 = arith.constant 112 : index
      %get3A_1477 = tpu.vector_load %arg8[%get3A_1475, %get3A_1476] {strides = array<i32>} : memref<16x128xf32, #tpu.memory_space<vmem>>, vector<1x16xf32>,
      %get3A_1478 = vector.shape_cast %get3A_1477 : vector<1x16xf32> to vector<16xf32>
      %get3A_1479 = arith.constant 7 : i32
      %get3A_1480 = arith.index_cast %get3A_1479 : i32 to index
      %get3A_1481 = arith.constant 112 : index
      %get3A_1482 = tpu.vector_load %arg10[%get3A_1480, %get3A_1481] {strides = array<i32>} : memref<16x128xf32, #tpu.memory_space<vmem>>, vector<1x16xf32>,
      %get3A_1483 = vector.shape_cast %get3A_1482 : vector<1x16xf32> to vector<16xf32>
      %sub3A_1484 = arith.subf %get3A_1478, %get3A_1483 : vector<16xf32>
      %add3A_1485 = arith.constant 9.99999997E-7 : f32
      %add3A_1486 = vector.broadcast %add3A_1485 : f32 to vector<16xf32>
      %add3A_1487 = arith.addf %sub3A_1484, %add3A_1486 : vector<16xf32>
      %mul3A_1488 = arith.mulf %add3A_1487, %add3A_1487 : vector<16xf32>
      %add3A_1489 = arith.addf %add3A_1457, %mul3A_1488 : vector<16xf32>
      %add3A_1490 = arith.addf %add3A_1473, %add3A_1489 : vector<16xf32>
      %iota3A_1491 = tpu.iota {dimensions = array<i32: 0>} : vector<16xi32>
      %add3A_1492 = arith.constant 8 : i32
      %add3A_1493 = vector.broadcast %add3A_1492 : i32 to vector<16xi32>
      %add3A_1494 = arith.addi %iota3A_1491, %add3A_1493 : vector<16xi32>
      %and3A_1495 = arith.constant 15 : i32
      %and3A_1496 = vector.broadcast %and3A_1495 : i32 to vector<16xi32>
      %and3A_1497 = arith.andi %add3A_1494, %and3A_1496 : vector<16xi32>
      %broadcast_in_dim3A_1498 = vector.shape_cast %and3A_1497 : vector<16xi32> to vector<16x1xi32>
      %gather3A_1499 = vector.shape_cast %broadcast_in_dim3A_1498 : vector<16x1xi32> to vector<16xi32>
      %gather3A_1500 = tpu.dynamic_gather %add3A_1490[%gather3A_1499] in [0] : vector<16xf32>, vector<16xi32> -> vector<16xf32>
      %add3A_1501 = arith.addf %add3A_1490, %gather3A_1500 : vector<16xf32>
      %add3A_1502 = arith.constant 4 : i32
      %add3A_1503 = vector.broadcast %add3A_1502 : i32 to vector<16xi32>
      %add3A_1504 = arith.addi %iota3A_1491, %add3A_1503 : vector<16xi32>
      %and3A_1505 = arith.constant 15 : i32
      %and3A_1506 = vector.broadcast %and3A_1505 : i32 to vector<16xi32>
      %and3A_1507 = arith.andi %add3A_1504, %and3A_1506 : vector<16xi32>
      %broadcast_in_dim3A_1508 = vector.shape_cast %and3A_1507 : vector<16xi32> to vector<16x1xi32>
      %gather3A_1509 = vector.shape_cast %broadcast_in_dim3A_1508 : vector<16x1xi32> to vector<16xi32>
      %gather3A_1510 = tpu.dynamic_gather %add3A_1501[%gather3A_1509] in [0] : vector<16xf32>, vector<16xi32> -> vector<16xf32>
      %add3A_1511 = arith.addf %add3A_1501, %gather3A_1510 : vector<16xf32>
      %add3A_1512 = arith.constant 2 : i32
      %add3A_1513 = vector.broadcast %add3A_1512 : i32 to vector<16xi32>
      %add3A_1514 = arith.addi %iota3A_1491, %add3A_1513 : vector<16xi32>
      %and3A_1515 = arith.constant 15 : i32
      %and3A_1516 = vector.broadcast %and3A_1515 : i32 to vector<16xi32>
      %and3A_1517 = arith.andi %add3A_1514, %and3A_1516 : vector<16xi32>
      %broadcast_in_dim3A_1518 = vector.shape_cast %and3A_1517 : vector<16xi32> to vector<16x1xi32>
      %gather3A_1519 = vector.shape_cast %broadcast_in_dim3A_1518 : vector<16x1xi32> to vector<16xi32>
      %gather3A_1520 = tpu.dynamic_gather %add3A_1511[%gather3A_1519] in [0] : vector<16xf32>, vector<16xi32> -> vector<16xf32>
      %add3A_1521 = arith.addf %add3A_1511, %gather3A_1520 : vector<16xf32>
      %add3A_1522 = arith.constant 1 : i32
      %add3A_1523 = vector.broadcast %add3A_1522 : i32 to vector<16xi32>
      %add3A_1524 = arith.addi %iota3A_1491, %add3A_1523 : vector<16xi32>
      %and3A_1525 = arith.constant 15 : i32
      %and3A_1526 = vector.broadcast %and3A_1525 : i32 to vector<16xi32>
      %and3A_1527 = arith.andi %add3A_1524, %and3A_1526 : vector<16xi32>
      %broadcast_in_dim3A_1528 = vector.shape_cast %and3A_1527 : vector<16xi32> to vector<16x1xi32>
      %gather3A_1529 = vector.shape_cast %broadcast_in_dim3A_1528 : vector<16x1xi32> to vector<16xi32>
      %gather3A_1530 = tpu.dynamic_gather %add3A_1521[%gather3A_1529] in [0] : vector<16xf32>, vector<16xi32> -> vector<16xf32>
      %add3A_1531 = arith.addf %add3A_1521, %gather3A_1530 : vector<16xf32>
      %eq3A_1532 = arith.constant 7 : i32
      %eq3A_1533 = vector.broadcast %eq3A_1532 : i32 to vector<16xi32>
      %eq3A_1534 = arith.cmpi eq, %iota3A, %eq3A_1533 : vector<16xi32>
      %select_n3A_1535 = arith.select %eq3A_1534, %add3A_1531, %select_n3A_1357 : vector<16xi1>, vector<16xf32>
      %broadcast_in_dim3A_1536 = arith.constant 0.000000e+00 : f32
      %broadcast_in_dim3A_1537 = vector.broadcast %broadcast_in_dim3A_1536 : f32 to vector<16xf32>
      %broadcast_in_dim3A_1538 = arith.constant 0.000000e+00 : f32
      %broadcast_in_dim3A_1539 = vector.broadcast %broadcast_in_dim3A_1538 : f32 to vector<16xf32>
      %get3A_1540 = arith.constant 8 : i32
      %get3A_1541 = arith.index_cast %get3A_1540 : i32 to index
      %get3A_1542 = arith.constant 0 : index
      %get3A_1543 = tpu.vector_load %arg8[%get3A_1541, %get3A_1542] {strides = array<i32>} : memref<16x128xf32, #tpu.memory_space<vmem>>, vector<1x16xf32>,
      %get3A_1544 = vector.shape_cast %get3A_1543 : vector<1x16xf32> to vector<16xf32>
      %get3A_1545 = arith.constant 8 : i32
      %get3A_1546 = arith.index_cast %get3A_1545 : i32 to index
      %get3A_1547 = arith.constant 0 : index
      %get3A_1548 = tpu.vector_load %arg10[%get3A_1546, %get3A_1547] {strides = array<i32>} : memref<16x128xf32, #tpu.memory_space<vmem>>, vector<1x16xf32>,
      %get3A_1549 = vector.shape_cast %get3A_1548 : vector<1x16xf32> to vector<16xf32>
      %sub3A_1550 = arith.subf %get3A_1544, %get3A_1549 : vector<16xf32>
      %add3A_1551 = arith.constant 9.99999997E-7 : f32
      %add3A_1552 = vector.broadcast %add3A_1551 : f32 to vector<16xf32>
      %add3A_1553 = arith.addf %sub3A_1550, %add3A_1552 : vector<16xf32>
      %mul3A_1554 = arith.mulf %add3A_1553, %add3A_1553 : vector<16xf32>
      %add3A_1555 = arith.addf %broadcast_in_dim3A_1537, %mul3A_1554 : vector<16xf32>
      %get3A_1556 = arith.constant 8 : i32
      %get3A_1557 = arith.index_cast %get3A_1556 : i32 to index
      %get3A_1558 = arith.constant 16 : index
      %get3A_1559 = tpu.vector_load %arg8[%get3A_1557, %get3A_1558] {strides = array<i32>} : memref<16x128xf32, #tpu.memory_space<vmem>>, vector<1x16xf32>,
      %get3A_1560 = vector.shape_cast %get3A_1559 : vector<1x16xf32> to vector<16xf32>
      %get3A_1561 = arith.constant 8 : i32
      %get3A_1562 = arith.index_cast %get3A_1561 : i32 to index
      %get3A_1563 = arith.constant 16 : index
      %get3A_1564 = tpu.vector_load %arg10[%get3A_1562, %get3A_1563] {strides = array<i32>} : memref<16x128xf32, #tpu.memory_space<vmem>>, vector<1x16xf32>,
      %get3A_1565 = vector.shape_cast %get3A_1564 : vector<1x16xf32> to vector<16xf32>
      %sub3A_1566 = arith.subf %get3A_1560, %get3A_1565 : vector<16xf32>
      %add3A_1567 = arith.constant 9.99999997E-7 : f32
      %add3A_1568 = vector.broadcast %add3A_1567 : f32 to vector<16xf32>
      %add3A_1569 = arith.addf %sub3A_1566, %add3A_1568 : vector<16xf32>
      %mul3A_1570 = arith.mulf %add3A_1569, %add3A_1569 : vector<16xf32>
      %add3A_1571 = arith.addf %broadcast_in_dim3A_1539, %mul3A_1570 : vector<16xf32>
      %get3A_1572 = arith.constant 8 : i32
      %get3A_1573 = arith.index_cast %get3A_1572 : i32 to index
      %get3A_1574 = arith.constant 32 : index
      %get3A_1575 = tpu.vector_load %arg8[%get3A_1573, %get3A_1574] {strides = array<i32>} : memref<16x128xf32, #tpu.memory_space<vmem>>, vector<1x16xf32>,
      %get3A_1576 = vector.shape_cast %get3A_1575 : vector<1x16xf32> to vector<16xf32>
      %get3A_1577 = arith.constant 8 : i32
      %get3A_1578 = arith.index_cast %get3A_1577 : i32 to index
      %get3A_1579 = arith.constant 32 : index
      %get3A_1580 = tpu.vector_load %arg10[%get3A_1578, %get3A_1579] {strides = array<i32>} : memref<16x128xf32, #tpu.memory_space<vmem>>, vector<1x16xf32>,
      %get3A_1581 = vector.shape_cast %get3A_1580 : vector<1x16xf32> to vector<16xf32>
      %sub3A_1582 = arith.subf %get3A_1576, %get3A_1581 : vector<16xf32>
      %add3A_1583 = arith.constant 9.99999997E-7 : f32
      %add3A_1584 = vector.broadcast %add3A_1583 : f32 to vector<16xf32>
      %add3A_1585 = arith.addf %sub3A_1582, %add3A_1584 : vector<16xf32>
      %mul3A_1586 = arith.mulf %add3A_1585, %add3A_1585 : vector<16xf32>
      %add3A_1587 = arith.addf %add3A_1555, %mul3A_1586 : vector<16xf32>
      %get3A_1588 = arith.constant 8 : i32
      %get3A_1589 = arith.index_cast %get3A_1588 : i32 to index
      %get3A_1590 = arith.constant 48 : index
      %get3A_1591 = tpu.vector_load %arg8[%get3A_1589, %get3A_1590] {strides = array<i32>} : memref<16x128xf32, #tpu.memory_space<vmem>>, vector<1x16xf32>,
      %get3A_1592 = vector.shape_cast %get3A_1591 : vector<1x16xf32> to vector<16xf32>
      %get3A_1593 = arith.constant 8 : i32
      %get3A_1594 = arith.index_cast %get3A_1593 : i32 to index
      %get3A_1595 = arith.constant 48 : index
      %get3A_1596 = tpu.vector_load %arg10[%get3A_1594, %get3A_1595] {strides = array<i32>} : memref<16x128xf32, #tpu.memory_space<vmem>>, vector<1x16xf32>,
      %get3A_1597 = vector.shape_cast %get3A_1596 : vector<1x16xf32> to vector<16xf32>
      %sub3A_1598 = arith.subf %get3A_1592, %get3A_1597 : vector<16xf32>
      %add3A_1599 = arith.constant 9.99999997E-7 : f32
      %add3A_1600 = vector.broadcast %add3A_1599 : f32 to vector<16xf32>
      %add3A_1601 = arith.addf %sub3A_1598, %add3A_1600 : vector<16xf32>
      %mul3A_1602 = arith.mulf %add3A_1601, %add3A_1601 : vector<16xf32>
      %add3A_1603 = arith.addf %add3A_1571, %mul3A_1602 : vector<16xf32>
      %get3A_1604 = arith.constant 8 : i32
      %get3A_1605 = arith.index_cast %get3A_1604 : i32 to index
      %get3A_1606 = arith.constant 64 : index
      %get3A_1607 = tpu.vector_load %arg8[%get3A_1605, %get3A_1606] {strides = array<i32>} : memref<16x128xf32, #tpu.memory_space<vmem>>, vector<1x16xf32>,
      %get3A_1608 = vector.shape_cast %get3A_1607 : vector<1x16xf32> to vector<16xf32>
      %get3A_1609 = arith.constant 8 : i32
      %get3A_1610 = arith.index_cast %get3A_1609 : i32 to index
      %get3A_1611 = arith.constant 64 : index
      %get3A_1612 = tpu.vector_load %arg10[%get3A_1610, %get3A_1611] {strides = array<i32>} : memref<16x128xf32, #tpu.memory_space<vmem>>, vector<1x16xf32>,
      %get3A_1613 = vector.shape_cast %get3A_1612 : vector<1x16xf32> to vector<16xf32>
      %sub3A_1614 = arith.subf %get3A_1608, %get3A_1613 : vector<16xf32>
      %add3A_1615 = arith.constant 9.99999997E-7 : f32
      %add3A_1616 = vector.broadcast %add3A_1615 : f32 to vector<16xf32>
      %add3A_1617 = arith.addf %sub3A_1614, %add3A_1616 : vector<16xf32>
      %mul3A_1618 = arith.mulf %add3A_1617, %add3A_1617 : vector<16xf32>
      %add3A_1619 = arith.addf %add3A_1587, %mul3A_1618 : vector<16xf32>
      %get3A_1620 = arith.constant 8 : i32
      %get3A_1621 = arith.index_cast %get3A_1620 : i32 to index
      %get3A_1622 = arith.constant 80 : index
      %get3A_1623 = tpu.vector_load %arg8[%get3A_1621, %get3A_1622] {strides = array<i32>} : memref<16x128xf32, #tpu.memory_space<vmem>>, vector<1x16xf32>,
      %get3A_1624 = vector.shape_cast %get3A_1623 : vector<1x16xf32> to vector<16xf32>
      %get3A_1625 = arith.constant 8 : i32
      %get3A_1626 = arith.index_cast %get3A_1625 : i32 to index
      %get3A_1627 = arith.constant 80 : index
      %get3A_1628 = tpu.vector_load %arg10[%get3A_1626, %get3A_1627] {strides = array<i32>} : memref<16x128xf32, #tpu.memory_space<vmem>>, vector<1x16xf32>,
      %get3A_1629 = vector.shape_cast %get3A_1628 : vector<1x16xf32> to vector<16xf32>
      %sub3A_1630 = arith.subf %get3A_1624, %get3A_1629 : vector<16xf32>
      %add3A_1631 = arith.constant 9.99999997E-7 : f32
      %add3A_1632 = vector.broadcast %add3A_1631 : f32 to vector<16xf32>
      %add3A_1633 = arith.addf %sub3A_1630, %add3A_1632 : vector<16xf32>
      %mul3A_1634 = arith.mulf %add3A_1633, %add3A_1633 : vector<16xf32>
      %add3A_1635 = arith.addf %add3A_1603, %mul3A_1634 : vector<16xf32>
      %get3A_1636 = arith.constant 8 : i32
      %get3A_1637 = arith.index_cast %get3A_1636 : i32 to index
      %get3A_1638 = arith.constant 96 : index
      %get3A_1639 = tpu.vector_load %arg8[%get3A_1637, %get3A_1638] {strides = array<i32>} : memref<16x128xf32, #tpu.memory_space<vmem>>, vector<1x16xf32>,
      %get3A_1640 = vector.shape_cast %get3A_1639 : vector<1x16xf32> to vector<16xf32>
      %get3A_1641 = arith.constant 8 : i32
      %get3A_1642 = arith.index_cast %get3A_1641 : i32 to index
      %get3A_1643 = arith.constant 96 : index
      %get3A_1644 = tpu.vector_load %arg10[%get3A_1642, %get3A_1643] {strides = array<i32>} : memref<16x128xf32, #tpu.memory_space<vmem>>, vector<1x16xf32>,
      %get3A_1645 = vector.shape_cast %get3A_1644 : vector<1x16xf32> to vector<16xf32>
      %sub3A_1646 = arith.subf %get3A_1640, %get3A_1645 : vector<16xf32>
      %add3A_1647 = arith.constant 9.99999997E-7 : f32
      %add3A_1648 = vector.broadcast %add3A_1647 : f32 to vector<16xf32>
      %add3A_1649 = arith.addf %sub3A_1646, %add3A_1648 : vector<16xf32>
      %mul3A_1650 = arith.mulf %add3A_1649, %add3A_1649 : vector<16xf32>
      %add3A_1651 = arith.addf %add3A_1619, %mul3A_1650 : vector<16xf32>
      %get3A_1652 = arith.constant 8 : i32
      %get3A_1653 = arith.index_cast %get3A_1652 : i32 to index
      %get3A_1654 = arith.constant 112 : index
      %get3A_1655 = tpu.vector_load %arg8[%get3A_1653, %get3A_1654] {strides = array<i32>} : memref<16x128xf32, #tpu.memory_space<vmem>>, vector<1x16xf32>,
      %get3A_1656 = vector.shape_cast %get3A_1655 : vector<1x16xf32> to vector<16xf32>
      %get3A_1657 = arith.constant 8 : i32
      %get3A_1658 = arith.index_cast %get3A_1657 : i32 to index
      %get3A_1659 = arith.constant 112 : index
      %get3A_1660 = tpu.vector_load %arg10[%get3A_1658, %get3A_1659] {strides = array<i32>} : memref<16x128xf32, #tpu.memory_space<vmem>>, vector<1x16xf32>,
      %get3A_1661 = vector.shape_cast %get3A_1660 : vector<1x16xf32> to vector<16xf32>
      %sub3A_1662 = arith.subf %get3A_1656, %get3A_1661 : vector<16xf32>
      %add3A_1663 = arith.constant 9.99999997E-7 : f32
      %add3A_1664 = vector.broadcast %add3A_1663 : f32 to vector<16xf32>
      %add3A_1665 = arith.addf %sub3A_1662, %add3A_1664 : vector<16xf32>
      %mul3A_1666 = arith.mulf %add3A_1665, %add3A_1665 : vector<16xf32>
      %add3A_1667 = arith.addf %add3A_1635, %mul3A_1666 : vector<16xf32>
      %add3A_1668 = arith.addf %add3A_1651, %add3A_1667 : vector<16xf32>
      %iota3A_1669 = tpu.iota {dimensions = array<i32: 0>} : vector<16xi32>
      %add3A_1670 = arith.constant 8 : i32
      %add3A_1671 = vector.broadcast %add3A_1670 : i32 to vector<16xi32>
      %add3A_1672 = arith.addi %iota3A_1669, %add3A_1671 : vector<16xi32>
      %and3A_1673 = arith.constant 15 : i32
      %and3A_1674 = vector.broadcast %and3A_1673 : i32 to vector<16xi32>
      %and3A_1675 = arith.andi %add3A_1672, %and3A_1674 : vector<16xi32>
      %broadcast_in_dim3A_1676 = vector.shape_cast %and3A_1675 : vector<16xi32> to vector<16x1xi32>
      %gather3A_1677 = vector.shape_cast %broadcast_in_dim3A_1676 : vector<16x1xi32> to vector<16xi32>
      %gather3A_1678 = tpu.dynamic_gather %add3A_1668[%gather3A_1677] in [0] : vector<16xf32>, vector<16xi32> -> vector<16xf32>
      %add3A_1679 = arith.addf %add3A_1668, %gather3A_1678 : vector<16xf32>
      %add3A_1680 = arith.constant 4 : i32
      %add3A_1681 = vector.broadcast %add3A_1680 : i32 to vector<16xi32>
      %add3A_1682 = arith.addi %iota3A_1669, %add3A_1681 : vector<16xi32>
      %and3A_1683 = arith.constant 15 : i32
      %and3A_1684 = vector.broadcast %and3A_1683 : i32 to vector<16xi32>
      %and3A_1685 = arith.andi %add3A_1682, %and3A_1684 : vector<16xi32>
      %broadcast_in_dim3A_1686 = vector.shape_cast %and3A_1685 : vector<16xi32> to vector<16x1xi32>
      %gather3A_1687 = vector.shape_cast %broadcast_in_dim3A_1686 : vector<16x1xi32> to vector<16xi32>
      %gather3A_1688 = tpu.dynamic_gather %add3A_1679[%gather3A_1687] in [0] : vector<16xf32>, vector<16xi32> -> vector<16xf32>
      %add3A_1689 = arith.addf %add3A_1679, %gather3A_1688 : vector<16xf32>
      %add3A_1690 = arith.constant 2 : i32
      %add3A_1691 = vector.broadcast %add3A_1690 : i32 to vector<16xi32>
      %add3A_1692 = arith.addi %iota3A_1669, %add3A_1691 : vector<16xi32>
      %and3A_1693 = arith.constant 15 : i32
      %and3A_1694 = vector.broadcast %and3A_1693 : i32 to vector<16xi32>
      %and3A_1695 = arith.andi %add3A_1692, %and3A_1694 : vector<16xi32>
      %broadcast_in_dim3A_1696 = vector.shape_cast %and3A_1695 : vector<16xi32> to vector<16x1xi32>
      %gather3A_1697 = vector.shape_cast %broadcast_in_dim3A_1696 : vector<16x1xi32> to vector<16xi32>
      %gather3A_1698 = tpu.dynamic_gather %add3A_1689[%gather3A_1697] in [0] : vector<16xf32>, vector<16xi32> -> vector<16xf32>
      %add3A_1699 = arith.addf %add3A_1689, %gather3A_1698 : vector<16xf32>
      %add3A_1700 = arith.constant 1 : i32
      %add3A_1701 = vector.broadcast %add3A_1700 : i32 to vector<16xi32>
      %add3A_1702 = arith.addi %iota3A_1669, %add3A_1701 : vector<16xi32>
      %and3A_1703 = arith.constant 15 : i32
      %and3A_1704 = vector.broadcast %and3A_1703 : i32 to vector<16xi32>
      %and3A_1705 = arith.andi %add3A_1702, %and3A_1704 : vector<16xi32>
      %broadcast_in_dim3A_1706 = vector.shape_cast %and3A_1705 : vector<16xi32> to vector<16x1xi32>
      %gather3A_1707 = vector.shape_cast %broadcast_in_dim3A_1706 : vector<16x1xi32> to vector<16xi32>
      %gather3A_1708 = tpu.dynamic_gather %add3A_1699[%gather3A_1707] in [0] : vector<16xf32>, vector<16xi32> -> vector<16xf32>
      %add3A_1709 = arith.addf %add3A_1699, %gather3A_1708 : vector<16xf32>
      %eq3A_1710 = arith.constant 8 : i32
      %eq3A_1711 = vector.broadcast %eq3A_1710 : i32 to vector<16xi32>
      %eq3A_1712 = arith.cmpi eq, %iota3A, %eq3A_1711 : vector<16xi32>
      %select_n3A_1713 = arith.select %eq3A_1712, %add3A_1709, %select_n3A_1535 : vector<16xi1>, vector<16xf32>
      %broadcast_in_dim3A_1714 = arith.constant 0.000000e+00 : f32
      %broadcast_in_dim3A_1715 = vector.broadcast %broadcast_in_dim3A_1714 : f32 to vector<16xf32>
      %broadcast_in_dim3A_1716 = arith.constant 0.000000e+00 : f32
      %broadcast_in_dim3A_1717 = vector.broadcast %broadcast_in_dim3A_1716 : f32 to vector<16xf32>
      %get3A_1718 = arith.constant 9 : i32
      %get3A_1719 = arith.index_cast %get3A_1718 : i32 to index
      %get3A_1720 = arith.constant 0 : index
      %get3A_1721 = tpu.vector_load %arg8[%get3A_1719, %get3A_1720] {strides = array<i32>} : memref<16x128xf32, #tpu.memory_space<vmem>>, vector<1x16xf32>,
      %get3A_1722 = vector.shape_cast %get3A_1721 : vector<1x16xf32> to vector<16xf32>
      %get3A_1723 = arith.constant 9 : i32
      %get3A_1724 = arith.index_cast %get3A_1723 : i32 to index
      %get3A_1725 = arith.constant 0 : index
      %get3A_1726 = tpu.vector_load %arg10[%get3A_1724, %get3A_1725] {strides = array<i32>} : memref<16x128xf32, #tpu.memory_space<vmem>>, vector<1x16xf32>,
      %get3A_1727 = vector.shape_cast %get3A_1726 : vector<1x16xf32> to vector<16xf32>
      %sub3A_1728 = arith.subf %get3A_1722, %get3A_1727 : vector<16xf32>
      %add3A_1729 = arith.constant 9.99999997E-7 : f32
      %add3A_1730 = vector.broadcast %add3A_1729 : f32 to vector<16xf32>
      %add3A_1731 = arith.addf %sub3A_1728, %add3A_1730 : vector<16xf32>
      %mul3A_1732 = arith.mulf %add3A_1731, %add3A_1731 : vector<16xf32>
      %add3A_1733 = arith.addf %broadcast_in_dim3A_1715, %mul3A_1732 : vector<16xf32>
      %get3A_1734 = arith.constant 9 : i32
      %get3A_1735 = arith.index_cast %get3A_1734 : i32 to index
      %get3A_1736 = arith.constant 16 : index
      %get3A_1737 = tpu.vector_load %arg8[%get3A_1735, %get3A_1736] {strides = array<i32>} : memref<16x128xf32, #tpu.memory_space<vmem>>, vector<1x16xf32>,
      %get3A_1738 = vector.shape_cast %get3A_1737 : vector<1x16xf32> to vector<16xf32>
      %get3A_1739 = arith.constant 9 : i32
      %get3A_1740 = arith.index_cast %get3A_1739 : i32 to index
      %get3A_1741 = arith.constant 16 : index
      %get3A_1742 = tpu.vector_load %arg10[%get3A_1740, %get3A_1741] {strides = array<i32>} : memref<16x128xf32, #tpu.memory_space<vmem>>, vector<1x16xf32>,
      %get3A_1743 = vector.shape_cast %get3A_1742 : vector<1x16xf32> to vector<16xf32>
      %sub3A_1744 = arith.subf %get3A_1738, %get3A_1743 : vector<16xf32>
      %add3A_1745 = arith.constant 9.99999997E-7 : f32
      %add3A_1746 = vector.broadcast %add3A_1745 : f32 to vector<16xf32>
      %add3A_1747 = arith.addf %sub3A_1744, %add3A_1746 : vector<16xf32>
      %mul3A_1748 = arith.mulf %add3A_1747, %add3A_1747 : vector<16xf32>
      %add3A_1749 = arith.addf %broadcast_in_dim3A_1717, %mul3A_1748 : vector<16xf32>
      %get3A_1750 = arith.constant 9 : i32
      %get3A_1751 = arith.index_cast %get3A_1750 : i32 to index
      %get3A_1752 = arith.constant 32 : index
      %get3A_1753 = tpu.vector_load %arg8[%get3A_1751, %get3A_1752] {strides = array<i32>} : memref<16x128xf32, #tpu.memory_space<vmem>>, vector<1x16xf32>,
      %get3A_1754 = vector.shape_cast %get3A_1753 : vector<1x16xf32> to vector<16xf32>
      %get3A_1755 = arith.constant 9 : i32
      %get3A_1756 = arith.index_cast %get3A_1755 : i32 to index
      %get3A_1757 = arith.constant 32 : index
      %get3A_1758 = tpu.vector_load %arg10[%get3A_1756, %get3A_1757] {strides = array<i32>} : memref<16x128xf32, #tpu.memory_space<vmem>>, vector<1x16xf32>,
      %get3A_1759 = vector.shape_cast %get3A_1758 : vector<1x16xf32> to vector<16xf32>
      %sub3A_1760 = arith.subf %get3A_1754, %get3A_1759 : vector<16xf32>
      %add3A_1761 = arith.constant 9.99999997E-7 : f32
      %add3A_1762 = vector.broadcast %add3A_1761 : f32 to vector<16xf32>
      %add3A_1763 = arith.addf %sub3A_1760, %add3A_1762 : vector<16xf32>
      %mul3A_1764 = arith.mulf %add3A_1763, %add3A_1763 : vector<16xf32>
      %add3A_1765 = arith.addf %add3A_1733, %mul3A_1764 : vector<16xf32>
      %get3A_1766 = arith.constant 9 : i32
      %get3A_1767 = arith.index_cast %get3A_1766 : i32 to index
      %get3A_1768 = arith.constant 48 : index
      %get3A_1769 = tpu.vector_load %arg8[%get3A_1767, %get3A_1768] {strides = array<i32>} : memref<16x128xf32, #tpu.memory_space<vmem>>, vector<1x16xf32>,
      %get3A_1770 = vector.shape_cast %get3A_1769 : vector<1x16xf32> to vector<16xf32>
      %get3A_1771 = arith.constant 9 : i32
      %get3A_1772 = arith.index_cast %get3A_1771 : i32 to index
      %get3A_1773 = arith.constant 48 : index
      %get3A_1774 = tpu.vector_load %arg10[%get3A_1772, %get3A_1773] {strides = array<i32>} : memref<16x128xf32, #tpu.memory_space<vmem>>, vector<1x16xf32>,
      %get3A_1775 = vector.shape_cast %get3A_1774 : vector<1x16xf32> to vector<16xf32>
      %sub3A_1776 = arith.subf %get3A_1770, %get3A_1775 : vector<16xf32>
      %add3A_1777 = arith.constant 9.99999997E-7 : f32
      %add3A_1778 = vector.broadcast %add3A_1777 : f32 to vector<16xf32>
      %add3A_1779 = arith.addf %sub3A_1776, %add3A_1778 : vector<16xf32>
      %mul3A_1780 = arith.mulf %add3A_1779, %add3A_1779 : vector<16xf32>
      %add3A_1781 = arith.addf %add3A_1749, %mul3A_1780 : vector<16xf32>
      %get3A_1782 = arith.constant 9 : i32
      %get3A_1783 = arith.index_cast %get3A_1782 : i32 to index
      %get3A_1784 = arith.constant 64 : index
      %get3A_1785 = tpu.vector_load %arg8[%get3A_1783, %get3A_1784] {strides = array<i32>} : memref<16x128xf32, #tpu.memory_space<vmem>>, vector<1x16xf32>,
      %get3A_1786 = vector.shape_cast %get3A_1785 : vector<1x16xf32> to vector<16xf32>
      %get3A_1787 = arith.constant 9 : i32
      %get3A_1788 = arith.index_cast %get3A_1787 : i32 to index
      %get3A_1789 = arith.constant 64 : index
      %get3A_1790 = tpu.vector_load %arg10[%get3A_1788, %get3A_1789] {strides = array<i32>} : memref<16x128xf32, #tpu.memory_space<vmem>>, vector<1x16xf32>,
      %get3A_1791 = vector.shape_cast %get3A_1790 : vector<1x16xf32> to vector<16xf32>
      %sub3A_1792 = arith.subf %get3A_1786, %get3A_1791 : vector<16xf32>
      %add3A_1793 = arith.constant 9.99999997E-7 : f32
      %add3A_1794 = vector.broadcast %add3A_1793 : f32 to vector<16xf32>
      %add3A_1795 = arith.addf %sub3A_1792, %add3A_1794 : vector<16xf32>
      %mul3A_1796 = arith.mulf %add3A_1795, %add3A_1795 : vector<16xf32>
      %add3A_1797 = arith.addf %add3A_1765, %mul3A_1796 : vector<16xf32>
      %get3A_1798 = arith.constant 9 : i32
      %get3A_1799 = arith.index_cast %get3A_1798 : i32 to index
      %get3A_1800 = arith.constant 80 : index
      %get3A_1801 = tpu.vector_load %arg8[%get3A_1799, %get3A_1800] {strides = array<i32>} : memref<16x128xf32, #tpu.memory_space<vmem>>, vector<1x16xf32>,
      %get3A_1802 = vector.shape_cast %get3A_1801 : vector<1x16xf32> to vector<16xf32>
      %get3A_1803 = arith.constant 9 : i32
      %get3A_1804 = arith.index_cast %get3A_1803 : i32 to index
      %get3A_1805 = arith.constant 80 : index
      %get3A_1806 = tpu.vector_load %arg10[%get3A_1804, %get3A_1805] {strides = array<i32>} : memref<16x128xf32, #tpu.memory_space<vmem>>, vector<1x16xf32>,
      %get3A_1807 = vector.shape_cast %get3A_1806 : vector<1x16xf32> to vector<16xf32>
      %sub3A_1808 = arith.subf %get3A_1802, %get3A_1807 : vector<16xf32>
      %add3A_1809 = arith.constant 9.99999997E-7 : f32
      %add3A_1810 = vector.broadcast %add3A_1809 : f32 to vector<16xf32>
      %add3A_1811 = arith.addf %sub3A_1808, %add3A_1810 : vector<16xf32>
      %mul3A_1812 = arith.mulf %add3A_1811, %add3A_1811 : vector<16xf32>
      %add3A_1813 = arith.addf %add3A_1781, %mul3A_1812 : vector<16xf32>
      %get3A_1814 = arith.constant 9 : i32
      %get3A_1815 = arith.index_cast %get3A_1814 : i32 to index
      %get3A_1816 = arith.constant 96 : index
      %get3A_1817 = tpu.vector_load %arg8[%get3A_1815, %get3A_1816] {strides = array<i32>} : memref<16x128xf32, #tpu.memory_space<vmem>>, vector<1x16xf32>,
      %get3A_1818 = vector.shape_cast %get3A_1817 : vector<1x16xf32> to vector<16xf32>
      %get3A_1819 = arith.constant 9 : i32
      %get3A_1820 = arith.index_cast %get3A_1819 : i32 to index
      %get3A_1821 = arith.constant 96 : index
      %get3A_1822 = tpu.vector_load %arg10[%get3A_1820, %get3A_1821] {strides = array<i32>} : memref<16x128xf32, #tpu.memory_space<vmem>>, vector<1x16xf32>,
      %get3A_1823 = vector.shape_cast %get3A_1822 : vector<1x16xf32> to vector<16xf32>
      %sub3A_1824 = arith.subf %get3A_1818, %get3A_1823 : vector<16xf32>
      %add3A_1825 = arith.constant 9.99999997E-7 : f32
      %add3A_1826 = vector.broadcast %add3A_1825 : f32 to vector<16xf32>
      %add3A_1827 = arith.addf %sub3A_1824, %add3A_1826 : vector<16xf32>
      %mul3A_1828 = arith.mulf %add3A_1827, %add3A_1827 : vector<16xf32>
      %add3A_1829 = arith.addf %add3A_1797, %mul3A_1828 : vector<16xf32>
      %get3A_1830 = arith.constant 9 : i32
      %get3A_1831 = arith.index_cast %get3A_1830 : i32 to index
      %get3A_1832 = arith.constant 112 : index
      %get3A_1833 = tpu.vector_load %arg8[%get3A_1831, %get3A_1832] {strides = array<i32>} : memref<16x128xf32, #tpu.memory_space<vmem>>, vector<1x16xf32>,
      %get3A_1834 = vector.shape_cast %get3A_1833 : vector<1x16xf32> to vector<16xf32>
      %get3A_1835 = arith.constant 9 : i32
      %get3A_1836 = arith.index_cast %get3A_1835 : i32 to index
      %get3A_1837 = arith.constant 112 : index
      %get3A_1838 = tpu.vector_load %arg10[%get3A_1836, %get3A_1837] {strides = array<i32>} : memref<16x128xf32, #tpu.memory_space<vmem>>, vector<1x16xf32>,
      %get3A_1839 = vector.shape_cast %get3A_1838 : vector<1x16xf32> to vector<16xf32>
      %sub3A_1840 = arith.subf %get3A_1834, %get3A_1839 : vector<16xf32>
      %add3A_1841 = arith.constant 9.99999997E-7 : f32
      %add3A_1842 = vector.broadcast %add3A_1841 : f32 to vector<16xf32>
      %add3A_1843 = arith.addf %sub3A_1840, %add3A_1842 : vector<16xf32>
      %mul3A_1844 = arith.mulf %add3A_1843, %add3A_1843 : vector<16xf32>
      %add3A_1845 = arith.addf %add3A_1813, %mul3A_1844 : vector<16xf32>
      %add3A_1846 = arith.addf %add3A_1829, %add3A_1845 : vector<16xf32>
      %iota3A_1847 = tpu.iota {dimensions = array<i32: 0>} : vector<16xi32>
      %add3A_1848 = arith.constant 8 : i32
      %add3A_1849 = vector.broadcast %add3A_1848 : i32 to vector<16xi32>
      %add3A_1850 = arith.addi %iota3A_1847, %add3A_1849 : vector<16xi32>
      %and3A_1851 = arith.constant 15 : i32
      %and3A_1852 = vector.broadcast %and3A_1851 : i32 to vector<16xi32>
      %and3A_1853 = arith.andi %add3A_1850, %and3A_1852 : vector<16xi32>
      %broadcast_in_dim3A_1854 = vector.shape_cast %and3A_1853 : vector<16xi32> to vector<16x1xi32>
      %gather3A_1855 = vector.shape_cast %broadcast_in_dim3A_1854 : vector<16x1xi32> to vector<16xi32>
      %gather3A_1856 = tpu.dynamic_gather %add3A_1846[%gather3A_1855] in [0] : vector<16xf32>, vector<16xi32> -> vector<16xf32>
      %add3A_1857 = arith.addf %add3A_1846, %gather3A_1856 : vector<16xf32>
      %add3A_1858 = arith.constant 4 : i32
      %add3A_1859 = vector.broadcast %add3A_1858 : i32 to vector<16xi32>
      %add3A_1860 = arith.addi %iota3A_1847, %add3A_1859 : vector<16xi32>
      %and3A_1861 = arith.constant 15 : i32
      %and3A_1862 = vector.broadcast %and3A_1861 : i32 to vector<16xi32>
      %and3A_1863 = arith.andi %add3A_1860, %and3A_1862 : vector<16xi32>
      %broadcast_in_dim3A_1864 = vector.shape_cast %and3A_1863 : vector<16xi32> to vector<16x1xi32>
      %gather3A_1865 = vector.shape_cast %broadcast_in_dim3A_1864 : vector<16x1xi32> to vector<16xi32>
      %gather3A_1866 = tpu.dynamic_gather %add3A_1857[%gather3A_1865] in [0] : vector<16xf32>, vector<16xi32> -> vector<16xf32>
      %add3A_1867 = arith.addf %add3A_1857, %gather3A_1866 : vector<16xf32>
      %add3A_1868 = arith.constant 2 : i32
      %add3A_1869 = vector.broadcast %add3A_1868 : i32 to vector<16xi32>
      %add3A_1870 = arith.addi %iota3A_1847, %add3A_1869 : vector<16xi32>
      %and3A_1871 = arith.constant 15 : i32
      %and3A_1872 = vector.broadcast %and3A_1871 : i32 to vector<16xi32>
      %and3A_1873 = arith.andi %add3A_1870, %and3A_1872 : vector<16xi32>
      %broadcast_in_dim3A_1874 = vector.shape_cast %and3A_1873 : vector<16xi32> to vector<16x1xi32>
      %gather3A_1875 = vector.shape_cast %broadcast_in_dim3A_1874 : vector<16x1xi32> to vector<16xi32>
      %gather3A_1876 = tpu.dynamic_gather %add3A_1867[%gather3A_1875] in [0] : vector<16xf32>, vector<16xi32> -> vector<16xf32>
      %add3A_1877 = arith.addf %add3A_1867, %gather3A_1876 : vector<16xf32>
      %add3A_1878 = arith.constant 1 : i32
      %add3A_1879 = vector.broadcast %add3A_1878 : i32 to vector<16xi32>
      %add3A_1880 = arith.addi %iota3A_1847, %add3A_1879 : vector<16xi32>
      %and3A_1881 = arith.constant 15 : i32
      %and3A_1882 = vector.broadcast %and3A_1881 : i32 to vector<16xi32>
      %and3A_1883 = arith.andi %add3A_1880, %and3A_1882 : vector<16xi32>
      %broadcast_in_dim3A_1884 = vector.shape_cast %and3A_1883 : vector<16xi32> to vector<16x1xi32>
      %gather3A_1885 = vector.shape_cast %broadcast_in_dim3A_1884 : vector<16x1xi32> to vector<16xi32>
      %gather3A_1886 = tpu.dynamic_gather %add3A_1877[%gather3A_1885] in [0] : vector<16xf32>, vector<16xi32> -> vector<16xf32>
      %add3A_1887 = arith.addf %add3A_1877, %gather3A_1886 : vector<16xf32>
      %eq3A_1888 = arith.constant 9 : i32
      %eq3A_1889 = vector.broadcast %eq3A_1888 : i32 to vector<16xi32>
      %eq3A_1890 = arith.cmpi eq, %iota3A, %eq3A_1889 : vector<16xi32>
      %select_n3A_1891 = arith.select %eq3A_1890, %add3A_1887, %select_n3A_1713 : vector<16xi1>, vector<16xf32>
      %broadcast_in_dim3A_1892 = arith.constant 0.000000e+00 : f32
      %broadcast_in_dim3A_1893 = vector.broadcast %broadcast_in_dim3A_1892 : f32 to vector<16xf32>
      %broadcast_in_dim3A_1894 = arith.constant 0.000000e+00 : f32
      %broadcast_in_dim3A_1895 = vector.broadcast %broadcast_in_dim3A_1894 : f32 to vector<16xf32>
      %get3A_1896 = arith.constant 10 : i32
      %get3A_1897 = arith.index_cast %get3A_1896 : i32 to index
      %get3A_1898 = arith.constant 0 : index
      %get3A_1899 = tpu.vector_load %arg8[%get3A_1897, %get3A_1898] {strides = array<i32>} : memref<16x128xf32, #tpu.memory_space<vmem>>, vector<1x16xf32>,
      %get3A_1900 = vector.shape_cast %get3A_1899 : vector<1x16xf32> to vector<16xf32>
      %get3A_1901 = arith.constant 10 : i32
      %get3A_1902 = arith.index_cast %get3A_1901 : i32 to index
      %get3A_1903 = arith.constant 0 : index
      %get3A_1904 = tpu.vector_load %arg10[%get3A_1902, %get3A_1903] {strides = array<i32>} : memref<16x128xf32, #tpu.memory_space<vmem>>, vector<1x16xf32>,
      %get3A_1905 = vector.shape_cast %get3A_1904 : vector<1x16xf32> to vector<16xf32>
      %sub3A_1906 = arith.subf %get3A_1900, %get3A_1905 : vector<16xf32>
      %add3A_1907 = arith.constant 9.99999997E-7 : f32
      %add3A_1908 = vector.broadcast %add3A_1907 : f32 to vector<16xf32>
      %add3A_1909 = arith.addf %sub3A_1906, %add3A_1908 : vector<16xf32>
      %mul3A_1910 = arith.mulf %add3A_1909, %add3A_1909 : vector<16xf32>
      %add3A_1911 = arith.addf %broadcast_in_dim3A_1893, %mul3A_1910 : vector<16xf32>
      %get3A_1912 = arith.constant 10 : i32
      %get3A_1913 = arith.index_cast %get3A_1912 : i32 to index
      %get3A_1914 = arith.constant 16 : index
      %get3A_1915 = tpu.vector_load %arg8[%get3A_1913, %get3A_1914] {strides = array<i32>} : memref<16x128xf32, #tpu.memory_space<vmem>>, vector<1x16xf32>,
      %get3A_1916 = vector.shape_cast %get3A_1915 : vector<1x16xf32> to vector<16xf32>
      %get3A_1917 = arith.constant 10 : i32
      %get3A_1918 = arith.index_cast %get3A_1917 : i32 to index
      %get3A_1919 = arith.constant 16 : index
      %get3A_1920 = tpu.vector_load %arg10[%get3A_1918, %get3A_1919] {strides = array<i32>} : memref<16x128xf32, #tpu.memory_space<vmem>>, vector<1x16xf32>,
      %get3A_1921 = vector.shape_cast %get3A_1920 : vector<1x16xf32> to vector<16xf32>
      %sub3A_1922 = arith.subf %get3A_1916, %get3A_1921 : vector<16xf32>
      %add3A_1923 = arith.constant 9.99999997E-7 : f32
      %add3A_1924 = vector.broadcast %add3A_1923 : f32 to vector<16xf32>
      %add3A_1925 = arith.addf %sub3A_1922, %add3A_1924 : vector<16xf32>
      %mul3A_1926 = arith.mulf %add3A_1925, %add3A_1925 : vector<16xf32>
      %add3A_1927 = arith.addf %broadcast_in_dim3A_1895, %mul3A_1926 : vector<16xf32>
      %get3A_1928 = arith.constant 10 : i32
      %get3A_1929 = arith.index_cast %get3A_1928 : i32 to index
      %get3A_1930 = arith.constant 32 : index
      %get3A_1931 = tpu.vector_load %arg8[%get3A_1929, %get3A_1930] {strides = array<i32>} : memref<16x128xf32, #tpu.memory_space<vmem>>, vector<1x16xf32>,
      %get3A_1932 = vector.shape_cast %get3A_1931 : vector<1x16xf32> to vector<16xf32>
      %get3A_1933 = arith.constant 10 : i32
      %get3A_1934 = arith.index_cast %get3A_1933 : i32 to index
      %get3A_1935 = arith.constant 32 : index
      %get3A_1936 = tpu.vector_load %arg10[%get3A_1934, %get3A_1935] {strides = array<i32>} : memref<16x128xf32, #tpu.memory_space<vmem>>, vector<1x16xf32>,
      %get3A_1937 = vector.shape_cast %get3A_1936 : vector<1x16xf32> to vector<16xf32>
      %sub3A_1938 = arith.subf %get3A_1932, %get3A_1937 : vector<16xf32>
      %add3A_1939 = arith.constant 9.99999997E-7 : f32
      %add3A_1940 = vector.broadcast %add3A_1939 : f32 to vector<16xf32>
      %add3A_1941 = arith.addf %sub3A_1938, %add3A_1940 : vector<16xf32>
      %mul3A_1942 = arith.mulf %add3A_1941, %add3A_1941 : vector<16xf32>
      %add3A_1943 = arith.addf %add3A_1911, %mul3A_1942 : vector<16xf32>
      %get3A_1944 = arith.constant 10 : i32
      %get3A_1945 = arith.index_cast %get3A_1944 : i32 to index
      %get3A_1946 = arith.constant 48 : index
      %get3A_1947 = tpu.vector_load %arg8[%get3A_1945, %get3A_1946] {strides = array<i32>} : memref<16x128xf32, #tpu.memory_space<vmem>>, vector<1x16xf32>,
      %get3A_1948 = vector.shape_cast %get3A_1947 : vector<1x16xf32> to vector<16xf32>
      %get3A_1949 = arith.constant 10 : i32
      %get3A_1950 = arith.index_cast %get3A_1949 : i32 to index
      %get3A_1951 = arith.constant 48 : index
      %get3A_1952 = tpu.vector_load %arg10[%get3A_1950, %get3A_1951] {strides = array<i32>} : memref<16x128xf32, #tpu.memory_space<vmem>>, vector<1x16xf32>,
      %get3A_1953 = vector.shape_cast %get3A_1952 : vector<1x16xf32> to vector<16xf32>
      %sub3A_1954 = arith.subf %get3A_1948, %get3A_1953 : vector<16xf32>
      %add3A_1955 = arith.constant 9.99999997E-7 : f32
      %add3A_1956 = vector.broadcast %add3A_1955 : f32 to vector<16xf32>
      %add3A_1957 = arith.addf %sub3A_1954, %add3A_1956 : vector<16xf32>
      %mul3A_1958 = arith.mulf %add3A_1957, %add3A_1957 : vector<16xf32>
      %add3A_1959 = arith.addf %add3A_1927, %mul3A_1958 : vector<16xf32>
      %get3A_1960 = arith.constant 10 : i32
      %get3A_1961 = arith.index_cast %get3A_1960 : i32 to index
      %get3A_1962 = arith.constant 64 : index
      %get3A_1963 = tpu.vector_load %arg8[%get3A_1961, %get3A_1962] {strides = array<i32>} : memref<16x128xf32, #tpu.memory_space<vmem>>, vector<1x16xf32>,
      %get3A_1964 = vector.shape_cast %get3A_1963 : vector<1x16xf32> to vector<16xf32>
      %get3A_1965 = arith.constant 10 : i32
      %get3A_1966 = arith.index_cast %get3A_1965 : i32 to index
      %get3A_1967 = arith.constant 64 : index
      %get3A_1968 = tpu.vector_load %arg10[%get3A_1966, %get3A_1967] {strides = array<i32>} : memref<16x128xf32, #tpu.memory_space<vmem>>, vector<1x16xf32>,
      %get3A_1969 = vector.shape_cast %get3A_1968 : vector<1x16xf32> to vector<16xf32>
      %sub3A_1970 = arith.subf %get3A_1964, %get3A_1969 : vector<16xf32>
      %add3A_1971 = arith.constant 9.99999997E-7 : f32
      %add3A_1972 = vector.broadcast %add3A_1971 : f32 to vector<16xf32>
      %add3A_1973 = arith.addf %sub3A_1970, %add3A_1972 : vector<16xf32>
      %mul3A_1974 = arith.mulf %add3A_1973, %add3A_1973 : vector<16xf32>
      %add3A_1975 = arith.addf %add3A_1943, %mul3A_1974 : vector<16xf32>
      %get3A_1976 = arith.constant 10 : i32
      %get3A_1977 = arith.index_cast %get3A_1976 : i32 to index
      %get3A_1978 = arith.constant 80 : index
      %get3A_1979 = tpu.vector_load %arg8[%get3A_1977, %get3A_1978] {strides = array<i32>} : memref<16x128xf32, #tpu.memory_space<vmem>>, vector<1x16xf32>,
      %get3A_1980 = vector.shape_cast %get3A_1979 : vector<1x16xf32> to vector<16xf32>
      %get3A_1981 = arith.constant 10 : i32
      %get3A_1982 = arith.index_cast %get3A_1981 : i32 to index
      %get3A_1983 = arith.constant 80 : index
      %get3A_1984 = tpu.vector_load %arg10[%get3A_1982, %get3A_1983] {strides = array<i32>} : memref<16x128xf32, #tpu.memory_space<vmem>>, vector<1x16xf32>,
      %get3A_1985 = vector.shape_cast %get3A_1984 : vector<1x16xf32> to vector<16xf32>
      %sub3A_1986 = arith.subf %get3A_1980, %get3A_1985 : vector<16xf32>
      %add3A_1987 = arith.constant 9.99999997E-7 : f32
      %add3A_1988 = vector.broadcast %add3A_1987 : f32 to vector<16xf32>
      %add3A_1989 = arith.addf %sub3A_1986, %add3A_1988 : vector<16xf32>
      %mul3A_1990 = arith.mulf %add3A_1989, %add3A_1989 : vector<16xf32>
      %add3A_1991 = arith.addf %add3A_1959, %mul3A_1990 : vector<16xf32>
      %get3A_1992 = arith.constant 10 : i32
      %get3A_1993 = arith.index_cast %get3A_1992 : i32 to index
      %get3A_1994 = arith.constant 96 : index
      %get3A_1995 = tpu.vector_load %arg8[%get3A_1993, %get3A_1994] {strides = array<i32>} : memref<16x128xf32, #tpu.memory_space<vmem>>, vector<1x16xf32>,
      %get3A_1996 = vector.shape_cast %get3A_1995 : vector<1x16xf32> to vector<16xf32>
      %get3A_1997 = arith.constant 10 : i32
      %get3A_1998 = arith.index_cast %get3A_1997 : i32 to index
      %get3A_1999 = arith.constant 96 : index
      %get3A_2000 = tpu.vector_load %arg10[%get3A_1998, %get3A_1999] {strides = array<i32>} : memref<16x128xf32, #tpu.memory_space<vmem>>, vector<1x16xf32>,
      %get3A_2001 = vector.shape_cast %get3A_2000 : vector<1x16xf32> to vector<16xf32>
      %sub3A_2002 = arith.subf %get3A_1996, %get3A_2001 : vector<16xf32>
      %add3A_2003 = arith.constant 9.99999997E-7 : f32
      %add3A_2004 = vector.broadcast %add3A_2003 : f32 to vector<16xf32>
      %add3A_2005 = arith.addf %sub3A_2002, %add3A_2004 : vector<16xf32>
      %mul3A_2006 = arith.mulf %add3A_2005, %add3A_2005 : vector<16xf32>
      %add3A_2007 = arith.addf %add3A_1975, %mul3A_2006 : vector<16xf32>
      %get3A_2008 = arith.constant 10 : i32
      %get3A_2009 = arith.index_cast %get3A_2008 : i32 to index
      %get3A_2010 = arith.constant 112 : index
      %get3A_2011 = tpu.vector_load %arg8[%get3A_2009, %get3A_2010] {strides = array<i32>} : memref<16x128xf32, #tpu.memory_space<vmem>>, vector<1x16xf32>,
      %get3A_2012 = vector.shape_cast %get3A_2011 : vector<1x16xf32> to vector<16xf32>
      %get3A_2013 = arith.constant 10 : i32
      %get3A_2014 = arith.index_cast %get3A_2013 : i32 to index
      %get3A_2015 = arith.constant 112 : index
      %get3A_2016 = tpu.vector_load %arg10[%get3A_2014, %get3A_2015] {strides = array<i32>} : memref<16x128xf32, #tpu.memory_space<vmem>>, vector<1x16xf32>,
      %get3A_2017 = vector.shape_cast %get3A_2016 : vector<1x16xf32> to vector<16xf32>
      %sub3A_2018 = arith.subf %get3A_2012, %get3A_2017 : vector<16xf32>
      %add3A_2019 = arith.constant 9.99999997E-7 : f32
      %add3A_2020 = vector.broadcast %add3A_2019 : f32 to vector<16xf32>
      %add3A_2021 = arith.addf %sub3A_2018, %add3A_2020 : vector<16xf32>
      %mul3A_2022 = arith.mulf %add3A_2021, %add3A_2021 : vector<16xf32>
      %add3A_2023 = arith.addf %add3A_1991, %mul3A_2022 : vector<16xf32>
      %add3A_2024 = arith.addf %add3A_2007, %add3A_2023 : vector<16xf32>
      %iota3A_2025 = tpu.iota {dimensions = array<i32: 0>} : vector<16xi32>
      %add3A_2026 = arith.constant 8 : i32
      %add3A_2027 = vector.broadcast %add3A_2026 : i32 to vector<16xi32>
      %add3A_2028 = arith.addi %iota3A_2025, %add3A_2027 : vector<16xi32>
      %and3A_2029 = arith.constant 15 : i32
      %and3A_2030 = vector.broadcast %and3A_2029 : i32 to vector<16xi32>
      %and3A_2031 = arith.andi %add3A_2028, %and3A_2030 : vector<16xi32>
      %broadcast_in_dim3A_2032 = vector.shape_cast %and3A_2031 : vector<16xi32> to vector<16x1xi32>
      %gather3A_2033 = vector.shape_cast %broadcast_in_dim3A_2032 : vector<16x1xi32> to vector<16xi32>
      %gather3A_2034 = tpu.dynamic_gather %add3A_2024[%gather3A_2033] in [0] : vector<16xf32>, vector<16xi32> -> vector<16xf32>
      %add3A_2035 = arith.addf %add3A_2024, %gather3A_2034 : vector<16xf32>
      %add3A_2036 = arith.constant 4 : i32
      %add3A_2037 = vector.broadcast %add3A_2036 : i32 to vector<16xi32>
      %add3A_2038 = arith.addi %iota3A_2025, %add3A_2037 : vector<16xi32>
      %and3A_2039 = arith.constant 15 : i32
      %and3A_2040 = vector.broadcast %and3A_2039 : i32 to vector<16xi32>
      %and3A_2041 = arith.andi %add3A_2038, %and3A_2040 : vector<16xi32>
      %broadcast_in_dim3A_2042 = vector.shape_cast %and3A_2041 : vector<16xi32> to vector<16x1xi32>
      %gather3A_2043 = vector.shape_cast %broadcast_in_dim3A_2042 : vector<16x1xi32> to vector<16xi32>
      %gather3A_2044 = tpu.dynamic_gather %add3A_2035[%gather3A_2043] in [0] : vector<16xf32>, vector<16xi32> -> vector<16xf32>
      %add3A_2045 = arith.addf %add3A_2035, %gather3A_2044 : vector<16xf32>
      %add3A_2046 = arith.constant 2 : i32
      %add3A_2047 = vector.broadcast %add3A_2046 : i32 to vector<16xi32>
      %add3A_2048 = arith.addi %iota3A_2025, %add3A_2047 : vector<16xi32>
      %and3A_2049 = arith.constant 15 : i32
      %and3A_2050 = vector.broadcast %and3A_2049 : i32 to vector<16xi32>
      %and3A_2051 = arith.andi %add3A_2048, %and3A_2050 : vector<16xi32>
      %broadcast_in_dim3A_2052 = vector.shape_cast %and3A_2051 : vector<16xi32> to vector<16x1xi32>
      %gather3A_2053 = vector.shape_cast %broadcast_in_dim3A_2052 : vector<16x1xi32> to vector<16xi32>
      %gather3A_2054 = tpu.dynamic_gather %add3A_2045[%gather3A_2053] in [0] : vector<16xf32>, vector<16xi32> -> vector<16xf32>
      %add3A_2055 = arith.addf %add3A_2045, %gather3A_2054 : vector<16xf32>
      %add3A_2056 = arith.constant 1 : i32
      %add3A_2057 = vector.broadcast %add3A_2056 : i32 to vector<16xi32>
      %add3A_2058 = arith.addi %iota3A_2025, %add3A_2057 : vector<16xi32>
      %and3A_2059 = arith.constant 15 : i32
      %and3A_2060 = vector.broadcast %and3A_2059 : i32 to vector<16xi32>
      %and3A_2061 = arith.andi %add3A_2058, %and3A_2060 : vector<16xi32>
      %broadcast_in_dim3A_2062 = vector.shape_cast %and3A_2061 : vector<16xi32> to vector<16x1xi32>
      %gather3A_2063 = vector.shape_cast %broadcast_in_dim3A_2062 : vector<16x1xi32> to vector<16xi32>
      %gather3A_2064 = tpu.dynamic_gather %add3A_2055[%gather3A_2063] in [0] : vector<16xf32>, vector<16xi32> -> vector<16xf32>
      %add3A_2065 = arith.addf %add3A_2055, %gather3A_2064 : vector<16xf32>
      %eq3A_2066 = arith.constant 10 : i32
      %eq3A_2067 = vector.broadcast %eq3A_2066 : i32 to vector<16xi32>
      %eq3A_2068 = arith.cmpi eq, %iota3A, %eq3A_2067 : vector<16xi32>
      %select_n3A_2069 = arith.select %eq3A_2068, %add3A_2065, %select_n3A_1891 : vector<16xi1>, vector<16xf32>
      %broadcast_in_dim3A_2070 = arith.constant 0.000000e+00 : f32
      %broadcast_in_dim3A_2071 = vector.broadcast %broadcast_in_dim3A_2070 : f32 to vector<16xf32>
      %broadcast_in_dim3A_2072 = arith.constant 0.000000e+00 : f32
      %broadcast_in_dim3A_2073 = vector.broadcast %broadcast_in_dim3A_2072 : f32 to vector<16xf32>
      %get3A_2074 = arith.constant 11 : i32
      %get3A_2075 = arith.index_cast %get3A_2074 : i32 to index
      %get3A_2076 = arith.constant 0 : index
      %get3A_2077 = tpu.vector_load %arg8[%get3A_2075, %get3A_2076] {strides = array<i32>} : memref<16x128xf32, #tpu.memory_space<vmem>>, vector<1x16xf32>,
      %get3A_2078 = vector.shape_cast %get3A_2077 : vector<1x16xf32> to vector<16xf32>
      %get3A_2079 = arith.constant 11 : i32
      %get3A_2080 = arith.index_cast %get3A_2079 : i32 to index
      %get3A_2081 = arith.constant 0 : index
      %get3A_2082 = tpu.vector_load %arg10[%get3A_2080, %get3A_2081] {strides = array<i32>} : memref<16x128xf32, #tpu.memory_space<vmem>>, vector<1x16xf32>,
      %get3A_2083 = vector.shape_cast %get3A_2082 : vector<1x16xf32> to vector<16xf32>
      %sub3A_2084 = arith.subf %get3A_2078, %get3A_2083 : vector<16xf32>
      %add3A_2085 = arith.constant 9.99999997E-7 : f32
      %add3A_2086 = vector.broadcast %add3A_2085 : f32 to vector<16xf32>
      %add3A_2087 = arith.addf %sub3A_2084, %add3A_2086 : vector<16xf32>
      %mul3A_2088 = arith.mulf %add3A_2087, %add3A_2087 : vector<16xf32>
      %add3A_2089 = arith.addf %broadcast_in_dim3A_2071, %mul3A_2088 : vector<16xf32>
      %get3A_2090 = arith.constant 11 : i32
      %get3A_2091 = arith.index_cast %get3A_2090 : i32 to index
      %get3A_2092 = arith.constant 16 : index
      %get3A_2093 = tpu.vector_load %arg8[%get3A_2091, %get3A_2092] {strides = array<i32>} : memref<16x128xf32, #tpu.memory_space<vmem>>, vector<1x16xf32>,
      %get3A_2094 = vector.shape_cast %get3A_2093 : vector<1x16xf32> to vector<16xf32>
      %get3A_2095 = arith.constant 11 : i32
      %get3A_2096 = arith.index_cast %get3A_2095 : i32 to index
      %get3A_2097 = arith.constant 16 : index
      %get3A_2098 = tpu.vector_load %arg10[%get3A_2096, %get3A_2097] {strides = array<i32>} : memref<16x128xf32, #tpu.memory_space<vmem>>, vector<1x16xf32>,
      %get3A_2099 = vector.shape_cast %get3A_2098 : vector<1x16xf32> to vector<16xf32>
      %sub3A_2100 = arith.subf %get3A_2094, %get3A_2099 : vector<16xf32>
      %add3A_2101 = arith.constant 9.99999997E-7 : f32
      %add3A_2102 = vector.broadcast %add3A_2101 : f32 to vector<16xf32>
      %add3A_2103 = arith.addf %sub3A_2100, %add3A_2102 : vector<16xf32>
      %mul3A_2104 = arith.mulf %add3A_2103, %add3A_2103 : vector<16xf32>
      %add3A_2105 = arith.addf %broadcast_in_dim3A_2073, %mul3A_2104 : vector<16xf32>
      %get3A_2106 = arith.constant 11 : i32
      %get3A_2107 = arith.index_cast %get3A_2106 : i32 to index
      %get3A_2108 = arith.constant 32 : index
      %get3A_2109 = tpu.vector_load %arg8[%get3A_2107, %get3A_2108] {strides = array<i32>} : memref<16x128xf32, #tpu.memory_space<vmem>>, vector<1x16xf32>,
      %get3A_2110 = vector.shape_cast %get3A_2109 : vector<1x16xf32> to vector<16xf32>
      %get3A_2111 = arith.constant 11 : i32
      %get3A_2112 = arith.index_cast %get3A_2111 : i32 to index
      %get3A_2113 = arith.constant 32 : index
      %get3A_2114 = tpu.vector_load %arg10[%get3A_2112, %get3A_2113] {strides = array<i32>} : memref<16x128xf32, #tpu.memory_space<vmem>>, vector<1x16xf32>,
      %get3A_2115 = vector.shape_cast %get3A_2114 : vector<1x16xf32> to vector<16xf32>
      %sub3A_2116 = arith.subf %get3A_2110, %get3A_2115 : vector<16xf32>
      %add3A_2117 = arith.constant 9.99999997E-7 : f32
      %add3A_2118 = vector.broadcast %add3A_2117 : f32 to vector<16xf32>
      %add3A_2119 = arith.addf %sub3A_2116, %add3A_2118 : vector<16xf32>
      %mul3A_2120 = arith.mulf %add3A_2119, %add3A_2119 : vector<16xf32>
      %add3A_2121 = arith.addf %add3A_2089, %mul3A_2120 : vector<16xf32>
      %get3A_2122 = arith.constant 11 : i32
      %get3A_2123 = arith.index_cast %get3A_2122 : i32 to index
      %get3A_2124 = arith.constant 48 : index
      %get3A_2125 = tpu.vector_load %arg8[%get3A_2123, %get3A_2124] {strides = array<i32>} : memref<16x128xf32, #tpu.memory_space<vmem>>, vector<1x16xf32>,
      %get3A_2126 = vector.shape_cast %get3A_2125 : vector<1x16xf32> to vector<16xf32>
      %get3A_2127 = arith.constant 11 : i32
      %get3A_2128 = arith.index_cast %get3A_2127 : i32 to index
      %get3A_2129 = arith.constant 48 : index
      %get3A_2130 = tpu.vector_load %arg10[%get3A_2128, %get3A_2129] {strides = array<i32>} : memref<16x128xf32, #tpu.memory_space<vmem>>, vector<1x16xf32>,
      %get3A_2131 = vector.shape_cast %get3A_2130 : vector<1x16xf32> to vector<16xf32>
      %sub3A_2132 = arith.subf %get3A_2126, %get3A_2131 : vector<16xf32>
      %add3A_2133 = arith.constant 9.99999997E-7 : f32
      %add3A_2134 = vector.broadcast %add3A_2133 : f32 to vector<16xf32>
      %add3A_2135 = arith.addf %sub3A_2132, %add3A_2134 : vector<16xf32>
      %mul3A_2136 = arith.mulf %add3A_2135, %add3A_2135 : vector<16xf32>
      %add3A_2137 = arith.addf %add3A_2105, %mul3A_2136 : vector<16xf32>
      %get3A_2138 = arith.constant 11 : i32
      %get3A_2139 = arith.index_cast %get3A_2138 : i32 to index
      %get3A_2140 = arith.constant 64 : index
      %get3A_2141 = tpu.vector_load %arg8[%get3A_2139, %get3A_2140] {strides = array<i32>} : memref<16x128xf32, #tpu.memory_space<vmem>>, vector<1x16xf32>,
      %get3A_2142 = vector.shape_cast %get3A_2141 : vector<1x16xf32> to vector<16xf32>
      %get3A_2143 = arith.constant 11 : i32
      %get3A_2144 = arith.index_cast %get3A_2143 : i32 to index
      %get3A_2145 = arith.constant 64 : index
      %get3A_2146 = tpu.vector_load %arg10[%get3A_2144, %get3A_2145] {strides = array<i32>} : memref<16x128xf32, #tpu.memory_space<vmem>>, vector<1x16xf32>,
      %get3A_2147 = vector.shape_cast %get3A_2146 : vector<1x16xf32> to vector<16xf32>
      %sub3A_2148 = arith.subf %get3A_2142, %get3A_2147 : vector<16xf32>
      %add3A_2149 = arith.constant 9.99999997E-7 : f32
      %add3A_2150 = vector.broadcast %add3A_2149 : f32 to vector<16xf32>
      %add3A_2151 = arith.addf %sub3A_2148, %add3A_2150 : vector<16xf32>
      %mul3A_2152 = arith.mulf %add3A_2151, %add3A_2151 : vector<16xf32>
      %add3A_2153 = arith.addf %add3A_2121, %mul3A_2152 : vector<16xf32>
      %get3A_2154 = arith.constant 11 : i32
      %get3A_2155 = arith.index_cast %get3A_2154 : i32 to index
      %get3A_2156 = arith.constant 80 : index
      %get3A_2157 = tpu.vector_load %arg8[%get3A_2155, %get3A_2156] {strides = array<i32>} : memref<16x128xf32, #tpu.memory_space<vmem>>, vector<1x16xf32>,
      %get3A_2158 = vector.shape_cast %get3A_2157 : vector<1x16xf32> to vector<16xf32>
      %get3A_2159 = arith.constant 11 : i32
      %get3A_2160 = arith.index_cast %get3A_2159 : i32 to index
      %get3A_2161 = arith.constant 80 : index
      %get3A_2162 = tpu.vector_load %arg10[%get3A_2160, %get3A_2161] {strides = array<i32>} : memref<16x128xf32, #tpu.memory_space<vmem>>, vector<1x16xf32>,
      %get3A_2163 = vector.shape_cast %get3A_2162 : vector<1x16xf32> to vector<16xf32>
      %sub3A_2164 = arith.subf %get3A_2158, %get3A_2163 : vector<16xf32>
      %add3A_2165 = arith.constant 9.99999997E-7 : f32
      %add3A_2166 = vector.broadcast %add3A_2165 : f32 to vector<16xf32>
      %add3A_2167 = arith.addf %sub3A_2164, %add3A_2166 : vector<16xf32>
      %mul3A_2168 = arith.mulf %add3A_2167, %add3A_2167 : vector<16xf32>
      %add3A_2169 = arith.addf %add3A_2137, %mul3A_2168 : vector<16xf32>
      %get3A_2170 = arith.constant 11 : i32
      %get3A_2171 = arith.index_cast %get3A_2170 : i32 to index
      %get3A_2172 = arith.constant 96 : index
      %get3A_2173 = tpu.vector_load %arg8[%get3A_2171, %get3A_2172] {strides = array<i32>} : memref<16x128xf32, #tpu.memory_space<vmem>>, vector<1x16xf32>,
      %get3A_2174 = vector.shape_cast %get3A_2173 : vector<1x16xf32> to vector<16xf32>
      %get3A_2175 = arith.constant 11 : i32
      %get3A_2176 = arith.index_cast %get3A_2175 : i32 to index
      %get3A_2177 = arith.constant 96 : index
      %get3A_2178 = tpu.vector_load %arg10[%get3A_2176, %get3A_2177] {strides = array<i32>} : memref<16x128xf32, #tpu.memory_space<vmem>>, vector<1x16xf32>,
      %get3A_2179 = vector.shape_cast %get3A_2178 : vector<1x16xf32> to vector<16xf32>
      %sub3A_2180 = arith.subf %get3A_2174, %get3A_2179 : vector<16xf32>
      %add3A_2181 = arith.constant 9.99999997E-7 : f32
      %add3A_2182 = vector.broadcast %add3A_2181 : f32 to vector<16xf32>
      %add3A_2183 = arith.addf %sub3A_2180, %add3A_2182 : vector<16xf32>
      %mul3A_2184 = arith.mulf %add3A_2183, %add3A_2183 : vector<16xf32>
      %add3A_2185 = arith.addf %add3A_2153, %mul3A_2184 : vector<16xf32>
      %get3A_2186 = arith.constant 11 : i32
      %get3A_2187 = arith.index_cast %get3A_2186 : i32 to index
      %get3A_2188 = arith.constant 112 : index
      %get3A_2189 = tpu.vector_load %arg8[%get3A_2187, %get3A_2188] {strides = array<i32>} : memref<16x128xf32, #tpu.memory_space<vmem>>, vector<1x16xf32>,
      %get3A_2190 = vector.shape_cast %get3A_2189 : vector<1x16xf32> to vector<16xf32>
      %get3A_2191 = arith.constant 11 : i32
      %get3A_2192 = arith.index_cast %get3A_2191 : i32 to index
      %get3A_2193 = arith.constant 112 : index
      %get3A_2194 = tpu.vector_load %arg10[%get3A_2192, %get3A_2193] {strides = array<i32>} : memref<16x128xf32, #tpu.memory_space<vmem>>, vector<1x16xf32>,
      %get3A_2195 = vector.shape_cast %get3A_2194 : vector<1x16xf32> to vector<16xf32>
      %sub3A_2196 = arith.subf %get3A_2190, %get3A_2195 : vector<16xf32>
      %add3A_2197 = arith.constant 9.99999997E-7 : f32
      %add3A_2198 = vector.broadcast %add3A_2197 : f32 to vector<16xf32>
      %add3A_2199 = arith.addf %sub3A_2196, %add3A_2198 : vector<16xf32>
      %mul3A_2200 = arith.mulf %add3A_2199, %add3A_2199 : vector<16xf32>
      %add3A_2201 = arith.addf %add3A_2169, %mul3A_2200 : vector<16xf32>
      %add3A_2202 = arith.addf %add3A_2185, %add3A_2201 : vector<16xf32>
      %iota3A_2203 = tpu.iota {dimensions = array<i32: 0>} : vector<16xi32>
      %add3A_2204 = arith.constant 8 : i32
      %add3A_2205 = vector.broadcast %add3A_2204 : i32 to vector<16xi32>
      %add3A_2206 = arith.addi %iota3A_2203, %add3A_2205 : vector<16xi32>
      %and3A_2207 = arith.constant 15 : i32
      %and3A_2208 = vector.broadcast %and3A_2207 : i32 to vector<16xi32>
      %and3A_2209 = arith.andi %add3A_2206, %and3A_2208 : vector<16xi32>
      %broadcast_in_dim3A_2210 = vector.shape_cast %and3A_2209 : vector<16xi32> to vector<16x1xi32>
      %gather3A_2211 = vector.shape_cast %broadcast_in_dim3A_2210 : vector<16x1xi32> to vector<16xi32>
      %gather3A_2212 = tpu.dynamic_gather %add3A_2202[%gather3A_2211] in [0] : vector<16xf32>, vector<16xi32> -> vector<16xf32>
      %add3A_2213 = arith.addf %add3A_2202, %gather3A_2212 : vector<16xf32>
      %add3A_2214 = arith.constant 4 : i32
      %add3A_2215 = vector.broadcast %add3A_2214 : i32 to vector<16xi32>
      %add3A_2216 = arith.addi %iota3A_2203, %add3A_2215 : vector<16xi32>
      %and3A_2217 = arith.constant 15 : i32
      %and3A_2218 = vector.broadcast %and3A_2217 : i32 to vector<16xi32>
      %and3A_2219 = arith.andi %add3A_2216, %and3A_2218 : vector<16xi32>
      %broadcast_in_dim3A_2220 = vector.shape_cast %and3A_2219 : vector<16xi32> to vector<16x1xi32>
      %gather3A_2221 = vector.shape_cast %broadcast_in_dim3A_2220 : vector<16x1xi32> to vector<16xi32>
      %gather3A_2222 = tpu.dynamic_gather %add3A_2213[%gather3A_2221] in [0] : vector<16xf32>, vector<16xi32> -> vector<16xf32>
      %add3A_2223 = arith.addf %add3A_2213, %gather3A_2222 : vector<16xf32>
      %add3A_2224 = arith.constant 2 : i32
      %add3A_2225 = vector.broadcast %add3A_2224 : i32 to vector<16xi32>
      %add3A_2226 = arith.addi %iota3A_2203, %add3A_2225 : vector<16xi32>
      %and3A_2227 = arith.constant 15 : i32
      %and3A_2228 = vector.broadcast %and3A_2227 : i32 to vector<16xi32>
      %and3A_2229 = arith.andi %add3A_2226, %and3A_2228 : vector<16xi32>
      %broadcast_in_dim3A_2230 = vector.shape_cast %and3A_2229 : vector<16xi32> to vector<16x1xi32>
      %gather3A_2231 = vector.shape_cast %broadcast_in_dim3A_2230 : vector<16x1xi32> to vector<16xi32>
      %gather3A_2232 = tpu.dynamic_gather %add3A_2223[%gather3A_2231] in [0] : vector<16xf32>, vector<16xi32> -> vector<16xf32>
      %add3A_2233 = arith.addf %add3A_2223, %gather3A_2232 : vector<16xf32>
      %add3A_2234 = arith.constant 1 : i32
      %add3A_2235 = vector.broadcast %add3A_2234 : i32 to vector<16xi32>
      %add3A_2236 = arith.addi %iota3A_2203, %add3A_2235 : vector<16xi32>
      %and3A_2237 = arith.constant 15 : i32
      %and3A_2238 = vector.broadcast %and3A_2237 : i32 to vector<16xi32>
      %and3A_2239 = arith.andi %add3A_2236, %and3A_2238 : vector<16xi32>
      %broadcast_in_dim3A_2240 = vector.shape_cast %and3A_2239 : vector<16xi32> to vector<16x1xi32>
      %gather3A_2241 = vector.shape_cast %broadcast_in_dim3A_2240 : vector<16x1xi32> to vector<16xi32>
      %gather3A_2242 = tpu.dynamic_gather %add3A_2233[%gather3A_2241] in [0] : vector<16xf32>, vector<16xi32> -> vector<16xf32>
      %add3A_2243 = arith.addf %add3A_2233, %gather3A_2242 : vector<16xf32>
      %eq3A_2244 = arith.constant 11 : i32
      %eq3A_2245 = vector.broadcast %eq3A_2244 : i32 to vector<16xi32>
      %eq3A_2246 = arith.cmpi eq, %iota3A, %eq3A_2245 : vector<16xi32>
      %select_n3A_2247 = arith.select %eq3A_2246, %add3A_2243, %select_n3A_2069 : vector<16xi1>, vector<16xf32>
      %broadcast_in_dim3A_2248 = arith.constant 0.000000e+00 : f32
      %broadcast_in_dim3A_2249 = vector.broadcast %broadcast_in_dim3A_2248 : f32 to vector<16xf32>
      %broadcast_in_dim3A_2250 = arith.constant 0.000000e+00 : f32
      %broadcast_in_dim3A_2251 = vector.broadcast %broadcast_in_dim3A_2250 : f32 to vector<16xf32>
      %get3A_2252 = arith.constant 12 : i32
      %get3A_2253 = arith.index_cast %get3A_2252 : i32 to index
      %get3A_2254 = arith.constant 0 : index
      %get3A_2255 = tpu.vector_load %arg8[%get3A_2253, %get3A_2254] {strides = array<i32>} : memref<16x128xf32, #tpu.memory_space<vmem>>, vector<1x16xf32>,
      %get3A_2256 = vector.shape_cast %get3A_2255 : vector<1x16xf32> to vector<16xf32>
      %get3A_2257 = arith.constant 12 : i32
      %get3A_2258 = arith.index_cast %get3A_2257 : i32 to index
      %get3A_2259 = arith.constant 0 : index
      %get3A_2260 = tpu.vector_load %arg10[%get3A_2258, %get3A_2259] {strides = array<i32>} : memref<16x128xf32, #tpu.memory_space<vmem>>, vector<1x16xf32>,
      %get3A_2261 = vector.shape_cast %get3A_2260 : vector<1x16xf32> to vector<16xf32>
      %sub3A_2262 = arith.subf %get3A_2256, %get3A_2261 : vector<16xf32>
      %add3A_2263 = arith.constant 9.99999997E-7 : f32
      %add3A_2264 = vector.broadcast %add3A_2263 : f32 to vector<16xf32>
      %add3A_2265 = arith.addf %sub3A_2262, %add3A_2264 : vector<16xf32>
      %mul3A_2266 = arith.mulf %add3A_2265, %add3A_2265 : vector<16xf32>
      %add3A_2267 = arith.addf %broadcast_in_dim3A_2249, %mul3A_2266 : vector<16xf32>
      %get3A_2268 = arith.constant 12 : i32
      %get3A_2269 = arith.index_cast %get3A_2268 : i32 to index
      %get3A_2270 = arith.constant 16 : index
      %get3A_2271 = tpu.vector_load %arg8[%get3A_2269, %get3A_2270] {strides = array<i32>} : memref<16x128xf32, #tpu.memory_space<vmem>>, vector<1x16xf32>,
      %get3A_2272 = vector.shape_cast %get3A_2271 : vector<1x16xf32> to vector<16xf32>
      %get3A_2273 = arith.constant 12 : i32
      %get3A_2274 = arith.index_cast %get3A_2273 : i32 to index
      %get3A_2275 = arith.constant 16 : index
      %get3A_2276 = tpu.vector_load %arg10[%get3A_2274, %get3A_2275] {strides = array<i32>} : memref<16x128xf32, #tpu.memory_space<vmem>>, vector<1x16xf32>,
      %get3A_2277 = vector.shape_cast %get3A_2276 : vector<1x16xf32> to vector<16xf32>
      %sub3A_2278 = arith.subf %get3A_2272, %get3A_2277 : vector<16xf32>
      %add3A_2279 = arith.constant 9.99999997E-7 : f32
      %add3A_2280 = vector.broadcast %add3A_2279 : f32 to vector<16xf32>
      %add3A_2281 = arith.addf %sub3A_2278, %add3A_2280 : vector<16xf32>
      %mul3A_2282 = arith.mulf %add3A_2281, %add3A_2281 : vector<16xf32>
      %add3A_2283 = arith.addf %broadcast_in_dim3A_2251, %mul3A_2282 : vector<16xf32>
      %get3A_2284 = arith.constant 12 : i32
      %get3A_2285 = arith.index_cast %get3A_2284 : i32 to index
      %get3A_2286 = arith.constant 32 : index
      %get3A_2287 = tpu.vector_load %arg8[%get3A_2285, %get3A_2286] {strides = array<i32>} : memref<16x128xf32, #tpu.memory_space<vmem>>, vector<1x16xf32>,
      %get3A_2288 = vector.shape_cast %get3A_2287 : vector<1x16xf32> to vector<16xf32>
      %get3A_2289 = arith.constant 12 : i32
      %get3A_2290 = arith.index_cast %get3A_2289 : i32 to index
      %get3A_2291 = arith.constant 32 : index
      %get3A_2292 = tpu.vector_load %arg10[%get3A_2290, %get3A_2291] {strides = array<i32>} : memref<16x128xf32, #tpu.memory_space<vmem>>, vector<1x16xf32>,
      %get3A_2293 = vector.shape_cast %get3A_2292 : vector<1x16xf32> to vector<16xf32>
      %sub3A_2294 = arith.subf %get3A_2288, %get3A_2293 : vector<16xf32>
      %add3A_2295 = arith.constant 9.99999997E-7 : f32
      %add3A_2296 = vector.broadcast %add3A_2295 : f32 to vector<16xf32>
      %add3A_2297 = arith.addf %sub3A_2294, %add3A_2296 : vector<16xf32>
      %mul3A_2298 = arith.mulf %add3A_2297, %add3A_2297 : vector<16xf32>
      %add3A_2299 = arith.addf %add3A_2267, %mul3A_2298 : vector<16xf32>
      %get3A_2300 = arith.constant 12 : i32
      %get3A_2301 = arith.index_cast %get3A_2300 : i32 to index
      %get3A_2302 = arith.constant 48 : index
      %get3A_2303 = tpu.vector_load %arg8[%get3A_2301, %get3A_2302] {strides = array<i32>} : memref<16x128xf32, #tpu.memory_space<vmem>>, vector<1x16xf32>,
      %get3A_2304 = vector.shape_cast %get3A_2303 : vector<1x16xf32> to vector<16xf32>
      %get3A_2305 = arith.constant 12 : i32
      %get3A_2306 = arith.index_cast %get3A_2305 : i32 to index
      %get3A_2307 = arith.constant 48 : index
      %get3A_2308 = tpu.vector_load %arg10[%get3A_2306, %get3A_2307] {strides = array<i32>} : memref<16x128xf32, #tpu.memory_space<vmem>>, vector<1x16xf32>,
      %get3A_2309 = vector.shape_cast %get3A_2308 : vector<1x16xf32> to vector<16xf32>
      %sub3A_2310 = arith.subf %get3A_2304, %get3A_2309 : vector<16xf32>
      %add3A_2311 = arith.constant 9.99999997E-7 : f32
      %add3A_2312 = vector.broadcast %add3A_2311 : f32 to vector<16xf32>
      %add3A_2313 = arith.addf %sub3A_2310, %add3A_2312 : vector<16xf32>
      %mul3A_2314 = arith.mulf %add3A_2313, %add3A_2313 : vector<16xf32>
      %add3A_2315 = arith.addf %add3A_2283, %mul3A_2314 : vector<16xf32>
      %get3A_2316 = arith.constant 12 : i32
      %get3A_2317 = arith.index_cast %get3A_2316 : i32 to index
      %get3A_2318 = arith.constant 64 : index
      %get3A_2319 = tpu.vector_load %arg8[%get3A_2317, %get3A_2318] {strides = array<i32>} : memref<16x128xf32, #tpu.memory_space<vmem>>, vector<1x16xf32>,
      %get3A_2320 = vector.shape_cast %get3A_2319 : vector<1x16xf32> to vector<16xf32>
      %get3A_2321 = arith.constant 12 : i32
      %get3A_2322 = arith.index_cast %get3A_2321 : i32 to index
      %get3A_2323 = arith.constant 64 : index
      %get3A_2324 = tpu.vector_load %arg10[%get3A_2322, %get3A_2323] {strides = array<i32>} : memref<16x128xf32, #tpu.memory_space<vmem>>, vector<1x16xf32>,
      %get3A_2325 = vector.shape_cast %get3A_2324 : vector<1x16xf32> to vector<16xf32>
      %sub3A_2326 = arith.subf %get3A_2320, %get3A_2325 : vector<16xf32>
      %add3A_2327 = arith.constant 9.99999997E-7 : f32
      %add3A_2328 = vector.broadcast %add3A_2327 : f32 to vector<16xf32>
      %add3A_2329 = arith.addf %sub3A_2326, %add3A_2328 : vector<16xf32>
      %mul3A_2330 = arith.mulf %add3A_2329, %add3A_2329 : vector<16xf32>
      %add3A_2331 = arith.addf %add3A_2299, %mul3A_2330 : vector<16xf32>
      %get3A_2332 = arith.constant 12 : i32
      %get3A_2333 = arith.index_cast %get3A_2332 : i32 to index
      %get3A_2334 = arith.constant 80 : index
      %get3A_2335 = tpu.vector_load %arg8[%get3A_2333, %get3A_2334] {strides = array<i32>} : memref<16x128xf32, #tpu.memory_space<vmem>>, vector<1x16xf32>,
      %get3A_2336 = vector.shape_cast %get3A_2335 : vector<1x16xf32> to vector<16xf32>
      %get3A_2337 = arith.constant 12 : i32
      %get3A_2338 = arith.index_cast %get3A_2337 : i32 to index
      %get3A_2339 = arith.constant 80 : index
      %get3A_2340 = tpu.vector_load %arg10[%get3A_2338, %get3A_2339] {strides = array<i32>} : memref<16x128xf32, #tpu.memory_space<vmem>>, vector<1x16xf32>,
      %get3A_2341 = vector.shape_cast %get3A_2340 : vector<1x16xf32> to vector<16xf32>
      %sub3A_2342 = arith.subf %get3A_2336, %get3A_2341 : vector<16xf32>
      %add3A_2343 = arith.constant 9.99999997E-7 : f32
      %add3A_2344 = vector.broadcast %add3A_2343 : f32 to vector<16xf32>
      %add3A_2345 = arith.addf %sub3A_2342, %add3A_2344 : vector<16xf32>
      %mul3A_2346 = arith.mulf %add3A_2345, %add3A_2345 : vector<16xf32>
      %add3A_2347 = arith.addf %add3A_2315, %mul3A_2346 : vector<16xf32>
      %get3A_2348 = arith.constant 12 : i32
      %get3A_2349 = arith.index_cast %get3A_2348 : i32 to index
      %get3A_2350 = arith.constant 96 : index
      %get3A_2351 = tpu.vector_load %arg8[%get3A_2349, %get3A_2350] {strides = array<i32>} : memref<16x128xf32, #tpu.memory_space<vmem>>, vector<1x16xf32>,
      %get3A_2352 = vector.shape_cast %get3A_2351 : vector<1x16xf32> to vector<16xf32>
      %get3A_2353 = arith.constant 12 : i32
      %get3A_2354 = arith.index_cast %get3A_2353 : i32 to index
      %get3A_2355 = arith.constant 96 : index
      %get3A_2356 = tpu.vector_load %arg10[%get3A_2354, %get3A_2355] {strides = array<i32>} : memref<16x128xf32, #tpu.memory_space<vmem>>, vector<1x16xf32>,
      %get3A_2357 = vector.shape_cast %get3A_2356 : vector<1x16xf32> to vector<16xf32>
      %sub3A_2358 = arith.subf %get3A_2352, %get3A_2357 : vector<16xf32>
      %add3A_2359 = arith.constant 9.99999997E-7 : f32
      %add3A_2360 = vector.broadcast %add3A_2359 : f32 to vector<16xf32>
      %add3A_2361 = arith.addf %sub3A_2358, %add3A_2360 : vector<16xf32>
      %mul3A_2362 = arith.mulf %add3A_2361, %add3A_2361 : vector<16xf32>
      %add3A_2363 = arith.addf %add3A_2331, %mul3A_2362 : vector<16xf32>
      %get3A_2364 = arith.constant 12 : i32
      %get3A_2365 = arith.index_cast %get3A_2364 : i32 to index
      %get3A_2366 = arith.constant 112 : index
      %get3A_2367 = tpu.vector_load %arg8[%get3A_2365, %get3A_2366] {strides = array<i32>} : memref<16x128xf32, #tpu.memory_space<vmem>>, vector<1x16xf32>,
      %get3A_2368 = vector.shape_cast %get3A_2367 : vector<1x16xf32> to vector<16xf32>
      %get3A_2369 = arith.constant 12 : i32
      %get3A_2370 = arith.index_cast %get3A_2369 : i32 to index
      %get3A_2371 = arith.constant 112 : index
      %get3A_2372 = tpu.vector_load %arg10[%get3A_2370, %get3A_2371] {strides = array<i32>} : memref<16x128xf32, #tpu.memory_space<vmem>>, vector<1x16xf32>,
      %get3A_2373 = vector.shape_cast %get3A_2372 : vector<1x16xf32> to vector<16xf32>
      %sub3A_2374 = arith.subf %get3A_2368, %get3A_2373 : vector<16xf32>
      %add3A_2375 = arith.constant 9.99999997E-7 : f32
      %add3A_2376 = vector.broadcast %add3A_2375 : f32 to vector<16xf32>
      %add3A_2377 = arith.addf %sub3A_2374, %add3A_2376 : vector<16xf32>
      %mul3A_2378 = arith.mulf %add3A_2377, %add3A_2377 : vector<16xf32>
      %add3A_2379 = arith.addf %add3A_2347, %mul3A_2378 : vector<16xf32>
      %add3A_2380 = arith.addf %add3A_2363, %add3A_2379 : vector<16xf32>
      %iota3A_2381 = tpu.iota {dimensions = array<i32: 0>} : vector<16xi32>
      %add3A_2382 = arith.constant 8 : i32
      %add3A_2383 = vector.broadcast %add3A_2382 : i32 to vector<16xi32>
      %add3A_2384 = arith.addi %iota3A_2381, %add3A_2383 : vector<16xi32>
      %and3A_2385 = arith.constant 15 : i32
      %and3A_2386 = vector.broadcast %and3A_2385 : i32 to vector<16xi32>
      %and3A_2387 = arith.andi %add3A_2384, %and3A_2386 : vector<16xi32>
      %broadcast_in_dim3A_2388 = vector.shape_cast %and3A_2387 : vector<16xi32> to vector<16x1xi32>
      %gather3A_2389 = vector.shape_cast %broadcast_in_dim3A_2388 : vector<16x1xi32> to vector<16xi32>
      %gather3A_2390 = tpu.dynamic_gather %add3A_2380[%gather3A_2389] in [0] : vector<16xf32>, vector<16xi32> -> vector<16xf32>
      %add3A_2391 = arith.addf %add3A_2380, %gather3A_2390 : vector<16xf32>
      %add3A_2392 = arith.constant 4 : i32
      %add3A_2393 = vector.broadcast %add3A_2392 : i32 to vector<16xi32>
      %add3A_2394 = arith.addi %iota3A_2381, %add3A_2393 : vector<16xi32>
      %and3A_2395 = arith.constant 15 : i32
      %and3A_2396 = vector.broadcast %and3A_2395 : i32 to vector<16xi32>
      %and3A_2397 = arith.andi %add3A_2394, %and3A_2396 : vector<16xi32>
      %broadcast_in_dim3A_2398 = vector.shape_cast %and3A_2397 : vector<16xi32> to vector<16x1xi32>
      %gather3A_2399 = vector.shape_cast %broadcast_in_dim3A_2398 : vector<16x1xi32> to vector<16xi32>
      %gather3A_2400 = tpu.dynamic_gather %add3A_2391[%gather3A_2399] in [0] : vector<16xf32>, vector<16xi32> -> vector<16xf32>
      %add3A_2401 = arith.addf %add3A_2391, %gather3A_2400 : vector<16xf32>
      %add3A_2402 = arith.constant 2 : i32
      %add3A_2403 = vector.broadcast %add3A_2402 : i32 to vector<16xi32>
      %add3A_2404 = arith.addi %iota3A_2381, %add3A_2403 : vector<16xi32>
      %and3A_2405 = arith.constant 15 : i32
      %and3A_2406 = vector.broadcast %and3A_2405 : i32 to vector<16xi32>
      %and3A_2407 = arith.andi %add3A_2404, %and3A_2406 : vector<16xi32>
      %broadcast_in_dim3A_2408 = vector.shape_cast %and3A_2407 : vector<16xi32> to vector<16x1xi32>
      %gather3A_2409 = vector.shape_cast %broadcast_in_dim3A_2408 : vector<16x1xi32> to vector<16xi32>
      %gather3A_2410 = tpu.dynamic_gather %add3A_2401[%gather3A_2409] in [0] : vector<16xf32>, vector<16xi32> -> vector<16xf32>
      %add3A_2411 = arith.addf %add3A_2401, %gather3A_2410 : vector<16xf32>
      %add3A_2412 = arith.constant 1 : i32
      %add3A_2413 = vector.broadcast %add3A_2412 : i32 to vector<16xi32>
      %add3A_2414 = arith.addi %iota3A_2381, %add3A_2413 : vector<16xi32>
      %and3A_2415 = arith.constant 15 : i32
      %and3A_2416 = vector.broadcast %and3A_2415 : i32 to vector<16xi32>
      %and3A_2417 = arith.andi %add3A_2414, %and3A_2416 : vector<16xi32>
      %broadcast_in_dim3A_2418 = vector.shape_cast %and3A_2417 : vector<16xi32> to vector<16x1xi32>
      %gather3A_2419 = vector.shape_cast %broadcast_in_dim3A_2418 : vector<16x1xi32> to vector<16xi32>
      %gather3A_2420 = tpu.dynamic_gather %add3A_2411[%gather3A_2419] in [0] : vector<16xf32>, vector<16xi32> -> vector<16xf32>
      %add3A_2421 = arith.addf %add3A_2411, %gather3A_2420 : vector<16xf32>
      %eq3A_2422 = arith.constant 12 : i32
      %eq3A_2423 = vector.broadcast %eq3A_2422 : i32 to vector<16xi32>
      %eq3A_2424 = arith.cmpi eq, %iota3A, %eq3A_2423 : vector<16xi32>
      %select_n3A_2425 = arith.select %eq3A_2424, %add3A_2421, %select_n3A_2247 : vector<16xi1>, vector<16xf32>
      %broadcast_in_dim3A_2426 = arith.constant 0.000000e+00 : f32
      %broadcast_in_dim3A_2427 = vector.broadcast %broadcast_in_dim3A_2426 : f32 to vector<16xf32>
      %broadcast_in_dim3A_2428 = arith.constant 0.000000e+00 : f32
      %broadcast_in_dim3A_2429 = vector.broadcast %broadcast_in_dim3A_2428 : f32 to vector<16xf32>
      %get3A_2430 = arith.constant 13 : i32
      %get3A_2431 = arith.index_cast %get3A_2430 : i32 to index
      %get3A_2432 = arith.constant 0 : index
      %get3A_2433 = tpu.vector_load %arg8[%get3A_2431, %get3A_2432] {strides = array<i32>} : memref<16x128xf32, #tpu.memory_space<vmem>>, vector<1x16xf32>,
      %get3A_2434 = vector.shape_cast %get3A_2433 : vector<1x16xf32> to vector<16xf32>
      %get3A_2435 = arith.constant 13 : i32
      %get3A_2436 = arith.index_cast %get3A_2435 : i32 to index
      %get3A_2437 = arith.constant 0 : index
      %get3A_2438 = tpu.vector_load %arg10[%get3A_2436, %get3A_2437] {strides = array<i32>} : memref<16x128xf32, #tpu.memory_space<vmem>>, vector<1x16xf32>,
      %get3A_2439 = vector.shape_cast %get3A_2438 : vector<1x16xf32> to vector<16xf32>
      %sub3A_2440 = arith.subf %get3A_2434, %get3A_2439 : vector<16xf32>
      %add3A_2441 = arith.constant 9.99999997E-7 : f32
      %add3A_2442 = vector.broadcast %add3A_2441 : f32 to vector<16xf32>
      %add3A_2443 = arith.addf %sub3A_2440, %add3A_2442 : vector<16xf32>
      %mul3A_2444 = arith.mulf %add3A_2443, %add3A_2443 : vector<16xf32>
      %add3A_2445 = arith.addf %broadcast_in_dim3A_2427, %mul3A_2444 : vector<16xf32>
      %get3A_2446 = arith.constant 13 : i32
      %get3A_2447 = arith.index_cast %get3A_2446 : i32 to index
      %get3A_2448 = arith.constant 16 : index
      %get3A_2449 = tpu.vector_load %arg8[%get3A_2447, %get3A_2448] {strides = array<i32>} : memref<16x128xf32, #tpu.memory_space<vmem>>, vector<1x16xf32>,
      %get3A_2450 = vector.shape_cast %get3A_2449 : vector<1x16xf32> to vector<16xf32>
      %get3A_2451 = arith.constant 13 : i32
      %get3A_2452 = arith.index_cast %get3A_2451 : i32 to index
      %get3A_2453 = arith.constant 16 : index
      %get3A_2454 = tpu.vector_load %arg10[%get3A_2452, %get3A_2453] {strides = array<i32>} : memref<16x128xf32, #tpu.memory_space<vmem>>, vector<1x16xf32>,
      %get3A_2455 = vector.shape_cast %get3A_2454 : vector<1x16xf32> to vector<16xf32>
      %sub3A_2456 = arith.subf %get3A_2450, %get3A_2455 : vector<16xf32>
      %add3A_2457 = arith.constant 9.99999997E-7 : f32
      %add3A_2458 = vector.broadcast %add3A_2457 : f32 to vector<16xf32>
      %add3A_2459 = arith.addf %sub3A_2456, %add3A_2458 : vector<16xf32>
      %mul3A_2460 = arith.mulf %add3A_2459, %add3A_2459 : vector<16xf32>
      %add3A_2461 = arith.addf %broadcast_in_dim3A_2429, %mul3A_2460 : vector<16xf32>
      %get3A_2462 = arith.constant 13 : i32
      %get3A_2463 = arith.index_cast %get3A_2462 : i32 to index
      %get3A_2464 = arith.constant 32 : index
      %get3A_2465 = tpu.vector_load %arg8[%get3A_2463, %get3A_2464] {strides = array<i32>} : memref<16x128xf32, #tpu.memory_space<vmem>>, vector<1x16xf32>,
      %get3A_2466 = vector.shape_cast %get3A_2465 : vector<1x16xf32> to vector<16xf32>
      %get3A_2467 = arith.constant 13 : i32
      %get3A_2468 = arith.index_cast %get3A_2467 : i32 to index
      %get3A_2469 = arith.constant 32 : index
      %get3A_2470 = tpu.vector_load %arg10[%get3A_2468, %get3A_2469] {strides = array<i32>} : memref<16x128xf32, #tpu.memory_space<vmem>>, vector<1x16xf32>,
      %get3A_2471 = vector.shape_cast %get3A_2470 : vector<1x16xf32> to vector<16xf32>
      %sub3A_2472 = arith.subf %get3A_2466, %get3A_2471 : vector<16xf32>
      %add3A_2473 = arith.constant 9.99999997E-7 : f32
      %add3A_2474 = vector.broadcast %add3A_2473 : f32 to vector<16xf32>
      %add3A_2475 = arith.addf %sub3A_2472, %add3A_2474 : vector<16xf32>
      %mul3A_2476 = arith.mulf %add3A_2475, %add3A_2475 : vector<16xf32>
      %add3A_2477 = arith.addf %add3A_2445, %mul3A_2476 : vector<16xf32>
      %get3A_2478 = arith.constant 13 : i32
      %get3A_2479 = arith.index_cast %get3A_2478 : i32 to index
      %get3A_2480 = arith.constant 48 : index
      %get3A_2481 = tpu.vector_load %arg8[%get3A_2479, %get3A_2480] {strides = array<i32>} : memref<16x128xf32, #tpu.memory_space<vmem>>, vector<1x16xf32>,
      %get3A_2482 = vector.shape_cast %get3A_2481 : vector<1x16xf32> to vector<16xf32>
      %get3A_2483 = arith.constant 13 : i32
      %get3A_2484 = arith.index_cast %get3A_2483 : i32 to index
      %get3A_2485 = arith.constant 48 : index
      %get3A_2486 = tpu.vector_load %arg10[%get3A_2484, %get3A_2485] {strides = array<i32>} : memref<16x128xf32, #tpu.memory_space<vmem>>, vector<1x16xf32>,
      %get3A_2487 = vector.shape_cast %get3A_2486 : vector<1x16xf32> to vector<16xf32>
      %sub3A_2488 = arith.subf %get3A_2482, %get3A_2487 : vector<16xf32>
      %add3A_2489 = arith.constant 9.99999997E-7 : f32
      %add3A_2490 = vector.broadcast %add3A_2489 : f32 to vector<16xf32>
      %add3A_2491 = arith.addf %sub3A_2488, %add3A_2490 : vector<16xf32>
      %mul3A_2492 = arith.mulf %add3A_2491, %add3A_2491 : vector<16xf32>
      %add3A_2493 = arith.addf %add3A_2461, %mul3A_2492 : vector<16xf32>
      %get3A_2494 = arith.constant 13 : i32
      %get3A_2495 = arith.index_cast %get3A_2494 : i32 to index
      %get3A_2496 = arith.constant 64 : index
      %get3A_2497 = tpu.vector_load %arg8[%get3A_2495, %get3A_2496] {strides = array<i32>} : memref<16x128xf32, #tpu.memory_space<vmem>>, vector<1x16xf32>,
      %get3A_2498 = vector.shape_cast %get3A_2497 : vector<1x16xf32> to vector<16xf32>
      %get3A_2499 = arith.constant 13 : i32
      %get3A_2500 = arith.index_cast %get3A_2499 : i32 to index
      %get3A_2501 = arith.constant 64 : index
      %get3A_2502 = tpu.vector_load %arg10[%get3A_2500, %get3A_2501] {strides = array<i32>} : memref<16x128xf32, #tpu.memory_space<vmem>>, vector<1x16xf32>,
      %get3A_2503 = vector.shape_cast %get3A_2502 : vector<1x16xf32> to vector<16xf32>
      %sub3A_2504 = arith.subf %get3A_2498, %get3A_2503 : vector<16xf32>
      %add3A_2505 = arith.constant 9.99999997E-7 : f32
      %add3A_2506 = vector.broadcast %add3A_2505 : f32 to vector<16xf32>
      %add3A_2507 = arith.addf %sub3A_2504, %add3A_2506 : vector<16xf32>
      %mul3A_2508 = arith.mulf %add3A_2507, %add3A_2507 : vector<16xf32>
      %add3A_2509 = arith.addf %add3A_2477, %mul3A_2508 : vector<16xf32>
      %get3A_2510 = arith.constant 13 : i32
      %get3A_2511 = arith.index_cast %get3A_2510 : i32 to index
      %get3A_2512 = arith.constant 80 : index
      %get3A_2513 = tpu.vector_load %arg8[%get3A_2511, %get3A_2512] {strides = array<i32>} : memref<16x128xf32, #tpu.memory_space<vmem>>, vector<1x16xf32>,
      %get3A_2514 = vector.shape_cast %get3A_2513 : vector<1x16xf32> to vector<16xf32>
      %get3A_2515 = arith.constant 13 : i32
      %get3A_2516 = arith.index_cast %get3A_2515 : i32 to index
      %get3A_2517 = arith.constant 80 : index
      %get3A_2518 = tpu.vector_load %arg10[%get3A_2516, %get3A_2517] {strides = array<i32>} : memref<16x128xf32, #tpu.memory_space<vmem>>, vector<1x16xf32>,
      %get3A_2519 = vector.shape_cast %get3A_2518 : vector<1x16xf32> to vector<16xf32>
      %sub3A_2520 = arith.subf %get3A_2514, %get3A_2519 : vector<16xf32>
      %add3A_2521 = arith.constant 9.99999997E-7 : f32
      %add3A_2522 = vector.broadcast %add3A_2521 : f32 to vector<16xf32>
      %add3A_2523 = arith.addf %sub3A_2520, %add3A_2522 : vector<16xf32>
      %mul3A_2524 = arith.mulf %add3A_2523, %add3A_2523 : vector<16xf32>
      %add3A_2525 = arith.addf %add3A_2493, %mul3A_2524 : vector<16xf32>
      %get3A_2526 = arith.constant 13 : i32
      %get3A_2527 = arith.index_cast %get3A_2526 : i32 to index
      %get3A_2528 = arith.constant 96 : index
      %get3A_2529 = tpu.vector_load %arg8[%get3A_2527, %get3A_2528] {strides = array<i32>} : memref<16x128xf32, #tpu.memory_space<vmem>>, vector<1x16xf32>,
      %get3A_2530 = vector.shape_cast %get3A_2529 : vector<1x16xf32> to vector<16xf32>
      %get3A_2531 = arith.constant 13 : i32
      %get3A_2532 = arith.index_cast %get3A_2531 : i32 to index
      %get3A_2533 = arith.constant 96 : index
      %get3A_2534 = tpu.vector_load %arg10[%get3A_2532, %get3A_2533] {strides = array<i32>} : memref<16x128xf32, #tpu.memory_space<vmem>>, vector<1x16xf32>,
      %get3A_2535 = vector.shape_cast %get3A_2534 : vector<1x16xf32> to vector<16xf32>
      %sub3A_2536 = arith.subf %get3A_2530, %get3A_2535 : vector<16xf32>
      %add3A_2537 = arith.constant 9.99999997E-7 : f32
      %add3A_2538 = vector.broadcast %add3A_2537 : f32 to vector<16xf32>
      %add3A_2539 = arith.addf %sub3A_2536, %add3A_2538 : vector<16xf32>
      %mul3A_2540 = arith.mulf %add3A_2539, %add3A_2539 : vector<16xf32>
      %add3A_2541 = arith.addf %add3A_2509, %mul3A_2540 : vector<16xf32>
      %get3A_2542 = arith.constant 13 : i32
      %get3A_2543 = arith.index_cast %get3A_2542 : i32 to index
      %get3A_2544 = arith.constant 112 : index
      %get3A_2545 = tpu.vector_load %arg8[%get3A_2543, %get3A_2544] {strides = array<i32>} : memref<16x128xf32, #tpu.memory_space<vmem>>, vector<1x16xf32>,
      %get3A_2546 = vector.shape_cast %get3A_2545 : vector<1x16xf32> to vector<16xf32>
      %get3A_2547 = arith.constant 13 : i32
      %get3A_2548 = arith.index_cast %get3A_2547 : i32 to index
      %get3A_2549 = arith.constant 112 : index
      %get3A_2550 = tpu.vector_load %arg10[%get3A_2548, %get3A_2549] {strides = array<i32>} : memref<16x128xf32, #tpu.memory_space<vmem>>, vector<1x16xf32>,
      %get3A_2551 = vector.shape_cast %get3A_2550 : vector<1x16xf32> to vector<16xf32>
      %sub3A_2552 = arith.subf %get3A_2546, %get3A_2551 : vector<16xf32>
      %add3A_2553 = arith.constant 9.99999997E-7 : f32
      %add3A_2554 = vector.broadcast %add3A_2553 : f32 to vector<16xf32>
      %add3A_2555 = arith.addf %sub3A_2552, %add3A_2554 : vector<16xf32>
      %mul3A_2556 = arith.mulf %add3A_2555, %add3A_2555 : vector<16xf32>
      %add3A_2557 = arith.addf %add3A_2525, %mul3A_2556 : vector<16xf32>
      %add3A_2558 = arith.addf %add3A_2541, %add3A_2557 : vector<16xf32>
      %iota3A_2559 = tpu.iota {dimensions = array<i32: 0>} : vector<16xi32>
      %add3A_2560 = arith.constant 8 : i32
      %add3A_2561 = vector.broadcast %add3A_2560 : i32 to vector<16xi32>
      %add3A_2562 = arith.addi %iota3A_2559, %add3A_2561 : vector<16xi32>
      %and3A_2563 = arith.constant 15 : i32
      %and3A_2564 = vector.broadcast %and3A_2563 : i32 to vector<16xi32>
      %and3A_2565 = arith.andi %add3A_2562, %and3A_2564 : vector<16xi32>
      %broadcast_in_dim3A_2566 = vector.shape_cast %and3A_2565 : vector<16xi32> to vector<16x1xi32>
      %gather3A_2567 = vector.shape_cast %broadcast_in_dim3A_2566 : vector<16x1xi32> to vector<16xi32>
      %gather3A_2568 = tpu.dynamic_gather %add3A_2558[%gather3A_2567] in [0] : vector<16xf32>, vector<16xi32> -> vector<16xf32>
      %add3A_2569 = arith.addf %add3A_2558, %gather3A_2568 : vector<16xf32>
      %add3A_2570 = arith.constant 4 : i32
      %add3A_2571 = vector.broadcast %add3A_2570 : i32 to vector<16xi32>
      %add3A_2572 = arith.addi %iota3A_2559, %add3A_2571 : vector<16xi32>
      %and3A_2573 = arith.constant 15 : i32
      %and3A_2574 = vector.broadcast %and3A_2573 : i32 to vector<16xi32>
      %and3A_2575 = arith.andi %add3A_2572, %and3A_2574 : vector<16xi32>
      %broadcast_in_dim3A_2576 = vector.shape_cast %and3A_2575 : vector<16xi32> to vector<16x1xi32>
      %gather3A_2577 = vector.shape_cast %broadcast_in_dim3A_2576 : vector<16x1xi32> to vector<16xi32>
      %gather3A_2578 = tpu.dynamic_gather %add3A_2569[%gather3A_2577] in [0] : vector<16xf32>, vector<16xi32> -> vector<16xf32>
      %add3A_2579 = arith.addf %add3A_2569, %gather3A_2578 : vector<16xf32>
      %add3A_2580 = arith.constant 2 : i32
      %add3A_2581 = vector.broadcast %add3A_2580 : i32 to vector<16xi32>
      %add3A_2582 = arith.addi %iota3A_2559, %add3A_2581 : vector<16xi32>
      %and3A_2583 = arith.constant 15 : i32
      %and3A_2584 = vector.broadcast %and3A_2583 : i32 to vector<16xi32>
      %and3A_2585 = arith.andi %add3A_2582, %and3A_2584 : vector<16xi32>
      %broadcast_in_dim3A_2586 = vector.shape_cast %and3A_2585 : vector<16xi32> to vector<16x1xi32>
      %gather3A_2587 = vector.shape_cast %broadcast_in_dim3A_2586 : vector<16x1xi32> to vector<16xi32>
      %gather3A_2588 = tpu.dynamic_gather %add3A_2579[%gather3A_2587] in [0] : vector<16xf32>, vector<16xi32> -> vector<16xf32>
      %add3A_2589 = arith.addf %add3A_2579, %gather3A_2588 : vector<16xf32>
      %add3A_2590 = arith.constant 1 : i32
      %add3A_2591 = vector.broadcast %add3A_2590 : i32 to vector<16xi32>
      %add3A_2592 = arith.addi %iota3A_2559, %add3A_2591 : vector<16xi32>
      %and3A_2593 = arith.constant 15 : i32
      %and3A_2594 = vector.broadcast %and3A_2593 : i32 to vector<16xi32>
      %and3A_2595 = arith.andi %add3A_2592, %and3A_2594 : vector<16xi32>
      %broadcast_in_dim3A_2596 = vector.shape_cast %and3A_2595 : vector<16xi32> to vector<16x1xi32>
      %gather3A_2597 = vector.shape_cast %broadcast_in_dim3A_2596 : vector<16x1xi32> to vector<16xi32>
      %gather3A_2598 = tpu.dynamic_gather %add3A_2589[%gather3A_2597] in [0] : vector<16xf32>, vector<16xi32> -> vector<16xf32>
      %add3A_2599 = arith.addf %add3A_2589, %gather3A_2598 : vector<16xf32>
      %eq3A_2600 = arith.constant 13 : i32
      %eq3A_2601 = vector.broadcast %eq3A_2600 : i32 to vector<16xi32>
      %eq3A_2602 = arith.cmpi eq, %iota3A, %eq3A_2601 : vector<16xi32>
      %select_n3A_2603 = arith.select %eq3A_2602, %add3A_2599, %select_n3A_2425 : vector<16xi1>, vector<16xf32>
      %broadcast_in_dim3A_2604 = arith.constant 0.000000e+00 : f32
      %broadcast_in_dim3A_2605 = vector.broadcast %broadcast_in_dim3A_2604 : f32 to vector<16xf32>
      %broadcast_in_dim3A_2606 = arith.constant 0.000000e+00 : f32
      %broadcast_in_dim3A_2607 = vector.broadcast %broadcast_in_dim3A_2606 : f32 to vector<16xf32>
      %get3A_2608 = arith.constant 14 : i32
      %get3A_2609 = arith.index_cast %get3A_2608 : i32 to index
      %get3A_2610 = arith.constant 0 : index
      %get3A_2611 = tpu.vector_load %arg8[%get3A_2609, %get3A_2610] {strides = array<i32>} : memref<16x128xf32, #tpu.memory_space<vmem>>, vector<1x16xf32>,
      %get3A_2612 = vector.shape_cast %get3A_2611 : vector<1x16xf32> to vector<16xf32>
      %get3A_2613 = arith.constant 14 : i32
      %get3A_2614 = arith.index_cast %get3A_2613 : i32 to index
      %get3A_2615 = arith.constant 0 : index
      %get3A_2616 = tpu.vector_load %arg10[%get3A_2614, %get3A_2615] {strides = array<i32>} : memref<16x128xf32, #tpu.memory_space<vmem>>, vector<1x16xf32>,
      %get3A_2617 = vector.shape_cast %get3A_2616 : vector<1x16xf32> to vector<16xf32>
      %sub3A_2618 = arith.subf %get3A_2612, %get3A_2617 : vector<16xf32>
      %add3A_2619 = arith.constant 9.99999997E-7 : f32
      %add3A_2620 = vector.broadcast %add3A_2619 : f32 to vector<16xf32>
      %add3A_2621 = arith.addf %sub3A_2618, %add3A_2620 : vector<16xf32>
      %mul3A_2622 = arith.mulf %add3A_2621, %add3A_2621 : vector<16xf32>
      %add3A_2623 = arith.addf %broadcast_in_dim3A_2605, %mul3A_2622 : vector<16xf32>
      %get3A_2624 = arith.constant 14 : i32
      %get3A_2625 = arith.index_cast %get3A_2624 : i32 to index
      %get3A_2626 = arith.constant 16 : index
      %get3A_2627 = tpu.vector_load %arg8[%get3A_2625, %get3A_2626] {strides = array<i32>} : memref<16x128xf32, #tpu.memory_space<vmem>>, vector<1x16xf32>,
      %get3A_2628 = vector.shape_cast %get3A_2627 : vector<1x16xf32> to vector<16xf32>
      %get3A_2629 = arith.constant 14 : i32
      %get3A_2630 = arith.index_cast %get3A_2629 : i32 to index
      %get3A_2631 = arith.constant 16 : index
      %get3A_2632 = tpu.vector_load %arg10[%get3A_2630, %get3A_2631] {strides = array<i32>} : memref<16x128xf32, #tpu.memory_space<vmem>>, vector<1x16xf32>,
      %get3A_2633 = vector.shape_cast %get3A_2632 : vector<1x16xf32> to vector<16xf32>
      %sub3A_2634 = arith.subf %get3A_2628, %get3A_2633 : vector<16xf32>
      %add3A_2635 = arith.constant 9.99999997E-7 : f32
      %add3A_2636 = vector.broadcast %add3A_2635 : f32 to vector<16xf32>
      %add3A_2637 = arith.addf %sub3A_2634, %add3A_2636 : vector<16xf32>
      %mul3A_2638 = arith.mulf %add3A_2637, %add3A_2637 : vector<16xf32>
      %add3A_2639 = arith.addf %broadcast_in_dim3A_2607, %mul3A_2638 : vector<16xf32>
      %get3A_2640 = arith.constant 14 : i32
      %get3A_2641 = arith.index_cast %get3A_2640 : i32 to index
      %get3A_2642 = arith.constant 32 : index
      %get3A_2643 = tpu.vector_load %arg8[%get3A_2641, %get3A_2642] {strides = array<i32>} : memref<16x128xf32, #tpu.memory_space<vmem>>, vector<1x16xf32>,
      %get3A_2644 = vector.shape_cast %get3A_2643 : vector<1x16xf32> to vector<16xf32>
      %get3A_2645 = arith.constant 14 : i32
      %get3A_2646 = arith.index_cast %get3A_2645 : i32 to index
      %get3A_2647 = arith.constant 32 : index
      %get3A_2648 = tpu.vector_load %arg10[%get3A_2646, %get3A_2647] {strides = array<i32>} : memref<16x128xf32, #tpu.memory_space<vmem>>, vector<1x16xf32>,
      %get3A_2649 = vector.shape_cast %get3A_2648 : vector<1x16xf32> to vector<16xf32>
      %sub3A_2650 = arith.subf %get3A_2644, %get3A_2649 : vector<16xf32>
      %add3A_2651 = arith.constant 9.99999997E-7 : f32
      %add3A_2652 = vector.broadcast %add3A_2651 : f32 to vector<16xf32>
      %add3A_2653 = arith.addf %sub3A_2650, %add3A_2652 : vector<16xf32>
      %mul3A_2654 = arith.mulf %add3A_2653, %add3A_2653 : vector<16xf32>
      %add3A_2655 = arith.addf %add3A_2623, %mul3A_2654 : vector<16xf32>
      %get3A_2656 = arith.constant 14 : i32
      %get3A_2657 = arith.index_cast %get3A_2656 : i32 to index
      %get3A_2658 = arith.constant 48 : index
      %get3A_2659 = tpu.vector_load %arg8[%get3A_2657, %get3A_2658] {strides = array<i32>} : memref<16x128xf32, #tpu.memory_space<vmem>>, vector<1x16xf32>,
      %get3A_2660 = vector.shape_cast %get3A_2659 : vector<1x16xf32> to vector<16xf32>
      %get3A_2661 = arith.constant 14 : i32
      %get3A_2662 = arith.index_cast %get3A_2661 : i32 to index
      %get3A_2663 = arith.constant 48 : index
      %get3A_2664 = tpu.vector_load %arg10[%get3A_2662, %get3A_2663] {strides = array<i32>} : memref<16x128xf32, #tpu.memory_space<vmem>>, vector<1x16xf32>,
      %get3A_2665 = vector.shape_cast %get3A_2664 : vector<1x16xf32> to vector<16xf32>
      %sub3A_2666 = arith.subf %get3A_2660, %get3A_2665 : vector<16xf32>
      %add3A_2667 = arith.constant 9.99999997E-7 : f32
      %add3A_2668 = vector.broadcast %add3A_2667 : f32 to vector<16xf32>
      %add3A_2669 = arith.addf %sub3A_2666, %add3A_2668 : vector<16xf32>
      %mul3A_2670 = arith.mulf %add3A_2669, %add3A_2669 : vector<16xf32>
      %add3A_2671 = arith.addf %add3A_2639, %mul3A_2670 : vector<16xf32>
      %get3A_2672 = arith.constant 14 : i32
      %get3A_2673 = arith.index_cast %get3A_2672 : i32 to index
      %get3A_2674 = arith.constant 64 : index
      %get3A_2675 = tpu.vector_load %arg8[%get3A_2673, %get3A_2674] {strides = array<i32>} : memref<16x128xf32, #tpu.memory_space<vmem>>, vector<1x16xf32>,
      %get3A_2676 = vector.shape_cast %get3A_2675 : vector<1x16xf32> to vector<16xf32>
      %get3A_2677 = arith.constant 14 : i32
      %get3A_2678 = arith.index_cast %get3A_2677 : i32 to index
      %get3A_2679 = arith.constant 64 : index
      %get3A_2680 = tpu.vector_load %arg10[%get3A_2678, %get3A_2679] {strides = array<i32>} : memref<16x128xf32, #tpu.memory_space<vmem>>, vector<1x16xf32>,
      %get3A_2681 = vector.shape_cast %get3A_2680 : vector<1x16xf32> to vector<16xf32>
      %sub3A_2682 = arith.subf %get3A_2676, %get3A_2681 : vector<16xf32>
      %add3A_2683 = arith.constant 9.99999997E-7 : f32
      %add3A_2684 = vector.broadcast %add3A_2683 : f32 to vector<16xf32>
      %add3A_2685 = arith.addf %sub3A_2682, %add3A_2684 : vector<16xf32>
      %mul3A_2686 = arith.mulf %add3A_2685, %add3A_2685 : vector<16xf32>
      %add3A_2687 = arith.addf %add3A_2655, %mul3A_2686 : vector<16xf32>
      %get3A_2688 = arith.constant 14 : i32
      %get3A_2689 = arith.index_cast %get3A_2688 : i32 to index
      %get3A_2690 = arith.constant 80 : index
      %get3A_2691 = tpu.vector_load %arg8[%get3A_2689, %get3A_2690] {strides = array<i32>} : memref<16x128xf32, #tpu.memory_space<vmem>>, vector<1x16xf32>,
      %get3A_2692 = vector.shape_cast %get3A_2691 : vector<1x16xf32> to vector<16xf32>
      %get3A_2693 = arith.constant 14 : i32
      %get3A_2694 = arith.index_cast %get3A_2693 : i32 to index
      %get3A_2695 = arith.constant 80 : index
      %get3A_2696 = tpu.vector_load %arg10[%get3A_2694, %get3A_2695] {strides = array<i32>} : memref<16x128xf32, #tpu.memory_space<vmem>>, vector<1x16xf32>,
      %get3A_2697 = vector.shape_cast %get3A_2696 : vector<1x16xf32> to vector<16xf32>
      %sub3A_2698 = arith.subf %get3A_2692, %get3A_2697 : vector<16xf32>
      %add3A_2699 = arith.constant 9.99999997E-7 : f32
      %add3A_2700 = vector.broadcast %add3A_2699 : f32 to vector<16xf32>
      %add3A_2701 = arith.addf %sub3A_2698, %add3A_2700 : vector<16xf32>
      %mul3A_2702 = arith.mulf %add3A_2701, %add3A_2701 : vector<16xf32>
      %add3A_2703 = arith.addf %add3A_2671, %mul3A_2702 : vector<16xf32>
      %get3A_2704 = arith.constant 14 : i32
      %get3A_2705 = arith.index_cast %get3A_2704 : i32 to index
      %get3A_2706 = arith.constant 96 : index
      %get3A_2707 = tpu.vector_load %arg8[%get3A_2705, %get3A_2706] {strides = array<i32>} : memref<16x128xf32, #tpu.memory_space<vmem>>, vector<1x16xf32>,
      %get3A_2708 = vector.shape_cast %get3A_2707 : vector<1x16xf32> to vector<16xf32>
      %get3A_2709 = arith.constant 14 : i32
      %get3A_2710 = arith.index_cast %get3A_2709 : i32 to index
      %get3A_2711 = arith.constant 96 : index
      %get3A_2712 = tpu.vector_load %arg10[%get3A_2710, %get3A_2711] {strides = array<i32>} : memref<16x128xf32, #tpu.memory_space<vmem>>, vector<1x16xf32>,
      %get3A_2713 = vector.shape_cast %get3A_2712 : vector<1x16xf32> to vector<16xf32>
      %sub3A_2714 = arith.subf %get3A_2708, %get3A_2713 : vector<16xf32>
      %add3A_2715 = arith.constant 9.99999997E-7 : f32
      %add3A_2716 = vector.broadcast %add3A_2715 : f32 to vector<16xf32>
      %add3A_2717 = arith.addf %sub3A_2714, %add3A_2716 : vector<16xf32>
      %mul3A_2718 = arith.mulf %add3A_2717, %add3A_2717 : vector<16xf32>
      %add3A_2719 = arith.addf %add3A_2687, %mul3A_2718 : vector<16xf32>
      %get3A_2720 = arith.constant 14 : i32
      %get3A_2721 = arith.index_cast %get3A_2720 : i32 to index
      %get3A_2722 = arith.constant 112 : index
      %get3A_2723 = tpu.vector_load %arg8[%get3A_2721, %get3A_2722] {strides = array<i32>} : memref<16x128xf32, #tpu.memory_space<vmem>>, vector<1x16xf32>,
      %get3A_2724 = vector.shape_cast %get3A_2723 : vector<1x16xf32> to vector<16xf32>
      %get3A_2725 = arith.constant 14 : i32
      %get3A_2726 = arith.index_cast %get3A_2725 : i32 to index
      %get3A_2727 = arith.constant 112 : index
      %get3A_2728 = tpu.vector_load %arg10[%get3A_2726, %get3A_2727] {strides = array<i32>} : memref<16x128xf32, #tpu.memory_space<vmem>>, vector<1x16xf32>,
      %get3A_2729 = vector.shape_cast %get3A_2728 : vector<1x16xf32> to vector<16xf32>
      %sub3A_2730 = arith.subf %get3A_2724, %get3A_2729 : vector<16xf32>
      %add3A_2731 = arith.constant 9.99999997E-7 : f32
      %add3A_2732 = vector.broadcast %add3A_2731 : f32 to vector<16xf32>
      %add3A_2733 = arith.addf %sub3A_2730, %add3A_2732 : vector<16xf32>
      %mul3A_2734 = arith.mulf %add3A_2733, %add3A_2733 : vector<16xf32>
      %add3A_2735 = arith.addf %add3A_2703, %mul3A_2734 : vector<16xf32>
      %add3A_2736 = arith.addf %add3A_2719, %add3A_2735 : vector<16xf32>
      %iota3A_2737 = tpu.iota {dimensions = array<i32: 0>} : vector<16xi32>
      %add3A_2738 = arith.constant 8 : i32
      %add3A_2739 = vector.broadcast %add3A_2738 : i32 to vector<16xi32>
      %add3A_2740 = arith.addi %iota3A_2737, %add3A_2739 : vector<16xi32>
      %and3A_2741 = arith.constant 15 : i32
      %and3A_2742 = vector.broadcast %and3A_2741 : i32 to vector<16xi32>
      %and3A_2743 = arith.andi %add3A_2740, %and3A_2742 : vector<16xi32>
      %broadcast_in_dim3A_2744 = vector.shape_cast %and3A_2743 : vector<16xi32> to vector<16x1xi32>
      %gather3A_2745 = vector.shape_cast %broadcast_in_dim3A_2744 : vector<16x1xi32> to vector<16xi32>
      %gather3A_2746 = tpu.dynamic_gather %add3A_2736[%gather3A_2745] in [0] : vector<16xf32>, vector<16xi32> -> vector<16xf32>
      %add3A_2747 = arith.addf %add3A_2736, %gather3A_2746 : vector<16xf32>
      %add3A_2748 = arith.constant 4 : i32
      %add3A_2749 = vector.broadcast %add3A_2748 : i32 to vector<16xi32>
      %add3A_2750 = arith.addi %iota3A_2737, %add3A_2749 : vector<16xi32>
      %and3A_2751 = arith.constant 15 : i32
      %and3A_2752 = vector.broadcast %and3A_2751 : i32 to vector<16xi32>
      %and3A_2753 = arith.andi %add3A_2750, %and3A_2752 : vector<16xi32>
      %broadcast_in_dim3A_2754 = vector.shape_cast %and3A_2753 : vector<16xi32> to vector<16x1xi32>
      %gather3A_2755 = vector.shape_cast %broadcast_in_dim3A_2754 : vector<16x1xi32> to vector<16xi32>
      %gather3A_2756 = tpu.dynamic_gather %add3A_2747[%gather3A_2755] in [0] : vector<16xf32>, vector<16xi32> -> vector<16xf32>
      %add3A_2757 = arith.addf %add3A_2747, %gather3A_2756 : vector<16xf32>
      %add3A_2758 = arith.constant 2 : i32
      %add3A_2759 = vector.broadcast %add3A_2758 : i32 to vector<16xi32>
      %add3A_2760 = arith.addi %iota3A_2737, %add3A_2759 : vector<16xi32>
      %and3A_2761 = arith.constant 15 : i32
      %and3A_2762 = vector.broadcast %and3A_2761 : i32 to vector<16xi32>
      %and3A_2763 = arith.andi %add3A_2760, %and3A_2762 : vector<16xi32>
      %broadcast_in_dim3A_2764 = vector.shape_cast %and3A_2763 : vector<16xi32> to vector<16x1xi32>
      %gather3A_2765 = vector.shape_cast %broadcast_in_dim3A_2764 : vector<16x1xi32> to vector<16xi32>
      %gather3A_2766 = tpu.dynamic_gather %add3A_2757[%gather3A_2765] in [0] : vector<16xf32>, vector<16xi32> -> vector<16xf32>
      %add3A_2767 = arith.addf %add3A_2757, %gather3A_2766 : vector<16xf32>
      %add3A_2768 = arith.constant 1 : i32
      %add3A_2769 = vector.broadcast %add3A_2768 : i32 to vector<16xi32>
      %add3A_2770 = arith.addi %iota3A_2737, %add3A_2769 : vector<16xi32>
      %and3A_2771 = arith.constant 15 : i32
      %and3A_2772 = vector.broadcast %and3A_2771 : i32 to vector<16xi32>
      %and3A_2773 = arith.andi %add3A_2770, %and3A_2772 : vector<16xi32>
      %broadcast_in_dim3A_2774 = vector.shape_cast %and3A_2773 : vector<16xi32> to vector<16x1xi32>
      %gather3A_2775 = vector.shape_cast %broadcast_in_dim3A_2774 : vector<16x1xi32> to vector<16xi32>
      %gather3A_2776 = tpu.dynamic_gather %add3A_2767[%gather3A_2775] in [0] : vector<16xf32>, vector<16xi32> -> vector<16xf32>
      %add3A_2777 = arith.addf %add3A_2767, %gather3A_2776 : vector<16xf32>
      %eq3A_2778 = arith.constant 14 : i32
      %eq3A_2779 = vector.broadcast %eq3A_2778 : i32 to vector<16xi32>
      %eq3A_2780 = arith.cmpi eq, %iota3A, %eq3A_2779 : vector<16xi32>
      %select_n3A_2781 = arith.select %eq3A_2780, %add3A_2777, %select_n3A_2603 : vector<16xi1>, vector<16xf32>
      %add3A_2782 = arith.constant 1.000000e+00 : f32
      %add3A_2783 = vector.broadcast %add3A_2782 : f32 to vector<16xf32>
      %add3A_2784 = arith.addf %select_n3A_2781, %add3A_2783 : vector<16xf32>
      %mul3A_2785 = arith.constant 5.000000e-01 : f32
      %mul3A_2786 = vector.broadcast %mul3A_2785 : f32 to vector<16xf32>
      %mul3A_2787 = arith.mulf %mul3A_2786, %add3A_2784 : vector<16xf32>
      %div3A = arith.divf %select_n3A_2781, %mul3A_2787 : vector<16xf32>
      %add3A_2788 = arith.addf %mul3A_2787, %div3A : vector<16xf32>
      %mul3A_2789 = arith.constant 5.000000e-01 : f32
      %mul3A_2790 = vector.broadcast %mul3A_2789 : f32 to vector<16xf32>
      %mul3A_2791 = arith.mulf %mul3A_2790, %add3A_2788 : vector<16xf32>
      %div3A_2792 = arith.divf %select_n3A_2781, %mul3A_2791 : vector<16xf32>
      %add3A_2793 = arith.addf %mul3A_2791, %div3A_2792 : vector<16xf32>
      %mul3A_2794 = arith.constant 5.000000e-01 : f32
      %mul3A_2795 = vector.broadcast %mul3A_2794 : f32 to vector<16xf32>
      %mul3A_2796 = arith.mulf %mul3A_2795, %add3A_2793 : vector<16xf32>
      %div3A_2797 = arith.divf %select_n3A_2781, %mul3A_2796 : vector<16xf32>
      %add3A_2798 = arith.addf %mul3A_2796, %div3A_2797 : vector<16xf32>
      %mul3A_2799 = arith.constant 5.000000e-01 : f32
      %mul3A_2800 = vector.broadcast %mul3A_2799 : f32 to vector<16xf32>
      %mul3A_2801 = arith.mulf %mul3A_2800, %add3A_2798 : vector<16xf32>
      %div3A_2802 = arith.divf %select_n3A_2781, %mul3A_2801 : vector<16xf32>
      %add3A_2803 = arith.addf %mul3A_2801, %div3A_2802 : vector<16xf32>
      %mul3A_2804 = arith.constant 5.000000e-01 : f32
      %mul3A_2805 = vector.broadcast %mul3A_2804 : f32 to vector<16xf32>
      %mul3A_2806 = arith.mulf %mul3A_2805, %add3A_2803 : vector<16xf32>
      %div3A_2807 = arith.divf %select_n3A_2781, %mul3A_2806 : vector<16xf32>
      %add3A_2808 = arith.addf %mul3A_2806, %div3A_2807 : vector<16xf32>
      %mul3A_2809 = arith.constant 5.000000e-01 : f32
      %mul3A_2810 = vector.broadcast %mul3A_2809 : f32 to vector<16xf32>
      %mul3A_2811 = arith.mulf %mul3A_2810, %add3A_2808 : vector<16xf32>
      %div3A_2812 = arith.divf %select_n3A_2781, %mul3A_2811 : vector<16xf32>
      %add3A_2813 = arith.addf %mul3A_2811, %div3A_2812 : vector<16xf32>
      %mul3A_2814 = arith.constant 5.000000e-01 : f32
      %mul3A_2815 = vector.broadcast %mul3A_2814 : f32 to vector<16xf32>
      %mul3A_2816 = arith.mulf %mul3A_2815, %add3A_2813 : vector<16xf32>
      %div3A_2817 = arith.divf %select_n3A_2781, %mul3A_2816 : vector<16xf32>
      %add3A_2818 = arith.addf %mul3A_2816, %div3A_2817 : vector<16xf32>
      %mul3A_2819 = arith.constant 5.000000e-01 : f32
      %mul3A_2820 = vector.broadcast %mul3A_2819 : f32 to vector<16xf32>
      %mul3A_2821 = arith.mulf %mul3A_2820, %add3A_2818 : vector<16xf32>
      %div3A_2822 = arith.divf %select_n3A_2781, %mul3A_2821 : vector<16xf32>
      %add3A_2823 = arith.addf %mul3A_2821, %div3A_2822 : vector<16xf32>
      %mul3A_2824 = arith.constant 5.000000e-01 : f32
      %mul3A_2825 = vector.broadcast %mul3A_2824 : f32 to vector<16xf32>
      %mul3A_2826 = arith.mulf %mul3A_2825, %add3A_2823 : vector<16xf32>
      %div3A_2827 = arith.divf %select_n3A_2781, %mul3A_2826 : vector<16xf32>
      %add3A_2828 = arith.addf %mul3A_2826, %div3A_2827 : vector<16xf32>
      %mul3A_2829 = arith.constant 5.000000e-01 : f32
      %mul3A_2830 = vector.broadcast %mul3A_2829 : f32 to vector<16xf32>
      %mul3A_2831 = arith.mulf %mul3A_2830, %add3A_2828 : vector<16xf32>
      %div3A_2832 = arith.divf %select_n3A_2781, %mul3A_2831 : vector<16xf32>
      %add3A_2833 = arith.addf %mul3A_2831, %div3A_2832 : vector<16xf32>
      %mul3A_2834 = arith.constant 5.000000e-01 : f32
      %mul3A_2835 = vector.broadcast %mul3A_2834 : f32 to vector<16xf32>
      %mul3A_2836 = arith.mulf %mul3A_2835, %add3A_2833 : vector<16xf32>
      %div3A_2837 = arith.divf %select_n3A_2781, %mul3A_2836 : vector<16xf32>
      %add3A_2838 = arith.addf %mul3A_2836, %div3A_2837 : vector<16xf32>
      %mul3A_2839 = arith.constant 5.000000e-01 : f32
      %mul3A_2840 = vector.broadcast %mul3A_2839 : f32 to vector<16xf32>
      %mul3A_2841 = arith.mulf %mul3A_2840, %add3A_2838 : vector<16xf32>
      %div3A_2842 = arith.divf %select_n3A_2781, %mul3A_2841 : vector<16xf32>
      %add3A_2843 = arith.addf %mul3A_2841, %div3A_2842 : vector<16xf32>
      %mul3A_2844 = arith.constant 5.000000e-01 : f32
      %mul3A_2845 = vector.broadcast %mul3A_2844 : f32 to vector<16xf32>
      %mul3A_2846 = arith.mulf %mul3A_2845, %add3A_2843 : vector<16xf32>
      %lt3A = arith.constant 15 : i32
      %lt3A_2847 = vector.broadcast %lt3A : i32 to vector<16xi32>
      %lt3A_2848 = arith.cmpi slt, %iota3A, %lt3A_2847 : vector<16xi32>
      %jit3A_2849 = arith.constant 0.000000e+00 : f32
      %broadcast_in_dim3A_2850 = vector.broadcast %jit3A_2849 : f32 to vector<16xf32>
      %select_n3A_2851 = arith.select %lt3A_2848, %mul3A_2846, %broadcast_in_dim3A_2850 : vector<16xi1>, vector<16xf32>
      %mul3A_2852 = arith.mulf %select_n3A_2851, %select_n3A : vector<16xf32>
      %iota3A_2853 = tpu.iota {dimensions = array<i32: 0>} : vector<16xi32>
      %add3A_2854 = arith.constant 8 : i32
      %add3A_2855 = vector.broadcast %add3A_2854 : i32 to vector<16xi32>
      %add3A_2856 = arith.addi %iota3A_2853, %add3A_2855 : vector<16xi32>
      %and3A_2857 = arith.constant 15 : i32
      %and3A_2858 = vector.broadcast %and3A_2857 : i32 to vector<16xi32>
      %and3A_2859 = arith.andi %add3A_2856, %and3A_2858 : vector<16xi32>
      %broadcast_in_dim3A_2860 = vector.shape_cast %and3A_2859 : vector<16xi32> to vector<16x1xi32>
      %gather3A_2861 = vector.shape_cast %broadcast_in_dim3A_2860 : vector<16x1xi32> to vector<16xi32>
      %gather3A_2862 = tpu.dynamic_gather %mul3A_2852[%gather3A_2861] in [0] : vector<16xf32>, vector<16xi32> -> vector<16xf32>
      %add3A_2863 = arith.addf %mul3A_2852, %gather3A_2862 : vector<16xf32>
      %add3A_2864 = arith.constant 4 : i32
      %add3A_2865 = vector.broadcast %add3A_2864 : i32 to vector<16xi32>
      %add3A_2866 = arith.addi %iota3A_2853, %add3A_2865 : vector<16xi32>
      %and3A_2867 = arith.constant 15 : i32
      %and3A_2868 = vector.broadcast %and3A_2867 : i32 to vector<16xi32>
      %and3A_2869 = arith.andi %add3A_2866, %and3A_2868 : vector<16xi32>
      %broadcast_in_dim3A_2870 = vector.shape_cast %and3A_2869 : vector<16xi32> to vector<16x1xi32>
      %gather3A_2871 = vector.shape_cast %broadcast_in_dim3A_2870 : vector<16x1xi32> to vector<16xi32>
      %gather3A_2872 = tpu.dynamic_gather %add3A_2863[%gather3A_2871] in [0] : vector<16xf32>, vector<16xi32> -> vector<16xf32>
      %add3A_2873 = arith.addf %add3A_2863, %gather3A_2872 : vector<16xf32>
      %add3A_2874 = arith.constant 2 : i32
      %add3A_2875 = vector.broadcast %add3A_2874 : i32 to vector<16xi32>
      %add3A_2876 = arith.addi %iota3A_2853, %add3A_2875 : vector<16xi32>
      %and3A_2877 = arith.constant 15 : i32
      %and3A_2878 = vector.broadcast %and3A_2877 : i32 to vector<16xi32>
      %and3A_2879 = arith.andi %add3A_2876, %and3A_2878 : vector<16xi32>
      %broadcast_in_dim3A_2880 = vector.shape_cast %and3A_2879 : vector<16xi32> to vector<16x1xi32>
      %gather3A_2881 = vector.shape_cast %broadcast_in_dim3A_2880 : vector<16x1xi32> to vector<16xi32>
      %gather3A_2882 = tpu.dynamic_gather %add3A_2873[%gather3A_2881] in [0] : vector<16xf32>, vector<16xi32> -> vector<16xf32>
      %add3A_2883 = arith.addf %add3A_2873, %gather3A_2882 : vector<16xf32>
      %add3A_2884 = arith.constant 1 : i32
      %add3A_2885 = vector.broadcast %add3A_2884 : i32 to vector<16xi32>
      %add3A_2886 = arith.addi %iota3A_2853, %add3A_2885 : vector<16xi32>
      %and3A_2887 = arith.constant 15 : i32
      %and3A_2888 = vector.broadcast %and3A_2887 : i32 to vector<16xi32>
      %and3A_2889 = arith.andi %add3A_2886, %and3A_2888 : vector<16xi32>
      %broadcast_in_dim3A_2890 = vector.shape_cast %and3A_2889 : vector<16xi32> to vector<16x1xi32>
      %gather3A_2891 = vector.shape_cast %broadcast_in_dim3A_2890 : vector<16x1xi32> to vector<16xi32>
      %gather3A_2892 = tpu.dynamic_gather %add3A_2883[%gather3A_2891] in [0] : vector<16xf32>, vector<16xi32> -> vector<16xf32>
      %add3A_2893 = arith.addf %add3A_2883, %gather3A_2892 : vector<16xf32>
      %swap3A = arith.constant 0 : index
      %swap3A_2894 = tpu.vector_load %arg13[%swap3A] {strides = array<i32>} : memref<16xf32, #tpu.memory_space<vmem>>, vector<16xf32>,
      %swap3A_2895 = vector.shape_cast %swap3A_2894 : vector<16xf32> to vector<16xf32>
      %swap3A_2896 = vector.shape_cast %add3A_2893 : vector<16xf32> to vector<16xf32>
      tpu.vector_store %arg13[%swap3A], %swap3A_2896 {strides = array<i32>} : memref<16xf32, #tpu.memory_space<vmem>>, vector<16xf32>,
      "tpu.region"() ({
        %run_scoped3A = tpu.sem_alloc : memref<!tpu.dma_semaphore, #tpu.memory_space<semaphore_mem>>
        %dma_start3A_2897 = arith.constant 0 : i32
        %dma_start3A_2898 = tpu.memref_slice %arg13[%dma_start3A_2897] : memref<16xf32, #tpu.memory_space<vmem>> -> memref<1xf32, #tpu.memory_space<vmem>>
        %dma_start3A_2899 = arith.constant 0 : i32
        %dma_start3A_2900 = tpu.memref_slice %arg13[%dma_start3A_2899] : memref<16xf32, #tpu.memory_space<vmem>> -> memref<1xf32, #tpu.memory_space<vmem>>
        tpu.enqueue_dma source(%dma_start3A_2900 : memref<1xf32, #tpu.memory_space<vmem>>) target(%arg7 : memref<1xf32, #tpu.memory_space<hbm>>) target_semaphore(%run_scoped3A : memref<!tpu.dma_semaphore, #tpu.memory_space<semaphore_mem>>)
        %dma_wait3A_2901 = arith.constant 0 : i32
        %dma_wait3A_2902 = tpu.memref_slice %arg13[%dma_wait3A_2901] : memref<16xf32, #tpu.memory_space<vmem>> -> memref<1xf32, #tpu.memory_space<vmem>>
        %dma_wait3A_2903 = arith.constant 0 : i32
        %dma_wait3A_2904 = tpu.memref_slice %arg13[%dma_wait3A_2903] : memref<16xf32, #tpu.memory_space<vmem>> -> memref<1xf32, #tpu.memory_space<vmem>>
        tpu.wait_dma2 semaphore(%run_scoped3A : memref<!tpu.dma_semaphore, #tpu.memory_space<semaphore_mem>>) src(%dma_wait3A_2904 : memref<1xf32, #tpu.memory_space<vmem>>) dst(%arg7 : memref<1xf32, #tpu.memory_space<hbm>>)
        tpu.yield
      }) : () -> ()
    } else {
    }
    return
  }
}

</mosaic_0001>

<sc_bundles>
// kernel: kernel.3.cloned.1.call-start
scs
__scs_entry_jumppad:
0x0: {  	(pc) =	sbr.rel $0x88, $3  }
0x1: {  	(tag) =	ssettag $0x0;
	lr =	simm.s32 $0x1  }
0x2: {  	[smem:$0x3F9C] =	sst lr;
	_ =	strace $0xD0000000  }
0x3: {  	_ = 	snop  }
0x4: {  	_ = 	snop  }
0x5: {  	_ = 	snop  }
0x6: {  	_ = 	snop  }
0x7: {  	_ = 	snop  }
__scs_overlays_trampoline_lowered:
0x8: {  	[smem:$0x3FAB] =	sst s0  }
0x9: {  	[smem:$0x3FAC] =	sst s1  }
0xa: {  	[smem:$0x3FAD] =	sst s2  }
0xb: {  	[smem:$0x3FAE] =	sst s3  }
0xc: {  	[smem:$0x3FAF] =	sst s4  }
0xd: {  	[smem:$0x3FB0] =	sst s5  }
0xe: {  	[smem:$0x3FB1] =	sst s6  }
0xf: {  	[smem:$0x3FB2] =	sst s7  }
0x10: {  	[smem:$0x3FB3] =	sst s8  }
0x11: {  	[smem:$0x3FB4] =	sst s9;
	s0 =	simm.s32 @!p0 $0x0  }
0x12: {  	s1 =	sld [smem:$0x3F9A];
	s0 =	simm.s32 @p0 $0x1  }
0x13: {  	[smem:$0x3FB5] =	sst s0;
	s0 =	simm.s32 @!p1 $0x0  }
0x14: {  	s2 =	sld [smem:$0x3F99];
	s0 =	simm.s32 @p1 $0x1  }
0x15: {  	[smem:$0x3FB6] =	sst s0;
	s0 =	simm.s32 @!p2 $0x0  }
0x16: {  	s3 =	sld [smem:$0x3FDB];
	s0 =	simm.s32 @p2 $0x1  }
0x17: {  	s4 =	simm.s32 $0x1BF5;
	[smem:$0x3FB8] =	sst s0  }
0x18: {  	s0 =	sld [smem:$0x3F9B];
	_ =	swait.ge [sflag:s4], $0x0  }
0x19: {  	s7 =	sld [smem:$0x3F9C]  }
0x1a: {  	s8 =	sadd.s32 $0xFFFFE003, lr  }
0x1b: {  	s9 =	sadd.s32 $0xFFFFFEF7, lr;
	s5 =	simm.s32 $0xFFFFFFFF;
	p2 =	slt.u32 s8, $0xFFFFF086  }
0x1c: {  	p1 =	slt.u32 s9, $0xF7A;
	s5 =	simm.s32 @!p2 $0x0  }
0x1d: {  	s5 =	simm.s32 @p1 $0x1;
	p0 =	seq.s32 s7, s2  }
0x1e: {  	s7 =	smul.u32 @!p0 $0xF7A, s2;
	p2 =	seq.s32 @!p0 s5, $0x0  }
0x1f: {  	s9 =	smul.u32 $0xF7A, s1;
	s8 =	simm.s32 @!p0 $0x1BF5;
	p2 =	por !p2, p0  }
0x20: {  	[sflag:s8] =	ssyncset.s32 @!p0 $0xFFFFF086;
	s6 =	sadd.s32 @!p0 s3, s7;
	s7 =	simm.s32 @!p0 $0x108  }
0x21: {  	s3 =	sadd.s32 s3, s9;
	s6 =	sadd.s32 @!p0 $0x88, s6;
	s7 =	simm.s32 @p2 $0x1082  }
0x22: {  	[simem:s7], [sflag:s8] =	dma.local @!p0 [hbm:s6], $0xF7A  }
0x23: {  	s9 =	sor.u32 $0xD0000000, s2;
	s6 =	simm.s32 $0x108;
	_ =	swait.ge @!p0 [sflag:s8], $0x0  }
0x24: {  	s3 =	sadd.s32 $0x88, s3;
	s6 =	simm.s32 @!p1 $0x1082;
	[sflag:s4] =	ssyncset.s32 $0xFFFFF086  }
0x25: {  	[simem:s6], [sflag:s4] =	dma.local [hbm:s3], $0xF7A  }
0x26: {  	[smem:$0x3F9C] =	sst s1;
	(tag) =	ssettag s2;
	_ =	strace s9  }
0x27: {  	s1 =	sld [smem:$0x3FAC]  }
0x28: {  	s2 =	sld [smem:$0x3FAD]  }
0x29: {  	s4 =	sld [smem:$0x3FAF]  }
0x2a: {  	p0 =	seq.s32 s5, $0x0;
	s5 =	sld [smem:$0x3FB0]  }
0x2b: {  	s6 =	sld [smem:$0x3FB1]  }
0x2c: {  	s7 =	sld [smem:$0x3FB2]  }
0x2d: {  	s3 =	simm.s32 $0x108;
	s8 =	sld [smem:$0x3FB3]  }
0x2e: {  	s3 =	simm.s32 @!p0 $0x1082;
	s9 =	sld [smem:$0x3FB4]  }
0x2f: {  	lr =	sadd.s32 s0, s3;
	s0 =	sld [smem:$0x3FAB]  }
0x30: {  	s3 =	sld [smem:$0x3FAE]  }
0x31: {  	[smem:$0x3FB7] =	sst s10  }
0x32: {  	s10 =	sld [smem:$0x3FB5];
	_ =	sdelay $0x3  }
0x33: {  	p0 =	seq.s32 s10, $0x1;
	s10 =	sld [smem:$0x3FB7];
	_ =	sdelay $0x3  }
0x34: {  	[smem:$0x3FB7] =	sst s10  }
0x35: {  	s10 =	sld [smem:$0x3FB6];
	_ =	sdelay $0x3  }
0x36: {  	p1 =	seq.s32 s10, $0x1;
	s10 =	sld [smem:$0x3FB7];
	_ =	sdelay $0x3  }
0x37: {  	[smem:$0x3FB7] =	sst s10  }
0x38: {  	s10 =	sld [smem:$0x3FB8]  }
0x39: {  	_ = 	snop;
	(pc) =	sbr.ind lr, $3  }
0x3a: {  	_ = 	snop  }
0x3b: {  	_ = 	snop  }
0x3c: {  	p2 =	seq.s32 s10, $0x1;
	s10 =	sld [smem:$0x3FB7]  }
0x3d: {  	_ =	shalt  }
0x3e: {  	_ =	shalt  }
0x3f: {  	_ =	shalt  }
0x40: {  	_ =	shalt  }
0x41: {  	_ =	shalt  }
0x42: {  	_ =	shalt  }
0x43: {  	_ =	shalt  }
0x44: {  	_ =	shalt  }
0x45: {  	_ =	shalt  }
0x46: {  	_ =	shalt  }
0x47: {  	_ =	shalt  }
0x48: {  	_ =	shalt  }
0x49: {  	_ =	shalt  }
0x4a: {  	_ =	shalt  }
0x4b: {  	_ =	shalt  }
0x4c: {  	_ =	shalt  }
0x4d: {  	_ =	shalt  }
0x4e: {  	_ =	shalt  }
0x4f: {  	_ =	shalt  }
0x50: {  	_ =	shalt  }
0x51: {  	_ =	shalt  }
0x52: {  	_ =	shalt  }
0x53: {  	_ =	shalt  }
0x54: {  	_ =	shalt  }
0x55: {  	_ =	shalt  }
0x56: {  	_ =	shalt  }
0x57: {  	_ =	shalt  }
0x58: {  	_ =	shalt  }
0x59: {  	_ =	shalt  }
0x5a: {  	_ =	shalt  }
0x5b: {  	_ =	shalt  }
0x5c: {  	_ =	shalt  }
0x5d: {  	_ =	shalt  }
0x5e: {  	_ =	shalt  }
0x5f: {  	_ =	shalt  }
0x60: {  	_ =	shalt  }
0x61: {  	_ =	shalt  }
0x62: {  	_ =	shalt  }
0x63: {  	_ =	shalt  }
0x64: {  	_ =	shalt  }
0x65: {  	_ =	shalt  }
0x66: {  	_ =	shalt  }
0x67: {  	_ =	shalt  }
0x68: {  	_ =	shalt  }
0x69: {  	_ =	shalt  }
0x6a: {  	_ =	shalt  }
0x6b: {  	_ =	shalt  }
0x6c: {  	_ =	shalt  }
0x6d: {  	_ =	shalt  }
0x6e: {  	_ =	shalt  }
0x6f: {  	_ =	shalt  }
0x70: {  	_ =	shalt  }
0x71: {  	_ =	shalt  }
0x72: {  	_ =	shalt  }
0x73: {  	_ =	shalt  }
0x74: {  	_ =	shalt  }
0x75: {  	_ =	shalt  }
0x76: {  	_ =	shalt  }
0x77: {  	_ =	shalt  }
0x78: {  	_ =	shalt  }
0x79: {  	_ =	shalt  }
0x7a: {  	_ =	shalt  }
0x7b: {  	_ =	shalt  }
0x7c: {  	_ =	shalt  }
0x7d: {  	_ =	shalt  }
0x7e: {  	_ =	shalt  }
0x7f: {  	_ =	shalt  }
0x80: {  	_ =	shalt  }
0x81: {  	_ =	shalt  }
0x82: {  	_ =	shalt  }
0x83: {  	_ =	shalt  }
0x84: {  	_ =	shalt  }
0x85: {  	_ =	shalt  }
0x86: {  	_ =	shalt  }
0x87: {  	_ =	shalt  }
.Lfunc_end0:
.L_simem_size_0:
called_computation_lowered:
.L_overlay_start_0:
0x88: {  	s0 =	sld [smem:$0x3FD9]  }
0x89: {  	s1 =	sld [smem:$0x3FFE];
	_ =	sdelay $0x3  }
0x8a: {  	s0 =	sadd.s32 s1, s0  }
0x8b: {  	[smem:$0x3FC3] =	sst s0  }
0x8c: {  	_ = 	snop  }
0x8d: {  	s0 =	sld [smem:$0x3FC9]  }
0x8e: {  	s17 =	sld [smem:$0x3FC8]  }
0x8f: {  	s2 =	sld [smem:$0x3FC7]  }
0x90: {  	s3 =	sld [smem:$0x3FC6]  }
0x91: {  	s4 =	sld [smem:$0x3FC5]  }
0x92: {  	s5 =	sld [smem:$0x3FD0];
	(tm) =	ssettm $0x1  }
0x93: {  	s6 =	sld [smem:$0x3FFB];
	_ =	sdelay $0x3  }
0x94: {  	_ =	strace s6  }
0x95: {  	s6 =	sld [smem:$0x3FFC];
	_ =	sdelay $0x3  }
0x96: {  	_ =	strace s6  }
0x97: {  	s6 =	sld [smem:$0x3FFD];
	_ =	sdelay $0x3  }
0x98: {  	_ =	strace s6  }
0x99: {  	_ =	strace $0x8FFFFFFF  }
0x9a: {  	s18 =	sld [smem:$0x3FDB];
	_ =	sdelay $0x1  }
0x9b: {  	s7 =	simm.s32 $_scs_section_size  }
0x9c: {  	s8 =	simm.s32 $_size__tile_overlayer_lowered;
	s9 =	simm.s32 $_tile_overlayer_lowered  }
0x9d: {  	s21 =	simm.s32 $0x1BFF;
	s20 =	sshll.u32 s9, $0x1;
	s6 =	sadd.s32 s7, s18  }
0x9e: {  	s10 =	simm.s32 $0x0;
	s19 =	sshll.u32 s8, $0x1;
	s8 =	sadd.s32 s20, s6  }
0x9f: {  	[timem:s10], [sflag:s21] =	dma.local [hbm:s8], s19  }
0xa0: {  	_ =	swait.ge [sflag:s21], s19  }
0xa1: {  	s7 =	ssub.s32 $0x0, s19;
	[sflag:s21] =	ssyncset.done $0x0  }
0xa2: {  	[sflag:s21] =	ssyncadd.s32 s7;
	_ =	sdelay $0x1  }
0xa3: {  	s22 =	simm.s32 $0x1B8B  }
0xa4: {  	_ =	swait.ge [sflag:s22], $0x1  }
0xa5: {  	[sflag:s22] =	ssyncset.done $0x0  }
0xa6: {  	s23 =	simm.s32 $0x1B8E;
	[sflag:s22] =	ssyncadd.s32 $0xFFFFFFFF  }
0xa7: {  	s24 =	simm.s32 $execute0_lowered;
	[smem:$0x3FD2] =	sst s23  }
0xa8: {  	s7 =	sshll.u32 s24, $0x1;
	_ =	strace $0x80000046;
	[dreg:$0x1] =	wrdreg $0xFFFFFFFF  }
0xa9: {  	s25 =	simm.s32 $_size_execute0_lowered;
	s6 =	sadd.s32 s6, s7;
	[dreg:$0x0] =	wrdreg $0x0  }
0xaa: {  	s7 =	sshll.u32 s25, $0x1;
	[dreg:$0x2] =	wrdreg s6  }
0xab: {  	[dreg:$0x3] =	wrdreg s7  }
0xac: {  	[dreg:$0x4] =	wrdreg $0xC0  }
0xad: {  	_ =	task [dreg:s10], $0x5FFFF  }
0xae: {  	[dreg:$0x1] =	wrdreg $0xFFFFFFFF  }
0xaf: {  	[dreg:$0x0] =	wrdreg $0x60  }
0xb0: {  	[dreg:$0x2] =	wrdreg s0  }
0xb1: {  	[dreg:$0x3] =	wrdreg s17  }
0xb2: {  	[dreg:$0x4] =	wrdreg s2  }
0xb3: {  	[dreg:$0x5] =	wrdreg s3  }
0xb4: {  	[dreg:$0x6] =	wrdreg s4  }
0xb5: {  	[dreg:$0x7] =	wrdreg s5  }
0xb6: {  	[dreg:$0x8] =	wrdreg $0x9  }
0xb7: {  	_ =	task.clear_ibuf [dreg:s10], $0x9FFFF;
	_ =	strace $0x90000046  }
0xb8: {  	s26 =	simm.s32 $0x9;
	_ =	strace $0x80000048  }
0xb9: {  	_ =	swait.ge [sflag:s26], $0x1  }
0xba: {  	[sflag:s26] =	ssyncadd.s32 $0xFFFFFFFF  }
0xbb: {  	_ =	strace $0x90000048  }
0xbc: {  	_ =	sfence  }
0xbd: {  	s28 =	sld [smem:$0x0];
	_ =	sdelay $0x1  }
0xbe: {  	s29 =	srdreg.scid  }
0xbf: {  	s30 =	sshll.u32 s29, $0xD;
	s31 =	sshrl.u32 s29, $0x2  }
0xc0: {  	s1 =	sand.u32 $0x1, s29;
	s2 =	sand.u32 $0x4000, s30;
	s0 =	sadd.s32 s31, s28  }
0xc1: {  	s1 =	sor.u32 s2, s1;
	s0 =	sshll.u32 s0, $0x11  }
0xc2: {  	s0 =	sor.u32 s0, s1  }
0xc3: {  	s0 =	sadd.s32 $0x8F2B, s0  }
0xc4: {  	[sflag:s0] =	ssyncadd.remote.s32 $0x1  }
0xc5: {  	_ =	sfence.sel $0xFFFF  }
0xc6: {  	[dreg:$0x0] =	wrdreg $0xFFFFFFFF;
	(pc) =	sbr.abs _section_cstart, $3  }
0xc7: {  	[dreg:$0x1] =	wrdreg $0xFFFFFFFF  }
0xc8: {  	_ =	task.clear_ibuf [dreg:s10], $0x2FFFF;
	_ =	strace $0x9FFFFFFF  }
0xc9: {  	(tm) =	ssettm $0x7FFFFFFF  }
tec
execute0_lowered:
.L_overlay_start_1:
0x0: {  	(tag) =	ssettag $0x1  }
0x1: {  	s4 =	rddreg [dreg:$0x0]  }
0x2: {  	s7 =	rddreg [dreg:$0x1]  }
0x3: {  	s3 =	rddreg [dreg:$0x2]  }
0x4: {  	s6 =	rddreg [dreg:$0x3]  }
0x5: {  	s5 =	rddreg [dreg:$0x4]  }
0x6: {  	s1 =	rddreg [dreg:$0x5];
	s2 =	simm.s32 $0x0  }
0x7: {  	s8 =	stileid.u32;
	[smem:$0x7FF] =	sst s2  }
0x8: {  	s0 =	rddreg [dreg:$0x6];
	p0 =	sne.s32 s8, $0x0;
	_ =	strace $0x80000047  }
0x9: {  	_ =	sfence.sel @p0 $0x180000  }
0xa: {  	[bflag:$0x0] =	sbarrier.arrive @p0 $0xFFFF  }
0xb: {  	_ =	strace @p0 $0x90000047  }
0xc: {  	[bflag:$0x2] =	sbarrier.arrive @p0 $0xFFFF  }
0xd: {  	_ =	shalt @p0  }
.LBB2_1:
0xe: {  	s8 =	simm.s32 $0x800  }
0xf: {  	[tilespmem:s8], [sflag:$0x2] =	stream.linear.gather [hbm4b:s7+s2], $0x10, $0x38;
	[tilespmem:$0x1200] =	vst v63  }
0x10: {  	_ = 	snop  }
0x11: {  	[tilespmem:s2], [sflag:$0x1] =	stream.linear.gather [hbm4b:s4+s2], $0x800, $0x38;
	[tilespmem:$0x1200] =	vst v63  }
0x12: {  	s21 =	simm.s32 $0x1080  }
0x13: {  	[tilespmem:s21], [sflag:$0x3] =	stream.linear.gather [hbm4b:s6+s2], $0x8, $0x38;
	[tilespmem:$0x1200] =	vst v63  }
0x14: {  	s22 =	simm.s32 $0x1100;
	s23 =	simm.s32 $0x2  }
0x15: {  	[tilespmem:s22], [sflag:$0x3] =	stream.linear.gather [hbm4b:s5+s2], $0x1, $0x38;
	[tilespmem:$0x1200] =	vst v63  }
0x16: {  	_ =	swait.ge [sflag:s23], $0x10  }
0x17: {  	s24 =	simm.s32 $0x10;
	[sflag:s23] =	ssyncset.done $0x0  }
0x18: {  	s25 =	simm.s32 $0x880;
	s26 =	simm.s32 $0x3;
	[sflag:s23] =	ssyncadd.s32 $0xFFFFFFF0  }
0x19: {  	[tilespmem:s25], [sflag:$0x4] =	stream.indirect.gather [hbm4b:s3+s24], $0x80, s8, s24, $0xb8;
	[tilespmem:$0x1200] =	vst v63  }
0x1a: {  	_ =	swait.ge [sflag:s26], $0x8  }
0x1b: {  	[sflag:s26] =	ssyncset.done $0x0  }
0x1c: {  	[sflag:s26] =	ssyncadd.s32 $0xFFFFFFF8  }
0x1d: {  	_ =	swait.ge [sflag:s26], $0x1  }
0x1e: {  	[sflag:s26] =	ssyncset.done $0x0  }
0x1f: {  	[sflag:s26] =	ssyncadd.s32 $0xFFFFFFFF  }
0x20: {  	s28 =	simm.s32 $0x1;
	v0 =	vld [tilespmem:$0x1080]  }
0x21: {  	v1 =	vld [tilespmem:$0x1100];
	_ =	swait.ge [sflag:s28], $0x800  }
0x22: {  	[sflag:s28] =	ssyncset.done $0x0  }
0x23: {  	s29 =	simm.s32 $0x4;
	[sflag:s28] =	ssyncadd.s32 $0xFFFFF800  }
0x24: {  	_ =	swait.ge [sflag:s29], $0x800  }
0x25: {  	[sflag:s29] =	ssyncset.done $0x0  }
0x26: {  	[sflag:s29] =	ssyncadd.s32 $0xFFFFF800  }
0x27: {  	v2 =	vld [tilespmem:$0x0]  }
0x28: {  	v3 =	vld [tilespmem:$0x880]  }
0x29: {  	v4 =	vld [tilespmem:$0x10]  }
0x2a: {  	v5 =	vld [tilespmem:$0x890]  }
0x2b: {  	v6 =	vld [tilespmem:$0x20]  }
0x2c: {  	v7 =	vld [tilespmem:$0x8A0]  }
0x2d: {  	v8 =	vld [tilespmem:$0x30]  }
0x2e: {  	v9 =	vld [tilespmem:$0x8B0]  }
0x2f: {  	v10 =	vld [tilespmem:$0x40]  }
0x30: {  	v11 =	vld [tilespmem:$0x8C0]  }
0x31: {  	v12 =	vld [tilespmem:$0x50]  }
0x32: {  	v13 =	vld [tilespmem:$0x8D0]  }
0x33: {  	v14 =	vld [tilespmem:$0x60]  }
0x34: {  	v15 =	vld [tilespmem:$0x8E0]  }
0x35: {  	v16 =	vld [tilespmem:$0x70]  }
0x36: {  	v17 =	vld [tilespmem:$0x8F0]  }
0x37: {  	v18 =	vld [tilespmem:$0x80]  }
0x38: {  	v19 =	vld [tilespmem:$0x900]  }
0x39: {  	v20 =	vld [tilespmem:$0x90]  }
0x3a: {  	v21 =	vld [tilespmem:$0x910]  }
0x3b: {  	v22 =	vld [tilespmem:$0xA0]  }
0x3c: {  	v23 =	vld [tilespmem:$0x920]  }
0x3d: {  	v24 =	vld [tilespmem:$0xB0]  }
0x3e: {  	v25 =	vld [tilespmem:$0x930]  }
0x3f: {  	v26 =	vld [tilespmem:$0xC0]  }
0x40: {  	v27 =	vld [tilespmem:$0x940]  }
0x41: {  	v28 =	vld [tilespmem:$0xD0]  }
0x42: {  	v29 =	vld [tilespmem:$0x950]  }
0x43: {  	v43 =	vld [tilespmem:$0xE0]  }
0x44: {  	v44 =	vld [tilespmem:$0x960]  }
0x45: {  	v45 =	vld [tilespmem:$0xF0]  }
0x46: {  	v46 =	vld [tilespmem:$0x970]  }
0x47: {  	v30 =	vld [tilespmem:$0x980]  }
0x48: {  	v47 =	vld [tilespmem:$0x990]  }
0x49: {  	v31 =	vld [tilespmem:$0x120]  }
0x4a: {  	v55 =	vld [tilespmem:$0x130]  }
0x4b: {  	v59 =	vld [tilespmem:$0x9B0]  }
0x4c: {  	v32 =	vld [tilespmem:$0x140]  }
0x4d: {  	v33 =	vld [tilespmem:$0x9C0]  }
0x4e: {  	v34 =	vld [tilespmem:$0x150]  }
0x4f: {  	v61 =	vld [tilespmem:$0x9D0]  }
0x50: {  	v63 =	vld [tilespmem:$0x160]  }
0x51: {  	v40 =	vld [tilespmem:$0x9E0]  }
0x52: {  	v48 =	vld [tilespmem:$0x170]  }
0x53: {  	v37 =	vld [tilespmem:$0x9F0]  }
0x54: {  	v51 =	vld [tilespmem:$0xA10];
	v2 =	vsub.f32 v2, v3;
	v6 =	vsub.f32 v6, v7  }
0x55: {  	v52 =	vld [tilespmem:$0x1B0];
	v4 =	vsub.f32 v4, v5;
	v8 =	vsub.f32 v8, v9  }
0x56: {  	v38 =	vld [tilespmem:$0xA30];
	v10 =	vsub.f32 v10, v11;
	v12 =	vsub.f32 v12, v13  }
0x57: {  	v36 =	vimm.s32 $0x3210FEDC;
	v11 =	vld [tilespmem:$0x100];
	v14 =	vsub.f32 v14, v15;
	v53 =	vsub.f32 v16, v17  }
0x58: {  	v36 =	vunpack.c.l.s4.s8 v36;
	v13 =	vld [tilespmem:$0x110];
	v18 =	vsub.f32 v18, v19;
	v20 =	vsub.f32 v20, v21  }
0x59: {  	v50 =	vimm.s32 $0xBA987654;
	v16 =	vld [tilespmem:$0x9A0];
	v22 =	vsub.f32 v22, v23;
	v24 =	vsub.f32 v24, v25  }
0x5a: {  	v49 =	vunpack.c.0.s8.s32 v36;
	v19 =	vld [tilespmem:$0x180];
	v26 =	vsub.f32 v26, v27;
	v28 =	vsub.f32 v28, v29  }
0x5b: {  	v36 =	vunpack.c.l.s4.s8 v50;
	v21 =	vld [tilespmem:$0xA00];
	v3 =	vsub.f32 v43, v44;
	v5 =	vsub.f32 v45, v46  }
0x5c: {  	v58 =	vimm.s32 $0xFEDCBA98;
	v23 =	vld [tilespmem:$0x190];
	v32 =	vsub.f32 v32, v33;
	v7 =	vsub.f32 v52, v38  }
0x5d: {  	v36 =	vunpack.c.0.s8.s32 v36;
	v27 =	vld [tilespmem:$0x1A0];
	v2 =	vadd.f32 $9.999999970e-07, v2;
	v6 =	vadd.f32 $9.999999970e-07, v6  }
0x5e: {  	v15 =	vunpack.c.l.s4.s8 v58;
	v29 =	vld [tilespmem:$0xA20];
	v4 =	vadd.f32 $9.999999970e-07, v4;
	v8 =	vadd.f32 $9.999999970e-07, v8  }
0x5f: {  	v9 =	vld [tilespmem:$0x1D0];
	v43 =	vcombine.low v36, v49;
	v10 =	vadd.f32 $9.999999970e-07, v10;
	v12 =	vadd.f32 $9.999999970e-07, v12  }
0x60: {  	v45 =	vld [tilespmem:$0xA50];
	v49 =	vimm.s32 $0xFEDCBA9;
	v56 =	vadd.f32 $9.999999970e-07, v14;
	v57 =	vadd.f32 $9.999999970e-07, v53  }
0x61: {  	v46 =	vld [tilespmem:$0x1E0];
	v52 =	vimm.s32 $0x87654321;
	v18 =	vadd.f32 $9.999999970e-07, v18;
	v20 =	vadd.f32 $9.999999970e-07, v20  }
0x62: {  	v33 =	vld [tilespmem:$0xA80];
	v38 =	vunpack.c.l.s4.s8 v52;
	v22 =	vadd.f32 $9.999999970e-07, v22;
	v26 =	vadd.f32 $9.999999970e-07, v26  }
0x63: {  	v52 =	vld [tilespmem:$0xBE0];
	v15 =	vunpack.c.0.s8.s32 v15;
	v24 =	vadd.f32 $9.999999970e-07, v24;
	v28 =	vadd.f32 $9.999999970e-07, v28  }
0x64: {  	v3 =	vadd.f32 $9.999999970e-07, v3;
	v2 =	vmul.f32 v2, v2;
	v41 =	vmul.f32 v26, v26;
	v26 =	vld [tilespmem:$0x1C0]  }
0x65: {  	v5 =	vadd.f32 $9.999999970e-07, v5;
	v6 =	vmul.f32 v6, v6;
	v42 =	vmul.f32 v28, v28;
	v28 =	vld [tilespmem:$0xA40]  }
0x66: {  	v32 =	vadd.f32 $9.999999970e-07, v32;
	v54 =	vmul.f32 v12, v12;
	v12 =	vmul.f32 v56, v56;
	v56 =	vld [tilespmem:$0xA70]  }
0x67: {  	v4 =	vmul.f32 v4, v4;
	v8 =	vmul.f32 v8, v8;
	v62 =	vand.u32 $0xF, v15;
	v15 =	vld [tilespmem:$0x220]  }
0x68: {  	v7 =	vadd.f32 $9.999999970e-07, v7;
	v14 =	vmul.f32 v57, v57;
	v57 =	vmul.f32 v32, v32;
	v32 =	vld [tilespmem:$0x230]  }
0x69: {  	v18 =	vmul.f32 v18, v18;
	v22 =	vmul.f32 v22, v22;
	v50 =	vsub.f32 v23, v51;
	v23 =	vld [tilespmem:$0xB00]  }
0x6a: {  	v20 =	vmul.f32 v20, v20;
	v11 =	vsub.f32 v11, v30;
	v27 =	vsub.f32 v27, v29;
	v29 =	vld [tilespmem:$0x290]  }
0x6b: {  	v24 =	vmul.f32 v24, v24;
	v16 =	vsub.f32 v31, v16;
	v19 =	vsub.f32 v19, v21;
	v31 =	vld [tilespmem:$0x2C0]  }
0x6c: {  	v51 =	vunpack.c.l.s4.s8 v49;
	v49 =	vld [tilespmem:$0xBD0];
	v2 =	vadd.f32 v6, v2;
	v4 =	vadd.f32 v8, v4  }
0x6d: {  	v18 =	vadd.f32 v22, v18;
	v6 =	vsub.f32 v13, v47;
	v47 =	vld [tilespmem:$0xA60]  }
0x6e: {  	v20 =	vadd.f32 v24, v20;
	v24 =	vld [tilespmem:$0xB20];
	v11 =	vadd.f32 $9.999999970e-07, v11  }
0x6f: {  	v16 =	vadd.f32 $9.999999970e-07, v16;
	v19 =	vadd.f32 $9.999999970e-07, v19;
	v25 =	vunpack.c.0.s8.s32 v51;
	v51 =	vld [tilespmem:$0x360]  }
0x70: {  	v10 =	vmul.f32 v10, v10;
	v21 =	vadd.f32 $9.999999970e-07, v50;
	v4 =	vadd.f32 v54, v4;
	v54 =	vld [tilespmem:$0x1F0]  }
0x71: {  	v5 =	vmul.f32 v5, v5;
	v18 =	vadd.f32 v41, v18;
	v20 =	vadd.f32 v42, v20;
	v41 =	vld [tilespmem:$0x270]  }
0x72: {  	v60 =	vimm.s32 $0x76543210;
	v2 =	vadd.f32 v10, v2;
	v26 =	vsub.f32 v26, v28;
	v28 =	vld [tilespmem:$0x2B0]  }
0x73: {  	v3 =	vmul.f32 v3, v3;
	v27 =	vadd.f32 $9.999999970e-07, v27;
	v5 =	vadd.f32 v5, v20;
	v20 =	vld [tilespmem:$0x210]  }
0x74: {  	v7 =	vmul.f32 v7, v7;
	v2 =	vadd.f32 v12, v2;
	v12 =	vsub.f32 v34, v61;
	v34 =	vld [tilespmem:$0xA90]  }
0x75: {  	v11 =	vmul.f32 v11, v11;
	v4 =	vadd.f32 v14, v4;
	v14 =	vsub.f32 v48, v37;
	v48 =	vld [tilespmem:$0xAF0]  }
0x76: {  	v16 =	vmul.f32 v16, v16;
	v18 =	vadd.f32 v3, v18;
	v3 =	vand.u32 $0xF, v43;
	v43 =	vld [tilespmem:$0x2A0]  }
0x77: {  	v8 =	vunpack.c.l.s4.s8 v60;
	v19 =	vmul.f32 v19, v19;
	v27 =	vmul.f32 v27, v27;
	v37 =	vld [tilespmem:$0x380]  }
0x78: {  	v10 =	vsub.f32 v55, v59;
	v21 =	vmul.f32 v21, v21;
	v11 =	vadd.f32 v16, v11;
	v16 =	vld [tilespmem:$0xAA0]  }
0x79: {  	v8 =	vunpack.c.0.s8.s32 v8;
	v6 =	vadd.f32 $9.999999970e-07, v6;
	v19 =	vadd.f32 v27, v19;
	v27 =	vld [tilespmem:$0x2D0]  }
0x7a: {  	v10 =	vadd.f32 $9.999999970e-07, v10;
	v7 =	vadd.f32 v7, v21;
	v21 =	vld [tilespmem:$0xB50]  }
0x7b: {  	v4 =	vadd.f32 v4, v2;
	v2 =	vcombine.low v62, v8;
	v62 =	vld [tilespmem:$0xAD0]  }
0x7c: {  	v6 =	vmul.f32 v6, v6;
	v10 =	vmul.f32 v10, v10;
	v8 =	vsub.f32 v63, v40;
	v63 =	vld [tilespmem:$0xAE0]  }
0x7d: {  	v14 =	vadd.f32 $9.999999970e-07, v14;
	v5 =	vadd.f32 v5, v18;
	v18 =	vld [tilespmem:$0xB90]  }
0x7e: {  	v6 =	vadd.f32 v10, v6;
	v10 =	vadd.f32 v57, v11;
	v11 =	vld [tilespmem:$0xAB0]  }
0x7f: {  	v58 =	vmul.f32 v14, v14;
	v14 =	vld [tilespmem:$0x240]  }
0x80: {  	v12 =	vadd.f32 $9.999999970e-07, v12;
	v60 =	vperm.xlane v5, v2;
	v57 =	vunpack.c.0.s8.s32 v38;
	v38 =	vld [tilespmem:$0x500]  }
0x81: {  	v44 =	vimm.s32 $0x10FEDCBA;
	v17 =	vsub.f32 v54, v56;
	v24 =	vsub.f32 v43, v24;
	v43 =	vld [tilespmem:$0x540]  }
0x82: {  	v35 =	vperm.xlane v4, v2;
	v8 =	vadd.f32 $9.999999970e-07, v8;
	v5 =	vadd.f32 v5, v60;
	v60 =	vld [tilespmem:$0xB70]  }
0x83: {  	v12 =	vmul.f32 v12, v12;
	v17 =	vadd.f32 $9.999999970e-07, v17;
	v15 =	vsub.f32 v15, v16;
	v16 =	vld [tilespmem:$0x300]  }
0x84: {  	v4 =	vadd.f32 v4, v35;
	v35 =	vunpack.c.l.s4.s8 v44;
	v21 =	vsub.f32 v27, v21;
	v27 =	vld [tilespmem:$0xC10]  }
0x85: {  	v55 =	vimm.s32 $0x98765432;
	v8 =	vmul.f32 v8, v8;
	v56 =	vmul.f32 v17, v17;
	v17 =	vld [tilespmem:$0x2E0]  }
0x86: {  	v30 =	vunpack.c.l.s4.s8 v55;
	v6 =	vadd.f32 v12, v6;
	v53 =	vunpack.c.0.s8.s32 v35;
	v35 =	vld [tilespmem:$0x200]  }
0x87: {  	v8 =	vadd.f32 v8, v10;
	v10 =	vld [tilespmem:$0x250]  }
0x88: {  	v30 =	vunpack.c.0.s8.s32 v30;
	v6 =	vadd.f32 v58, v6;
	v58 =	vld [tilespmem:$0x2F0]  }
0x89: {  	v11 =	vsub.f32 v32, v11;
	v32 =	vld [tilespmem:$0x310]  }
0x8a: {  	v26 =	vadd.f32 $9.999999970e-07, v26;
	v39 =	vperm.xlane v5, v3;
	v22 =	vcombine.low v30, v53;
	v30 =	vld [tilespmem:$0xAC0]  }
0x8b: {  	v9 =	vsub.f32 v9, v45;
	v6 =	vadd.f32 v6, v8;
	v8 =	vld [tilespmem:$0x260]  }
0x8c: {  	v5 =	vadd.f32 v5, v39;
	v39 =	vld [tilespmem:$0x280];
	v53 =	vmul.f32 v26, v26  }
0x8d: {  	v9 =	vadd.f32 $9.999999970e-07, v9;
	v59 =	vperm.xlane v4, v3;
	v26 =	vld [tilespmem:$0xB40]  }
0x8e: {  	v13 =	vsub.f32 v46, v47;
	v19 =	vadd.f32 v53, v19;
	v53 =	vld [tilespmem:$0x370]  }
0x8f: {  	v61 =	vadd.f32 v4, v59;
	v40 =	vperm.xlane v6, v2;
	v59 =	vsub.f32 v35, v33;
	v35 =	vld [tilespmem:$0x330]  }
0x90: {  	v9 =	vmul.f32 v9, v9;
	v20 =	vsub.f32 v20, v34;
	v4 =	vand.u32 $0xF, v22;
	v33 =	vld [tilespmem:$0x3B0]  }
0x91: {  	v13 =	vadd.f32 $9.999999970e-07, v13;
	v54 =	vperm.xlane v5, v4;
	v6 =	vadd.f32 v6, v40;
	v40 =	vld [tilespmem:$0xB10]  }
0x92: {  	v20 =	vadd.f32 $9.999999970e-07, v20;
	v22 =	vperm.xlane v61, v4;
	v18 =	vsub.f32 v32, v18;
	v32 =	vld [tilespmem:$0x400]  }
0x93: {  	v7 =	vadd.f32 v9, v7;
	v36 =	vadd.f32 v5, v54;
	v5 =	vcombine.low v57, v25;
	v25 =	vld [tilespmem:$0xB80]  }
0x94: {  	v24 =	vadd.f32 $9.999999970e-07, v24;
	v12 =	vadd.f32 v61, v22;
	v61 =	vmul.f32 v20, v20;
	v20 =	vld [tilespmem:$0x320]  }
0x95: {  	v15 =	vadd.f32 $9.999999970e-07, v15;
	v14 =	vsub.f32 v14, v30;
	v30 =	vld [tilespmem:$0xBA0]  }
0x96: {  	v55 =	vmul.f32 v13, v13;
	v21 =	vadd.f32 $9.999999970e-07, v21;
	v7 =	vadd.f32 v56, v7;
	v54 =	vld [tilespmem:$0xBF0]  }
0x97: {  	v22 =	vsub.f32 v41, v48;
	v23 =	vsub.f32 v39, v23;
	v39 =	vld [tilespmem:$0xC00]  }
0x98: {  	v9 =	vadd.f32 v55, v19;
	v19 =	vadd.f32 $9.999999970e-07, v59;
	v59 =	vld [tilespmem:$0xC30];
	v42 =	vperm.xlane v6, v3  }
0x99: {  	v15 =	vmul.f32 v15, v15;
	v14 =	vadd.f32 $9.999999970e-07, v14;
	v41 =	vadd.f32 $9.999999970e-07, v22;
	v22 =	vld [tilespmem:$0x340]  }
0x9a: {  	v11 =	vadd.f32 $9.999999970e-07, v11;
	v19 =	vmul.f32 v19, v19;
	v6 =	vadd.f32 v6, v42;
	v42 =	vld [tilespmem:$0xB30]  }
0x9b: {  	v8 =	vsub.f32 v8, v63;
	v7 =	vadd.f32 v7, v9;
	v63 =	vmul.f32 v14, v14;
	v14 =	vld [tilespmem:$0xBB0]  }
0x9c: {  	v10 =	vsub.f32 v10, v62;
	v15 =	vadd.f32 v15, v19;
	v19 =	vld [tilespmem:$0x350]  }
0x9d: {  	v5 =	vand.u32 $0xF, v5;
	v62 =	vperm.xlane v7, v2;
	v46 =	vmul.f32 v41, v41;
	v41 =	vld [tilespmem:$0x390]  }
0x9e: {  	v13 =	vsub.f32 v58, v60;
	v45 =	vperm.xlane v12, v5;
	v29 =	vsub.f32 v29, v40;
	v40 =	vld [tilespmem:$0xC20]  }
0x9f: {  	v26 =	vsub.f32 v31, v26;
	v34 =	vadd.f32 v7, v62;
	v62 =	vld [tilespmem:$0xC40]  }
0xa0: {  	v11 =	vmul.f32 v11, v11;
	v10 =	vadd.f32 $9.999999970e-07, v10;
	v7 =	vadd.f32 v12, v45;
	v45 =	vld [tilespmem:$0xC50]  }
0xa1: {  	v26 =	vadd.f32 $9.999999970e-07, v26;
	v16 =	vsub.f32 v16, v25;
	v25 =	vld [tilespmem:$0x3F0]  }
0xa2: {  	v13 =	vadd.f32 $9.999999970e-07, v13;
	v9 =	vadd.f32 v11, v61;
	v10 =	vmul.f32 v10, v10;
	v12 =	vld [tilespmem:$0x420]  }
0xa3: {  	v8 =	vadd.f32 $9.999999970e-07, v8;
	v58 =	vmul.f32 v26, v26;
	v26 =	vsub.f32 v33, v59;
	v59 =	vld [tilespmem:$0x460]  }
0xa4: {  	v23 =	vadd.f32 $9.999999970e-07, v23;
	v20 =	vsub.f32 v20, v30;
	v30 =	vld [tilespmem:$0xD30]  }
0xa5: {  	v24 =	vmul.f32 v24, v24;
	v9 =	vadd.f32 v10, v9;
	v11 =	vadd.f32 v63, v15;
	v15 =	vld [tilespmem:$0xBC0]  }
0xa6: {  	v23 =	vmul.f32 v23, v23;
	v10 =	vsub.f32 v51, v52;
	v44 =	vperm.xlane v6, v4;
	v63 =	vld [tilespmem:$0x3D0]  }
0xa7: {  	v9 =	vadd.f32 v46, v9;
	v29 =	vadd.f32 $9.999999970e-07, v29;
	v46 =	vld [tilespmem:$0xC70]  }
0xa8: {  	v47 =	vperm.xlane v36, v5;
	v23 =	vadd.f32 v24, v23;
	v6 =	vadd.f32 v6, v44;
	v44 =	vld [tilespmem:$0xB60]  }
0xa9: {  	v18 =	vadd.f32 $9.999999970e-07, v18;
	v8 =	vmul.f32 v8, v8;
	v57 =	vmul.f32 v29, v29;
	v29 =	vld [tilespmem:$0x3A0]  }
0xaa: {  	v10 =	vadd.f32 $9.999999970e-07, v10;
	v23 =	vadd.f32 v58, v23;
	v58 =	vld [tilespmem:$0xCD0]  }
0xab: {  	v50 =	vperm.xlane v34, v3;
	v11 =	vadd.f32 v8, v11;
	v8 =	vadd.f32 v36, v47;
	v36 =	vld [tilespmem:$0xD70]  }
0xac: {  	v16 =	vadd.f32 $9.999999970e-07, v16;
	v14 =	vsub.f32 v35, v14;
	v35 =	vld [tilespmem:$0xC90]  }
0xad: {  	v20 =	vadd.f32 $9.999999970e-07, v20;
	v34 =	vadd.f32 v34, v50;
	v50 =	vld [tilespmem:$0x430]  }
0xae: {  	v28 =	vsub.f32 v28, v42;
	v27 =	vsub.f32 v41, v27;
	v41 =	vld [tilespmem:$0xDA0]  }
0xaf: {  	v9 =	vadd.f32 v9, v11;
	v11 =	vsub.f32 v53, v54;
	v53 =	vld [tilespmem:$0xCB0]  }
0xb0: {  	v26 =	vadd.f32 $9.999999970e-07, v26;
	v48 =	vperm.xlane v6, v5;
	v19 =	vsub.f32 v19, v49;
	v54 =	vld [tilespmem:$0x440]  }
0xb1: {  	v21 =	vmul.f32 v21, v21;
	v28 =	vadd.f32 $9.999999970e-07, v28;
	v15 =	vsub.f32 v22, v15;
	v22 =	vld [tilespmem:$0xC80]  }
0xb2: {  	v6 =	vadd.f32 v6, v48;
	v14 =	vadd.f32 $9.999999970e-07, v14;
	v48 =	vmul.f32 v20, v20;
	v20 =	vld [tilespmem:$0x410]  }
0xb3: {  	v47 =	vmul.f32 v18, v18;
	v27 =	vadd.f32 $9.999999970e-07, v27;
	v46 =	vsub.f32 v25, v46;
	v25 =	vld [tilespmem:$0x490]  }
0xb4: {  	v55 =	vperm.xlane v9, v2;
	v28 =	vmul.f32 v28, v28;
	v29 =	vsub.f32 v29, v40;
	v40 =	vld [tilespmem:$0xD00]  }
0xb5: {  	v19 =	vadd.f32 $9.999999970e-07, v19;
	v17 =	vsub.f32 v17, v44;
	v44 =	vmul.f32 v27, v27;
	v27 =	vld [tilespmem:$0x4B0]  }
0xb6: {  	v16 =	vmul.f32 v16, v16;
	v56 =	vadd.f32 v9, v55;
	v9 =	vadd.f32 v28, v57;
	v28 =	vld [tilespmem:$0x3C0]  }
0xb7: {  	v11 =	vadd.f32 $9.999999970e-07, v11;
	v14 =	vmul.f32 v14, v14;
	v15 =	vadd.f32 $9.999999970e-07, v15;
	v55 =	vld [tilespmem:$0xCC0]  }
0xb8: {  	v60 =	vperm.xlane v34, v4;
	v16 =	vadd.f32 v48, v16;
	v57 =	vsub.f32 v37, v39;
	v39 =	vld [tilespmem:$0xDB0]  }
0xb9: {  	v13 =	vmul.f32 v13, v13;
	v17 =	vadd.f32 $9.999999970e-07, v17;
	v37 =	vld [tilespmem:$0xE70];
	v14 =	vadd.f32 v14, v47  }
0xba: {  	v15 =	vmul.f32 v15, v15;
	v21 =	vadd.f32 v21, v9;
	v9 =	vadd.f32 v34, v60;
	v60 =	vld [tilespmem:$0xCE0]  }
0xbb: {  	v49 =	vmul.f32 v19, v19;
	v29 =	vadd.f32 $9.999999970e-07, v29;
	v22 =	vsub.f32 v32, v22;
	v32 =	vld [tilespmem:$0x4E0]  }
0xbc: {  	v17 =	vmul.f32 v17, v17;
	v20 =	vsub.f32 v20, v35;
	v35 =	vld [tilespmem:$0xD60];
	v15 =	vadd.f32 v15, v16  }
0xbd: {  	v61 =	vperm.xlane v56, v3;
	v14 =	vadd.f32 v49, v14;
	v13 =	vadd.f32 v13, v21;
	v21 =	vld [tilespmem:$0x3E0]  }
0xbe: {  	v10 =	vmul.f32 v10, v10;
	v16 =	vsub.f32 v50, v53;
	v17 =	vadd.f32 v17, v23;
	v23 =	vld [tilespmem:$0xC60]  }
0xbf: {  	v11 =	vmul.f32 v11, v11;
	v31 =	vadd.f32 v56, v61;
	v56 =	vld [tilespmem:$0x450];
	v50 =	vadd.f32 $9.999999970e-07, v22  }
0xc0: {  	v61 =	vld [tilespmem:$0x470];
	v20 =	vadd.f32 $9.999999970e-07, v20;
	v27 =	vsub.f32 v27, v30  }
0xc1: {  	v22 =	vld [tilespmem:$0xD50];
	v10 =	vadd.f32 v10, v15;
	v11 =	vadd.f32 v11, v14  }
0xc2: {  	v26 =	vmul.f32 v26, v26;
	v24 =	vsub.f32 v28, v62;
	v62 =	vsub.f32 v63, v45;
	v63 =	vld [tilespmem:$0xCF0]  }
0xc3: {  	v15 =	vadd.f32 $9.999999970e-07, v57;
	v45 =	vmul.f32 v29, v29;
	v29 =	vld [tilespmem:$0x480];
	v16 =	vadd.f32 $9.999999970e-07, v16  }
0xc4: {  	v18 =	vsub.f32 v54, v55;
	v13 =	vadd.f32 v13, v17;
	v17 =	vld [tilespmem:$0xCA0]  }
0xc5: {  	v10 =	vadd.f32 v11, v10;
	v11 =	vadd.f32 v26, v44;
	v26 =	vld [tilespmem:$0xD10]  }
0xc6: {  	v51 =	vperm.xlane v31, v4;
	v19 =	vmul.f32 v50, v50;
	v32 =	vsub.f32 v32, v35;
	v35 =	vld [tilespmem:$0x590]  }
0xc7: {  	v27 =	vadd.f32 $9.999999970e-07, v27;
	v15 =	vmul.f32 v15, v15;
	v28 =	vadd.f32 $9.999999970e-07, v62;
	v44 =	vld [tilespmem:$0x5B0]  }
0xc8: {  	v18 =	vadd.f32 $9.999999970e-07, v18;
	v31 =	vadd.f32 v31, v51;
	v51 =	vmul.f32 v20, v20;
	v20 =	vld [tilespmem:$0x4F0]  }
0xc9: {  	v24 =	vadd.f32 $9.999999970e-07, v24;
	v33 =	vsub.f32 v59, v60;
	v47 =	vmul.f32 v28, v28;
	v28 =	vld [tilespmem:$0x4A0]  }
0xca: {  	v52 =	vperm.xlane v13, v2;
	v21 =	vsub.f32 v21, v23;
	v53 =	vmul.f32 v18, v18;
	v18 =	vld [tilespmem:$0xD80]  }
0xcb: {  	v15 =	vadd.f32 v45, v15;
	v24 =	vmul.f32 v24, v24;
	v54 =	vadd.f32 $9.999999970e-07, v33;
	v33 =	vld [tilespmem:$0x520]  }
0xcc: {  	v16 =	vmul.f32 v16, v16;
	v23 =	vadd.f32 $9.999999970e-07, v46;
	v14 =	vsub.f32 v56, v58;
	v45 =	vld [tilespmem:$0xDC0]  }
0xcd: {  	v27 =	vmul.f32 v27, v27;
	v13 =	vadd.f32 v13, v52;
	v15 =	vadd.f32 v24, v15;
	v24 =	vld [tilespmem:$0xD20]  }
0xce: {  	v49 =	vperm.xlane v10, v2;
	v34 =	vsub.f32 v61, v63;
	v12 =	vsub.f32 v12, v17;
	v17 =	vld [tilespmem:$0x4D0]  }
0xcf: {  	v21 =	vadd.f32 $9.999999970e-07, v21;
	v57 =	vmul.f32 v54, v54;
	v54 =	vsub.f32 v29, v40;
	v40 =	vld [tilespmem:$0xDF0]  }
0xd0: {  	v11 =	vadd.f32 v47, v11;
	v23 =	vmul.f32 v23, v23;
	v10 =	vadd.f32 v10, v49;
	v29 =	vld [tilespmem:$0x600]  }
0xd1: {  	v14 =	vadd.f32 $9.999999970e-07, v14;
	v48 =	vperm.xlane v13, v3;
	v55 =	vadd.f32 $9.999999970e-07, v34;
	v34 =	vld [tilespmem:$0x510]  }
0xd2: {  	v25 =	vsub.f32 v25, v26;
	v21 =	vmul.f32 v21, v21;
	v11 =	vadd.f32 v23, v11;
	v23 =	vld [tilespmem:$0xD40]  }
0xd3: {  	v12 =	vadd.f32 $9.999999970e-07, v12;
	v59 =	vperm.xlane v10, v3;
	v20 =	vsub.f32 v20, v36;
	v36 =	vld [tilespmem:$0xE10]  }
0xd4: {  	v13 =	vadd.f32 v13, v48;
	v58 =	vmul.f32 v55, v55;
	v55 =	vld [tilespmem:$0x560];
	v25 =	vadd.f32 $9.999999970e-07, v25  }
0xd5: {  	v61 =	vperm.xlane v9, v5;
	v18 =	vsub.f32 v38, v18;
	v47 =	vsub.f32 v33, v41;
	v38 =	vld [tilespmem:$0x660]  }
0xd6: {  	v14 =	vmul.f32 v14, v14;
	v15 =	vadd.f32 v21, v15;
	v21 =	vld [tilespmem:$0x4C0];
	v10 =	vadd.f32 v10, v59  }
0xd7: {  	v12 =	vmul.f32 v12, v12;
	v20 =	vadd.f32 $9.999999970e-07, v20;
	v24 =	vsub.f32 v28, v24;
	v28 =	vld [tilespmem:$0x570]  }
0xd8: {  	v56 =	vperm.xlane v13, v4;
	v17 =	vsub.f32 v17, v22;
	v22 =	vld [tilespmem:$0xE00];
	v18 =	vadd.f32 $9.999999970e-07, v18  }
0xd9: {  	v25 =	vmul.f32 v25, v25;
	v11 =	vadd.f32 v11, v15;
	v15 =	vadd.f32 v16, v51;
	v16 =	vld [tilespmem:$0xD90]  }
0xda: {  	v30 =	vadd.f32 $9.999999970e-07, v47;
	v12 =	vadd.f32 v12, v19;
	v49 =	vperm.xlane v10, v4;
	v19 =	vld [tilespmem:$0x5C0]  }
0xdb: {  	v20 =	vmul.f32 v20, v20;
	v13 =	vadd.f32 v13, v56;
	v56 =	vld [tilespmem:$0xDE0];
	v24 =	vadd.f32 $9.999999970e-07, v24  }
0xdc: {  	v17 =	vadd.f32 $9.999999970e-07, v17;
	v59 =	vadd.f32 v27, v25;
	v25 =	vld [tilespmem:$0x5A0];
	v52 =	vperm.xlane v11, v2  }
0xdd: {  	v18 =	vmul.f32 v18, v18;
	v12 =	vadd.f32 v53, v12;
	v14 =	vadd.f32 v14, v15;
	v15 =	vld [tilespmem:$0x530]  }
0xde: {  	v30 =	vmul.f32 v30, v30;
	v53 =	vld [tilespmem:$0xDD0];
	v21 =	vsub.f32 v21, v23;
	v11 =	vadd.f32 v11, v52  }
0xdf: {  	v23 =	vld [tilespmem:$0x580];
	v17 =	vmul.f32 v17, v17;
	v12 =	vadd.f32 v57, v12;
	v14 =	vadd.f32 v58, v14  }
0xe0: {  	v10 =	vadd.f32 v10, v49;
	v48 =	vperm.xlane v13, v5;
	v18 =	vadd.f32 v30, v18;
	v30 =	vld [tilespmem:$0x620]  }
0xe1: {  	v17 =	vadd.f32 v17, v59;
	v59 =	vld [tilespmem:$0x630];
	v60 =	vperm.xlane v11, v3;
	v14 =	vadd.f32 v14, v12  }
0xe2: {  	vm1 =	vcmask $0x33C;
	v12 =	vadd.f32 v9, v61;
	v9 =	vadd.f32 v13, v48;
	v48 =	vld [tilespmem:$0x5E0]  }
0xe3: {  	v63 =	vperm.xlane v31, v5;
	v17 =	vadd.f32 v20, v17;
	v20 =	vld [tilespmem:$0xE40];
	v62 =	vadd.f32 v11, v60  }
0xe4: {  	vm8 =	vcmask $0x73C;
	v21 =	vadd.f32 $9.999999970e-07, v21;
	v60 =	vadd.f32 $9.999999970e-07, v32;
	v32 =	vld [tilespmem:$0xE20]  }
0xe5: {  	v11 =	vadd.f32 v31, v63;
	v51 =	vperm.xlane v14, v2;
	v63 =	vld [tilespmem:$0xE30];
	v50 =	vperm.xlane v62, v4  }
0xe6: {  	vm9 =	vcmask $0xB3C;
	v16 =	vsub.f32 v34, v16;
	v26 =	vsub.f32 v55, v56;
	v31 =	vld [tilespmem:$0x550]  }
0xe7: {  	v24 =	vmul.f32 v24, v24;
	v13 =	vadd.f32 v14, v51;
	v52 =	vadd.f32 v62, v50;
	v50 =	vld [tilespmem:$0xE60]  }
0xe8: {  	v14 =	vadd.f32 $9.999999970e-07, v54;
	v62 =	vmul.f32 v60, v60;
	v60 =	vsub.f32 v35, v36;
	v35 =	vld [tilespmem:$0x740]  }
0xe9: {  	v57 =	vperm.xlane v10, v5;
	v15 =	vsub.f32 v15, v39;
	v25 =	vsub.f32 v25, v32;
	v32 =	vld [tilespmem:$0x640]  }
0xea: {  	v16 =	vadd.f32 $9.999999970e-07, v16;
	v14 =	vmul.f32 v14, v14;
	v27 =	vsub.f32 v44, v63;
	v63 =	vld [tilespmem:$0xEC0]  }
0xeb: {  	v22 =	vsub.f32 v23, v22;
	v15 =	vadd.f32 $9.999999970e-07, v15;
	v58 =	vperm.xlane v13, v3;
	v44 =	vld [tilespmem:$0xED0]  }
0xec: {  	v16 =	vmul.f32 v16, v16;
	v31 =	vsub.f32 v31, v53;
	v14 =	vadd.f32 v24, v14;
	v24 =	vld [tilespmem:$0x5D0]  }
0xed: {  	v53 =	vmul.f32 v15, v15;
	v42 =	vadd.f32 v13, v58;
	v58 =	vsub.f32 v28, v40;
	v28 =	vld [tilespmem:$0xEA0]  }
0xee: {  	v26 =	vadd.f32 $9.999999970e-07, v26;
	v22 =	vadd.f32 $9.999999970e-07, v22;
	v61 =	vperm.xlane v52, v5;
	v40 =	vld [tilespmem:$0xFC0]  }
0xef: {  	v21 =	vmul.f32 v21, v21;
	v19 =	vsub.f32 v19, v20;
	v55 =	vadd.f32 v53, v16;
	v53 =	vld [tilespmem:$0xF00]  }
0xf0: {  	vm10 =	vcmask $0xF3C;
	v13 =	vadd.f32 v52, v61;
	v52 =	vsub.f32 v43, v45;
	v45 =	vld [tilespmem:$0xE80]  }
0xf1: {  	vm11 =	vcmask $0x133C;
	v21 =	vadd.f32 v21, v14;
	v14 =	vadd.f32 v10, v57;
	v57 =	vld [tilespmem:$0xE90]  }
0xf2: {  	vm12 =	vcmask $0x173C;
	v19 =	vadd.f32 $9.999999970e-07, v19;
	v31 =	vadd.f32 $9.999999970e-07, v31;
	v61 =	vld [tilespmem:$0xEB0]  }
0xf3: {  	v25 =	vadd.f32 $9.999999970e-07, v25;
	v27 =	vadd.f32 $9.999999970e-07, v27;
	v46 =	vperm.xlane v42, v4;
	v43 =	vld [tilespmem:$0x650]  }
0xf4: {  	v22 =	vmul.f32 v22, v22;
	v16 =	vadd.f32 $9.999999970e-07, v58;
	v58 =	vld [tilespmem:$0xF10];
	v33 =	vsub.f32 v48, v50  }
0xf5: {  	v25 =	vmul.f32 v25, v25;
	v48 =	vld [tilespmem:$0x670];
	v21 =	vadd.f32 v62, v21;
	v10 =	vadd.f32 v42, v46  }
0xf6: {  	vm13 =	vcmask $0x1B3C;
	v42 =	vld [tilespmem:$0x5F0];
	v41 =	vadd.f32 $9.999999970e-07, v52;
	v32 =	vsub.f32 v32, v63  }
0xf7: {  	v19 =	vmul.f32 v19, v19;
	v46 =	vld [tilespmem:$0xEE0];
	v22 =	vadd.f32 v25, v22;
	v47 =	vadd.f32 $9.999999970e-07, v33  }
0xf8: {  	v28 =	vsub.f32 v30, v28;
	v17 =	vadd.f32 v17, v21;
	v21 =	vld [tilespmem:$0xE50];
	v49 =	vperm.xlane v10, v5  }
0xf9: {  	v54 =	vmul.f32 v41, v41;
	v41 =	vld [tilespmem:$0x610];
	v32 =	vadd.f32 $9.999999970e-07, v32;
	v19 =	vadd.f32 v19, v22  }
0xfa: {  	v56 =	vmul.f32 v31, v31;
	v23 =	vsub.f32 v59, v61;
	v59 =	vld [tilespmem:$0x6A0];
	v28 =	vadd.f32 $9.999999970e-07, v28  }
0xfb: {  	v50 =	vmul.f32 v47, v47;
	v61 =	vld [tilespmem:$0x6B0];
	v20 =	vsub.f32 v43, v44;
	v15 =	vadd.f32 v10, v49  }
0xfc: {  	vm14 =	vcmask $0x1F3C;
	v43 =	vld [tilespmem:$0x6C0];
	v18 =	vadd.f32 v54, v18;
	v10 =	vadd.f32 v56, v55  }
0xfd: {  	v26 =	vmul.f32 v26, v26;
	v44 =	vld [tilespmem:$0xF40];
	v56 =	vsub.f32 v29, v45;
	v19 =	vadd.f32 v50, v19  }
0xfe: {  	v47 =	vld [tilespmem:$0xF50];
	v51 =	vperm.xlane v17, v2;
	v54 =	vsub.f32 v42, v37;
	v23 =	vadd.f32 $9.999999970e-07, v23  }
0xff: {  	v16 =	vmul.f32 v16, v16;
	v49 =	vld [tilespmem:$0xEF0];
	v20 =	vadd.f32 $9.999999970e-07, v20;
	v38 =	vsub.f32 v38, v46  }
0x100: {  	v27 =	vmul.f32 v27, v27;
	v45 =	vld [tilespmem:$0x6D0];
	v17 =	vadd.f32 v17, v51;
	v18 =	vadd.f32 v26, v18  }
0x101: {  	v55 =	vld [tilespmem:$0x690];
	v28 =	vmul.f32 v28, v28;
	v26 =	vadd.f32 $9.999999970e-07, v60;
	v10 =	vadd.f32 v16, v10  }
0x102: {  	v46 =	vmul.f32 v32, v32;
	v50 =	vld [tilespmem:$0xF80];
	v21 =	vsub.f32 v24, v21;
	v57 =	vsub.f32 v41, v57  }
0x103: {  	v51 =	vld [tilespmem:$0x680];
	v63 =	vadd.f32 $9.999999970e-07, v54;
	v23 =	vmul.f32 v23, v23;
	v38 =	vadd.f32 $9.999999970e-07, v38  }
0x104: {  	v60 =	vld [tilespmem:$0xF20];
	v62 =	vperm.xlane v17, v3;
	v26 =	vmul.f32 v26, v26;
	v21 =	vadd.f32 $9.999999970e-07, v21  }
0x105: {  	v20 =	vmul.f32 v20, v20;
	v41 =	vld [tilespmem:$0x750];
	v29 =	vadd.f32 $9.999999970e-07, v57;
	v33 =	vsub.f32 v45, v47  }
0x106: {  	v36 =	vmul.f32 v63, v63;
	v63 =	vld [tilespmem:$0xF70];
	v26 =	vadd.f32 v27, v26;
	v16 =	vadd.f32 v17, v62  }
0x107: {  	v45 =	vld [tilespmem:$0xFE0];
	v17 =	vadd.f32 v10, v18;
	v27 =	vsub.f32 v48, v49;
	v21 =	vmul.f32 v21, v21  }
0x108: {  	v62 =	vld [tilespmem:$0xF30];
	v10 =	vlaneseq.u32;
	v42 =	vmul.f32 v29, v29;
	v29 =	vsub.f32 v43, v44  }
0x109: {  	v48 =	vmul.f32 v38, v38;
	v38 =	vld [tilespmem:$0x6F0];
	v27 =	vadd.f32 $9.999999970e-07, v27;
	v52 =	vadd.f32 v21, v26  }
0x10a: {  	v49 =	vld [tilespmem:$0x700];
	vm0 =	veq.s32 v10, $0xF;
	v26 =	vadd.f32 $9.999999970e-07, v56;
	v23 =	vadd.f32 v23, v42  }
0x10b: {  	v44 =	vld [tilespmem:$0x760];
	v7 =	vsel vm0, $0x0, v7;
	v21 =	vsub.f32 v51, v53;
	v51 =	vsub.f32 v59, v60  }
0x10c: {  	v7 =	vsel vm1, v7, v8;
	v53 =	vsub.f32 v55, v58;
	v55 =	vld [tilespmem:$0xF90];
	v29 =	vadd.f32 $9.999999970e-07, v29  }
0x10d: {  	v56 =	vld [tilespmem:$0x720];
	v27 =	vmul.f32 v27, v27;
	v20 =	vadd.f32 v20, v23;
	v18 =	vadd.f32 v36, v52  }
0x10e: {  	v59 =	vld [tilespmem:$0xFA0];
	v6 =	vsel vm8, v7, v6;
	v21 =	vadd.f32 $9.999999970e-07, v21;
	v54 =	vsub.f32 v61, v62  }
0x10f: {  	v60 =	vld [tilespmem:$0x730];
	v26 =	vmul.f32 v26, v26;
	v57 =	vadd.f32 $9.999999970e-07, v53;
	v37 =	vsub.f32 v49, v50  }
0x110: {  	v52 =	vld [tilespmem:$0x710];
	v6 =	vsel vm9, v6, v12;
	v50 =	vsub.f32 v38, v63;
	v53 =	vsub.f32 v44, v45  }
0x111: {  	v61 =	vld [tilespmem:$0xFB0];
	v6 =	vsel vm10, v6, v11;
	v26 =	vadd.f32 v28, v26;
	v20 =	vadd.f32 v27, v20  }
0x112: {  	v43 =	vld [tilespmem:$0xFD0];
	v27 =	vadd.f32 $9.999999970e-07, v51;
	v58 =	vadd.f32 $9.999999970e-07, v54;
	v21 =	vmul.f32 v21, v21  }
0x113: {  	v18 =	vadd.f32 v18, v19;
	v7 =	vmul.f32 v57, v57;
	v51 =	vsub.f32 v35, v40  }
0x114: {  	v39 =	vld [tilespmem:$0x6E0];
	v6 =	vsel vm11, v6, v9;
	v9 =	vadd.f32 $9.999999970e-07, v50;
	v22 =	vsub.f32 v56, v59  }
0x115: {  	v28 =	vld [tilespmem:$0xF60];
	v26 =	vadd.f32 v46, v26;
	v27 =	vmul.f32 v27, v27;
	v42 =	vsub.f32 v52, v55  }
0x116: {  	v8 =	vmul.f32 v58, v58;
	v19 =	vsub.f32 v60, v61;
	v22 =	vadd.f32 $9.999999970e-07, v22  }
0x117: {  	v62 =	vmul.f32 v29, v29;
	v52 =	vsub.f32 v41, v43;
	v23 =	vadd.f32 v48, v26  }
0x118: {  	v49 =	vld [tilespmem:$0xFF0];
	v6 =	vsel vm12, v6, v14;
	v21 =	vadd.f32 v27, v21;
	v7 =	vadd.f32 v8, v7  }
0x119: {  	v6 =	vsel vm13, v6, v13;
	v48 =	vld [tilespmem:$0x770];
	v11 =	vadd.f32 $9.999999970e-07, v42;
	v19 =	vadd.f32 $9.999999970e-07, v19  }
0x11a: {  	v9 =	vmul.f32 v9, v9;
	v8 =	vadd.f32 $9.999999970e-07, v33;
	v28 =	vsub.f32 v39, v28  }
0x11b: {  	v14 =	vadd.f32 $9.999999970e-07, v52;
	v11 =	vmul.f32 v11, v11;
	v19 =	vmul.f32 v19, v19  }
0x11c: {  	v47 =	vmul.f32 v22, v22;
	v36 =	vadd.f32 v62, v21;
	v21 =	vadd.f32 $9.999999970e-07, v37  }
0x11d: {  	v8 =	vmul.f32 v8, v8;
	v54 =	vadd.f32 $9.999999970e-07, v28;
	v11 =	vadd.f32 v19, v11  }
0x11e: {  	v46 =	vmul.f32 v21, v21;
	v19 =	vadd.f32 $9.999999970e-07, v51;
	v55 =	vsub.f32 v48, v49  }
0x11f: {  	v14 =	vmul.f32 v14, v14;
	v7 =	vadd.f32 v8, v7;
	v21 =	vadd.f32 $9.999999970e-07, v53  }
0x120: {  	v8 =	vadd.f32 v47, v46;
	v19 =	vmul.f32 v19, v19;
	v13 =	vadd.f32 $9.999999970e-07, v55  }
0x121: {  	v20 =	vadd.f32 v20, v23;
	v56 =	vmul.f32 v54, v54;
	v57 =	vmul.f32 v21, v21  }
0x122: {  	v11 =	vadd.f32 v14, v11;
	v8 =	vadd.f32 v19, v8;
	v13 =	vmul.f32 v13, v13  }
0x123: {  	vm15 =	vcmask $0x233C;
	v7 =	vadd.f32 v9, v7;
	v12 =	vadd.f32 v56, v36  }
0x124: {  	v58 =	vperm.xlane v17, v2;
	v8 =	vadd.f32 v57, v8;
	v11 =	vadd.f32 v13, v11  }
0x125: {  	vm4 =	vcmask $0x273C;
	v59 =	vperm.xlane v18, v2;
	v7 =	vadd.f32 v7, v12  }
0x126: {  	v61 =	vperm.xlane v20, v2;
	v9 =	vadd.f32 v17, v58;
	v8 =	vadd.f32 v11, v8  }
0x127: {  	vm5 =	vcmask $0x2B3C;
	v13 =	vadd.f32 v18, v59;
	v63 =	vperm.xlane v7, v2  }
0x128: {  	v14 =	vadd.f32 v20, v61;
	v62 =	vperm.xlane v9, v3;
	v20 =	vperm.xlane v8, v2  }
0x129: {  	v6 =	vsel vm14, v6, v15;
	v21 =	vperm.xlane v13, v3;
	v7 =	vadd.f32 v7, v63  }
0x12a: {  	v23 =	vperm.xlane v14, v3;
	v9 =	vadd.f32 v9, v62;
	v8 =	vadd.f32 v8, v20  }
0x12b: {  	v60 =	vperm.xlane v16, v4;
	v11 =	vadd.f32 v13, v21;
	v25 =	vperm.xlane v7, v3  }
0x12c: {  	v14 =	vadd.f32 v14, v23;
	v24 =	vperm.xlane v9, v4;
	v26 =	vperm.xlane v8, v3  }
0x12d: {  	v12 =	vadd.f32 v16, v60;
	v27 =	vperm.xlane v11, v4;
	v7 =	vadd.f32 v7, v25  }
0x12e: {  	v28 =	vperm.xlane v14, v4;
	v9 =	vadd.f32 v9, v24;
	v8 =	vadd.f32 v8, v26  }
0x12f: {  	v22 =	vperm.xlane v12, v5;
	v11 =	vadd.f32 v11, v27;
	v30 =	vperm.xlane v7, v4  }
0x130: {  	v31 =	vadd.f32 v14, v28;
	v29 =	vperm.xlane v9, v5;
	v32 =	vperm.xlane v8, v4  }
0x131: {  	v12 =	vadd.f32 v12, v22;
	v7 =	vadd.f32 v7, v30;
	v33 =	vperm.xlane v11, v5  }
0x132: {  	v34 =	vperm.xlane v31, v5;
	v9 =	vadd.f32 v9, v29;
	v8 =	vadd.f32 v8, v32  }
0x133: {  	v6 =	vsel vm15, v6, v12;
	v35 =	vadd.f32 v11, v33;
	v36 =	vperm.xlane v7, v5  }
0x134: {  	v12 =	vadd.f32 v31, v34;
	v6 =	vsel vm4, v6, v9;
	v37 =	vperm.xlane v8, v5  }
0x135: {  	vm6 =	vcmask $0x2F3C;
	v6 =	vsel vm5, v6, v35;
	v7 =	vadd.f32 v7, v36  }
0x136: {  	vm7 =	vcmask $0x333C;
	v6 =	vsel vm6, v6, v12;
	v8 =	vadd.f32 v8, v37  }
0x137: {  	vm8 =	vcmask $0x373C;
	v6 =	vsel vm7, v6, v7  }
0x138: {  	v6 =	vsel vm8, v6, v8  }
0x139: {  	v38 =	vadd.f32 $1.000000000e+00, v6;
	_ =	sdelay $0x1  }
0x13a: {  	v7 =	vmul.f32 $5.000000000e-01, v38;
	_ =	sdelay $0x1  }
0x13b: {  	(erf) = vrcp.f32 v7;
	_ =	sdelay $0x8  }
0x13c: {  	v39 =	vpop (erf)  }
0x13d: {  	v8 =	vmul.f32 v39, v6;
	_ =	sdelay $0x1  }
0x13e: {  	v7 =	vadd.f32 v8, v7;
	_ =	sdelay $0x1  }
0x13f: {  	v7 =	vmul.f32 $5.000000000e-01, v7;
	_ =	sdelay $0x1  }
0x140: {  	(erf) = vrcp.f32 v7;
	_ =	sdelay $0x8  }
0x141: {  	v40 =	vpop (erf)  }
0x142: {  	v8 =	vmul.f32 v40, v6;
	_ =	sdelay $0x1  }
0x143: {  	v7 =	vadd.f32 v8, v7;
	_ =	sdelay $0x1  }
0x144: {  	v7 =	vmul.f32 $5.000000000e-01, v7;
	_ =	sdelay $0x1  }
0x145: {  	(erf) = vrcp.f32 v7;
	_ =	sdelay $0x8  }
0x146: {  	v41 =	vpop (erf)  }
0x147: {  	v8 =	vmul.f32 v41, v6;
	_ =	sdelay $0x1  }
0x148: {  	v7 =	vadd.f32 v8, v7;
	_ =	sdelay $0x1  }
0x149: {  	v7 =	vmul.f32 $5.000000000e-01, v7;
	_ =	sdelay $0x1  }
0x14a: {  	(erf) = vrcp.f32 v7;
	_ =	sdelay $0x8  }
0x14b: {  	v42 =	vpop (erf)  }
0x14c: {  	v8 =	vmul.f32 v42, v6;
	_ =	sdelay $0x1  }
0x14d: {  	v7 =	vadd.f32 v8, v7;
	_ =	sdelay $0x1  }
0x14e: {  	v7 =	vmul.f32 $5.000000000e-01, v7;
	_ =	sdelay $0x1  }
0x14f: {  	(erf) = vrcp.f32 v7;
	_ =	sdelay $0x8  }
0x150: {  	v43 =	vpop (erf)  }
0x151: {  	v8 =	vmul.f32 v43, v6;
	_ =	sdelay $0x1  }
0x152: {  	v7 =	vadd.f32 v8, v7;
	_ =	sdelay $0x1  }
0x153: {  	v7 =	vmul.f32 $5.000000000e-01, v7;
	_ =	sdelay $0x1  }
0x154: {  	(erf) = vrcp.f32 v7;
	_ =	sdelay $0x8  }
0x155: {  	v44 =	vpop (erf)  }
0x156: {  	v8 =	vmul.f32 v44, v6;
	_ =	sdelay $0x1  }
0x157: {  	v7 =	vadd.f32 v8, v7;
	_ =	sdelay $0x1  }
0x158: {  	v7 =	vmul.f32 $5.000000000e-01, v7;
	_ =	sdelay $0x1  }
0x159: {  	(erf) = vrcp.f32 v7;
	_ =	sdelay $0x8  }
0x15a: {  	v45 =	vpop (erf)  }
0x15b: {  	v8 =	vmul.f32 v45, v6;
	_ =	sdelay $0x1  }
0x15c: {  	v7 =	vadd.f32 v8, v7;
	_ =	sdelay $0x1  }
0x15d: {  	v7 =	vmul.f32 $5.000000000e-01, v7;
	_ =	sdelay $0x1  }
0x15e: {  	(erf) = vrcp.f32 v7;
	_ =	sdelay $0x8  }
0x15f: {  	v46 =	vpop (erf)  }
0x160: {  	v8 =	vmul.f32 v46, v6;
	_ =	sdelay $0x1  }
0x161: {  	v7 =	vadd.f32 v8, v7;
	_ =	sdelay $0x1  }
0x162: {  	v7 =	vmul.f32 $5.000000000e-01, v7;
	_ =	sdelay $0x1  }
0x163: {  	(erf) = vrcp.f32 v7;
	_ =	sdelay $0x8  }
0x164: {  	v47 =	vpop (erf)  }
0x165: {  	v8 =	vmul.f32 v47, v6;
	_ =	sdelay $0x1  }
0x166: {  	v7 =	vadd.f32 v8, v7;
	_ =	sdelay $0x1  }
0x167: {  	v7 =	vmul.f32 $5.000000000e-01, v7;
	_ =	sdelay $0x1  }
0x168: {  	(erf) = vrcp.f32 v7;
	_ =	sdelay $0x8  }
0x169: {  	v48 =	vpop (erf)  }
0x16a: {  	v8 =	vmul.f32 v48, v6;
	_ =	sdelay $0x1  }
0x16b: {  	v7 =	vadd.f32 v8, v7;
	_ =	sdelay $0x1  }
0x16c: {  	v7 =	vmul.f32 $5.000000000e-01, v7;
	_ =	sdelay $0x1  }
0x16d: {  	(erf) = vrcp.f32 v7;
	_ =	sdelay $0x8  }
0x16e: {  	v49 =	vpop (erf)  }
0x16f: {  	v8 =	vmul.f32 v49, v6;
	_ =	sdelay $0x1  }
0x170: {  	v7 =	vadd.f32 v8, v7;
	_ =	sdelay $0x1  }
0x171: {  	v7 =	vmul.f32 $5.000000000e-01, v7;
	_ =	sdelay $0x1  }
0x172: {  	(erf) = vrcp.f32 v7  }
0x173: {  	v50 =	vimm.s32 $0x0  }
0x174: {  	v52 =	vperm.xlane v0, v50;
	_ =	sdelay $0x1  }
0x175: {  	v1 =	vperm.xlane v1, v50;
	vm9 =	veq.s32 v52, v10;
	v51 =	vimm.s32 $0x1  }
0x176: {  	v53 =	vimm.s32 $0x2;
	v54 =	vimm.s32 $0x3;
	v9 =	vperm.xlane v0, v51  }
0x177: {  	v55 =	vperm.xlane v0, v54;
	v56 =	vimm.s32 $0x4;
	v12 =	vperm.xlane v0, v53  }
0x178: {  	v58 =	vimm.s32 $0x5;
	v57 =	vperm.xlane v0, v56;
	vm2 =	veq.s32 v9, v10  }
0x179: {  	vm11 =	veq.s32 v55, v10;
	vm1 =	vmor vm9, vm2;
	vm10 =	veq.s32 v12, v10  }
0x17a: {  	v59 =	vimm.s32 $0x6;
	vm12 =	veq.s32 v57, v10;
	vm1 =	vmor vm1, vm10;
	v60 =	vpop (erf)  }
0x17b: {  	vm1 =	vmor vm1, vm11;
	v8 =	vperm.xlane v0, v58;
	v6 =	vmul.f32 v60, v6  }
0x17c: {  	v61 =	vimm.s32 $0x7;
	v9 =	vperm.xlane v0, v59;
	vm1 =	vmor vm1, vm12  }
0x17d: {  	v0 =	vperm.xlane v0, v61;
	vm13 =	veq.s32 v8, v10;
	v6 =	vadd.f32 v6, v7  }
0x17e: {  	v62 =	vadd.f32 $2.000000000e+00, v1;
	vm14 =	veq.s32 v9, v10;
	vm1 =	vmor vm1, vm13  }
0x17f: {  	vm15 =	veq.s32 v0, v10;
	vm1 =	vmor vm1, vm14;
	v63 =	vmul.f32 $5.000000000e-01, v6  }
0x180: {  	vm1 =	vmor vm1, vm15  }
0x181: {  	v0 =	vnsel vm1, $0x3F800000, v62;
	v1 =	vsel vm0, $0x0, v63  }
0x182: {  	v0 =	vmul.f32 v1, v0;
	_ =	sdelay $0x1  }
0x183: {  	v1 =	vperm.xlane v0, v2;
	_ =	sdelay $0x1  }
0x184: {  	v0 =	vadd.f32 v0, v1;
	_ =	sdelay $0x1  }
0x185: {  	v1 =	vperm.xlane v0, v3;
	_ =	sdelay $0x1  }
0x186: {  	v0 =	vadd.f32 v0, v1;
	_ =	sdelay $0x1  }
0x187: {  	v1 =	vperm.xlane v0, v4;
	_ =	sdelay $0x1  }
0x188: {  	v0 =	vadd.f32 v0, v1;
	_ =	sdelay $0x1  }
0x189: {  	v1 =	vperm.xlane v0, v5;
	_ =	sdelay $0x1  }
0x18a: {  	v0 =	vadd.f32 v0, v1;
	_ =	sdelay $0x1  }
0x18b: {  	s30 =	simm.s32 $0x1180;
	s31 =	simm.s32 $0x5;
	[tilespmem:$0x1180] =	vst v0  }
0x18c: {  	[hbm4b:s1+s2] =	stream.linear.scatter [tilespmem:s30], [sflag:$0x5], $0x1, $0x38;
	[tilespmem:$0x1200] =	vst v63  }
0x18d: {  	_ =	swait.ge [sflag:s31], $0x1  }
0x18e: {  	[sflag:s31] =	ssyncset.done $0x0  }
0x18f: {  	[sflag:s31] =	ssyncadd.s32 $0xFFFFFFFF  }
0x190: {  	_ =	sfence.sel $0x180000  }
0x191: {  	[bflag:$0x0] =	sbarrier.arrive $0xFFFF  }
0x192: {  	_ =	strace $0x90000047  }
0x193: {  	s0 =	sadd.s32 $0x100000, s0;
	[bflag:$0x2] =	sbarrier.arrive $0xFFFF  }
0x194: {  	[sflag:s0] =	ssyncadd.tile.s32 $0x1;
	_ =	shalt  }
.Lfunc_end2:
_tile_overlayer_lowered:
.L_overlay_start_2:
0x195: {  	(tag) =	ssettag $0x2  }
0x196: {  	s0 =	rddreg [dreg:$0x0];
	s2 =	stileid.u32  }
0x197: {  	s1 =	rddreg [dreg:$0x1];
	p0 =	sne.s32 s2, $0x0  }
0x198: {  	s3 =	rddreg [dreg:$0x2];
	[bflag:$0x3] =	sbarrier.arrive $0xFFFF;
	s2 =	simm.s32 @!p0 $0x1C05  }
0x199: {  	[timem:s3], [sflag:s2] =	dma.local @!p0 [hbm:s0], s1  }
0x19a: {  	s0 =	simm.s32 @!p0 $0x5  }
0x19b: {  	_ =	swait.ge @!p0 [sflag:s0], s1  }
0x19c: {  	s1 =	ssub.s32 @!p0 $0x0, s1;
	[sflag:s0] =	ssyncset.done @!p0 $0x0  }
0x19d: {  	[sflag:s0] =	ssyncadd.s32 @!p0 s1  }
0x19e: {  	[bflag:$0x3] =	sbarrier.arrive $0xFFFF  }
0x19f: {  	_ =	shalt  }

</sc_bundles>
